<compile_context>
chip_gen: v7x
topology: tpu7x:2x2x1
jax: 0.10.2.dev20260603
libtpu: 0.0.44.dev20260713+nightly
codegen_flags: <defaults>
</compile_context>

<pallas_src>
import math

import jax
import jax.numpy as jnp
from jax import lax
from jax.experimental import pallas as pl
from jax.experimental.pallas import tpu as pltpu
from jax.experimental.pallas import tpu_sc as plsc

VOCAB_SIZE = 1000000
EMBED_DIM = 64
SCALE = math.sqrt(EMBED_DIM)

NC = 2
NS = 16
NW = NC * NS
BTILE = 128
NBUF = 5
LANES = 16
GWORDS = BTILE * EMBED_DIM


def _make_sc_lookup(seq: int, batch: int):
    assert batch == NW * BTILE
    n_groups = seq
    assert n_groups % NBUF == 0
    n_super = n_groups // NBUF
    mesh = plsc.VectorSubcoreMesh(core_axis_name="c", subcore_axis_name="s")

    def body(table_hbm, idx_hbm, out_hbm, idx_v, *bufs_and_sems):
        rows = bufs_and_sems[:NBUF]
        tbuf = bufs_and_sems[NBUF:2 * NBUF]
        g_sems = bufs_and_sems[2 * NBUF:3 * NBUF]
        s_sems = bufs_and_sems[3 * NBUF:4 * NBUF]

        wid = lax.axis_index("s") * NC + lax.axis_index("c")
        pltpu.sync_copy(idx_hbm.at[wid], idx_v)

        def gather(g, b):
            pltpu.async_copy(table_hbm.at[idx_v.at[g]], rows[b], g_sems[b])

        def wait_gather(g, b):
            pltpu.make_async_copy(table_hbm.at[idx_v.at[g]], rows[b],
                                  g_sems[b]).wait()

        def store(g, b):
            for dt in range(8):
                base = ((g * 8 + dt) * NW + wid) * 1024
                pltpu.async_copy(tbuf[b].at[pl.ds(dt * 1024, 1024)],
                                 out_hbm.at[pl.ds(base, 1024)], s_sems[b])

        def wait_store(b):
            pltpu.make_async_copy(tbuf[b],
                                  out_hbm.at[pl.ds(wid * GWORDS, GWORDS)],
                                  s_sems[b]).wait()

        iota = lax.iota(jnp.int32, LANES)
        nk = EMBED_DIM // LANES

        def transpose_scale(b):
            src, dst = rows[b], tbuf[b]

            def r_body(r, _):
                rot = lax.bitwise_and(iota + r, LANES - 1)
                colb = [rot + k * LANES for k in range(nk)]
                sbase = [c * BTILE for c in colb]

                def j_body(jh, _2):
                    rowv = iota + jh * LANES
                    vals = [plsc.load_gather(src, [rowv, colb[k]]) * SCALE
                            for k in range(nk)]
                    for k in range(nk):
                        plsc.store_scatter(dst, [sbase[k] + rowv], vals[k])
                    return 0

                lax.fori_loop(0, BTILE // LANES, j_body, 0)
                return 0

            lax.fori_loop(0, LANES, r_body, 0)

        for b in range(NBUF):
            gather(b, b)

        def super_body(s, _):
            g0 = s * NBUF
            for b in range(NBUF):
                wait_gather(g0 + b, b)
                transpose_scale(b)
                store(g0 + b, b)
            for b in range(NBUF):
                wait_store(b)
                gather(g0 + NBUF + b, b)
            return 0

        lax.fori_loop(0, n_super - 1, super_body, 0)

        g0 = (n_super - 1) * NBUF
        for b in range(NBUF):
            wait_gather(g0 + b, b)
            transpose_scale(b)
            store(g0 + b, b)
        for b in range(NBUF):
            wait_store(b)

    return pl.kernel(
        body,
        out_type=jax.ShapeDtypeStruct((seq * EMBED_DIM * batch,),
                                      jnp.float32),
        mesh=mesh,
        compiler_params=pltpu.CompilerParams(use_tc_tiling_on_sc=False,
                                             needs_layout_passes=False),
        scratch_types=(
            [pltpu.VMEM((n_groups, BTILE), jnp.int32)]
            + [pltpu.VMEM((BTILE, EMBED_DIM), jnp.float32)
               for _ in range(NBUF)]
            + [pltpu.VMEM((GWORDS,), jnp.float32)
               for _ in range(NBUF)]
            + [pltpu.SemaphoreType.DMA for _ in range(2 * NBUF)]
        ),
    )


@jax.jit
def kernel(x, table):
    batch, seq = x.shape
    idx = x.T.reshape(seq, NW, BTILE).swapaxes(0, 1).astype(jnp.int32)
    flat = _make_sc_lookup(seq, batch)(table, idx)
    out5 = flat.reshape(seq, EMBED_DIM // 8, NW, 8, BTILE)
    return out5.transpose(2, 4, 0, 1, 3).reshape(batch, seq, EMBED_DIM)

# --- scband reference (transcript-rebuilt; emitter-appended) ---
"""Pipeline reference for scband-token-embedding-2723009265696 (READ-ONLY COPY).

The authoritative reference and input builder live on the scoring server;
editing this copy changes nothing except your own understanding.
"""

import jax, jax.numpy as jnp
import numpy as np
import math

VOCAB_SIZE = 1000000
EMBED_DIM = 64
BATCH = 4096
SEQ_LEN = 200


def setup_inputs(seed: int = 0) -> dict:
    key = jax.random.key(seed)
    k_idx, k_tab = jax.random.split(key)
    x = jax.random.randint(k_idx, (BATCH, SEQ_LEN), 0, VOCAB_SIZE, dtype=jnp.int64 if jax.config.jax_enable_x64 else jnp.int32)
    # nn.Embedding default init: N(0, 1)
    table = jax.random.normal(k_tab, (VOCAB_SIZE, EMBED_DIM), dtype=jnp.float32)
    return {"x": x, "table": table}


def reference(x, table):
    # embedding lookup (gather) scaled by sqrt(embed_dim)
    emb = jnp.take(table, x, axis=0)
    return emb * math.sqrt(EMBED_DIM)

if __name__ == "__main__":
    import jax
    _d = setup_inputs()
    print(jax.jit(kernel)(*tuple(_d.values())))

</pallas_src>

<mosaic_0001>
#map = affine_map<(d0, d1) -> (0, 0)>
#map1 = affine_map<(d0, d1) -> (0, 0, 0)>
#map2 = affine_map<(d0, d1) -> (0)>
module attributes {stable_mosaic.version = 14 : i64} {
  func.func @body(%arg0: i32, %arg1: i32, %arg2: memref<1000000x64xf32, #tpu.memory_space<hbm>>, %arg3: memref<32x200x128xi32, #tpu.memory_space<hbm>>, %arg4: memref<52428800xf32, #tpu.memory_space<hbm>>, %arg5: memref<200x128xi32, #tpu.memory_space<vmem>>, %arg6: memref<128x64xf32, #tpu.memory_space<vmem>>, %arg7: memref<128x64xf32, #tpu.memory_space<vmem>>, %arg8: memref<128x64xf32, #tpu.memory_space<vmem>>, %arg9: memref<128x64xf32, #tpu.memory_space<vmem>>, %arg10: memref<128x64xf32, #tpu.memory_space<vmem>>, %arg11: memref<8192xf32, #tpu.memory_space<vmem>>, %arg12: memref<8192xf32, #tpu.memory_space<vmem>>, %arg13: memref<8192xf32, #tpu.memory_space<vmem>>, %arg14: memref<8192xf32, #tpu.memory_space<vmem>>, %arg15: memref<8192xf32, #tpu.memory_space<vmem>>, %arg16: memref<!tpu.dma_semaphore, #tpu.memory_space<semaphore_mem>>, %arg17: memref<!tpu.dma_semaphore, #tpu.memory_space<semaphore_mem>>, %arg18: memref<!tpu.dma_semaphore, #tpu.memory_space<semaphore_mem>>, %arg19: memref<!tpu.dma_semaphore, #tpu.memory_space<semaphore_mem>>, %arg20: memref<!tpu.dma_semaphore, #tpu.memory_space<semaphore_mem>>, %arg21: memref<!tpu.dma_semaphore, #tpu.memory_space<semaphore_mem>>, %arg22: memref<!tpu.dma_semaphore, #tpu.memory_space<semaphore_mem>>, %arg23: memref<!tpu.dma_semaphore, #tpu.memory_space<semaphore_mem>>, %arg24: memref<!tpu.dma_semaphore, #tpu.memory_space<semaphore_mem>>, %arg25: memref<!tpu.dma_semaphore, #tpu.memory_space<semaphore_mem>>) attributes {dimension_semantics = [#tpu.dimension_semantics<core_parallel>, #tpu.dimension_semantics<subcore_parallel>], iteration_bounds = array<i64: 2, 16>, scalar_prefetch = 0 : i64, scratch_operands = 21 : i64, tpu.core_type = #tpu.core_type<sc_vector_subcore>, window_params = [{transform_indices = #map}, {transform_indices = #map1}, {transform_indices = #map2}]} {
    %mul3A = arith.constant 2 : i32
    %mul3A_0 = arith.muli %arg1, %mul3A : i32
    %add3A = arith.addi %mul3A_0, %arg0 : i32
    "tpu.region"() ({
      %run_scoped3A = tpu.sem_alloc : memref<!tpu.dma_semaphore, #tpu.memory_space<semaphore_mem>>
      %dma_start3A_530 = arith.constant 0 : i32
      %dma_start3A_531 = arith.constant 0 : i32
      %dma_start3A_532 = tpu.memref_slice %arg3[%add3A, %dma_start3A_530, %dma_start3A_531] : memref<32x200x128xi32, #tpu.memory_space<hbm>> -> memref<1x200x128xi32, #tpu.memory_space<hbm>>
      %dma_start3A_533 = tpu.memref_squeeze %dma_start3A_532 : memref<1x200x128xi32, #tpu.memory_space<hbm>> -> memref<200x128xi32, #tpu.memory_space<hbm>>
      %dma_start3A_534 = arith.constant 0 : i32
      %dma_start3A_535 = arith.constant 0 : i32
      %dma_start3A_536 = tpu.memref_slice %arg3[%add3A, %dma_start3A_534, %dma_start3A_535] : memref<32x200x128xi32, #tpu.memory_space<hbm>> -> memref<1x200x128xi32, #tpu.memory_space<hbm>>
      %dma_start3A_537 = tpu.memref_squeeze %dma_start3A_536 : memref<1x200x128xi32, #tpu.memory_space<hbm>> -> memref<200x128xi32, #tpu.memory_space<hbm>>
      tpu.enqueue_dma source(%dma_start3A_537 : memref<200x128xi32, #tpu.memory_space<hbm>>) target(%arg5 : memref<200x128xi32, #tpu.memory_space<vmem>>) target_semaphore(%run_scoped3A : memref<!tpu.dma_semaphore, #tpu.memory_space<semaphore_mem>>)
      %dma_wait3A_538 = arith.constant 0 : i32
      %dma_wait3A_539 = arith.constant 0 : i32
      %dma_wait3A_540 = tpu.memref_slice %arg3[%add3A, %dma_wait3A_538, %dma_wait3A_539] : memref<32x200x128xi32, #tpu.memory_space<hbm>> -> memref<1x200x128xi32, #tpu.memory_space<hbm>>
      %dma_wait3A_541 = tpu.memref_squeeze %dma_wait3A_540 : memref<1x200x128xi32, #tpu.memory_space<hbm>> -> memref<200x128xi32, #tpu.memory_space<hbm>>
      %dma_wait3A_542 = arith.constant 0 : i32
      %dma_wait3A_543 = arith.constant 0 : i32
      %dma_wait3A_544 = tpu.memref_slice %arg3[%add3A, %dma_wait3A_542, %dma_wait3A_543] : memref<32x200x128xi32, #tpu.memory_space<hbm>> -> memref<1x200x128xi32, #tpu.memory_space<hbm>>
      %dma_wait3A_545 = tpu.memref_squeeze %dma_wait3A_544 : memref<1x200x128xi32, #tpu.memory_space<hbm>> -> memref<200x128xi32, #tpu.memory_space<hbm>>
      tpu.wait_dma2 semaphore(%run_scoped3A : memref<!tpu.dma_semaphore, #tpu.memory_space<semaphore_mem>>) src(%dma_wait3A_545 : memref<200x128xi32, #tpu.memory_space<hbm>>) dst(%arg5 : memref<200x128xi32, #tpu.memory_space<vmem>>)
      tpu.yield
    }) : () -> ()
    %iota3A = tpu.iota {dimensions = array<i32: 0>} : vector<16xi32>
    %dma_start3A = arith.constant 0 : i32
    %dma_start3A_1 = arith.constant 0 : i32
    %dma_start3A_2 = tpu.memref_slice %arg5[%dma_start3A, %dma_start3A_1] : memref<200x128xi32, #tpu.memory_space<vmem>> -> memref<1x128xi32, #tpu.memory_space<vmem>>
    %dma_start3A_3 = tpu.memref_squeeze %dma_start3A_2 : memref<1x128xi32, #tpu.memory_space<vmem>> -> memref<128xi32, #tpu.memory_space<vmem>>
    %dma_start3A_4 = arith.constant 0 : i32
    %dma_start3A_5 = arith.constant 0 : i32
    %dma_start3A_6 = tpu.memref_slice %arg2[%dma_start3A_4, %dma_start3A_5] : memref<1000000x64xf32, #tpu.memory_space<hbm>> -> memref<1000000x64xf32, #tpu.memory_space<hbm>>
    tpu.enqueue_indirect_dma source(%dma_start3A_6 : memref<1000000x64xf32, #tpu.memory_space<hbm>>) target(%arg6 : memref<128x64xf32, #tpu.memory_space<vmem>>) offsets(%dma_start3A_3 : memref<128xi32, #tpu.memory_space<vmem>>) semaphore(%arg16 : memref<!tpu.dma_semaphore, #tpu.memory_space<semaphore_mem>>)
    %dma_start3A_7 = arith.constant 1 : i32
    %dma_start3A_8 = arith.constant 0 : i32
    %dma_start3A_9 = tpu.memref_slice %arg5[%dma_start3A_7, %dma_start3A_8] : memref<200x128xi32, #tpu.memory_space<vmem>> -> memref<1x128xi32, #tpu.memory_space<vmem>>
    %dma_start3A_10 = tpu.memref_squeeze %dma_start3A_9 : memref<1x128xi32, #tpu.memory_space<vmem>> -> memref<128xi32, #tpu.memory_space<vmem>>
    %dma_start3A_11 = arith.constant 0 : i32
    %dma_start3A_12 = arith.constant 0 : i32
    %dma_start3A_13 = tpu.memref_slice %arg2[%dma_start3A_11, %dma_start3A_12] : memref<1000000x64xf32, #tpu.memory_space<hbm>> -> memref<1000000x64xf32, #tpu.memory_space<hbm>>
    tpu.enqueue_indirect_dma source(%dma_start3A_13 : memref<1000000x64xf32, #tpu.memory_space<hbm>>) target(%arg7 : memref<128x64xf32, #tpu.memory_space<vmem>>) offsets(%dma_start3A_10 : memref<128xi32, #tpu.memory_space<vmem>>) semaphore(%arg17 : memref<!tpu.dma_semaphore, #tpu.memory_space<semaphore_mem>>)
    %dma_start3A_14 = arith.constant 2 : i32
    %dma_start3A_15 = arith.constant 0 : i32
    %dma_start3A_16 = tpu.memref_slice %arg5[%dma_start3A_14, %dma_start3A_15] : memref<200x128xi32, #tpu.memory_space<vmem>> -> memref<1x128xi32, #tpu.memory_space<vmem>>
    %dma_start3A_17 = tpu.memref_squeeze %dma_start3A_16 : memref<1x128xi32, #tpu.memory_space<vmem>> -> memref<128xi32, #tpu.memory_space<vmem>>
    %dma_start3A_18 = arith.constant 0 : i32
    %dma_start3A_19 = arith.constant 0 : i32
    %dma_start3A_20 = tpu.memref_slice %arg2[%dma_start3A_18, %dma_start3A_19] : memref<1000000x64xf32, #tpu.memory_space<hbm>> -> memref<1000000x64xf32, #tpu.memory_space<hbm>>
    tpu.enqueue_indirect_dma source(%dma_start3A_20 : memref<1000000x64xf32, #tpu.memory_space<hbm>>) target(%arg8 : memref<128x64xf32, #tpu.memory_space<vmem>>) offsets(%dma_start3A_17 : memref<128xi32, #tpu.memory_space<vmem>>) semaphore(%arg18 : memref<!tpu.dma_semaphore, #tpu.memory_space<semaphore_mem>>)
    %dma_start3A_21 = arith.constant 3 : i32
    %dma_start3A_22 = arith.constant 0 : i32
    %dma_start3A_23 = tpu.memref_slice %arg5[%dma_start3A_21, %dma_start3A_22] : memref<200x128xi32, #tpu.memory_space<vmem>> -> memref<1x128xi32, #tpu.memory_space<vmem>>
    %dma_start3A_24 = tpu.memref_squeeze %dma_start3A_23 : memref<1x128xi32, #tpu.memory_space<vmem>> -> memref<128xi32, #tpu.memory_space<vmem>>
    %dma_start3A_25 = arith.constant 0 : i32
    %dma_start3A_26 = arith.constant 0 : i32
    %dma_start3A_27 = tpu.memref_slice %arg2[%dma_start3A_25, %dma_start3A_26] : memref<1000000x64xf32, #tpu.memory_space<hbm>> -> memref<1000000x64xf32, #tpu.memory_space<hbm>>
    tpu.enqueue_indirect_dma source(%dma_start3A_27 : memref<1000000x64xf32, #tpu.memory_space<hbm>>) target(%arg9 : memref<128x64xf32, #tpu.memory_space<vmem>>) offsets(%dma_start3A_24 : memref<128xi32, #tpu.memory_space<vmem>>) semaphore(%arg19 : memref<!tpu.dma_semaphore, #tpu.memory_space<semaphore_mem>>)
    %dma_start3A_28 = arith.constant 4 : i32
    %dma_start3A_29 = arith.constant 0 : i32
    %dma_start3A_30 = tpu.memref_slice %arg5[%dma_start3A_28, %dma_start3A_29] : memref<200x128xi32, #tpu.memory_space<vmem>> -> memref<1x128xi32, #tpu.memory_space<vmem>>
    %dma_start3A_31 = tpu.memref_squeeze %dma_start3A_30 : memref<1x128xi32, #tpu.memory_space<vmem>> -> memref<128xi32, #tpu.memory_space<vmem>>
    %dma_start3A_32 = arith.constant 0 : i32
    %dma_start3A_33 = arith.constant 0 : i32
    %dma_start3A_34 = tpu.memref_slice %arg2[%dma_start3A_32, %dma_start3A_33] : memref<1000000x64xf32, #tpu.memory_space<hbm>> -> memref<1000000x64xf32, #tpu.memory_space<hbm>>
    tpu.enqueue_indirect_dma source(%dma_start3A_34 : memref<1000000x64xf32, #tpu.memory_space<hbm>>) target(%arg10 : memref<128x64xf32, #tpu.memory_space<vmem>>) offsets(%dma_start3A_31 : memref<128xi32, #tpu.memory_space<vmem>>) semaphore(%arg20 : memref<!tpu.dma_semaphore, #tpu.memory_space<semaphore_mem>>)
    %scan3A = arith.constant 0 : i32
    %scan3A_35 = arith.constant 0 : i32
    %scan3A_36 = arith.constant 39 : i32
    %scan3A_37 = arith.addi %scan3A_35, %scan3A_36 : i32
    %scan3A_38 = arith.constant 1 : i32
    %scan3A_39 = scf.for %scan3A_530 = %scan3A_35 to %scan3A_37 step %scan3A_38 iter_args(%scan3A_531 = %scan3A) -> (i32)  : i32 {
      %mul3A_532 = arith.constant 5 : i32
      %mul3A_533 = arith.muli %scan3A_530, %mul3A_532 : i32
      %add3A_534 = arith.constant 0 : i32
      %add3A_535 = arith.addi %mul3A_533, %add3A_534 : i32
      %dma_wait3A_536 = arith.constant 0 : i32
      %dma_wait3A_537 = tpu.memref_slice %arg5[%add3A_535, %dma_wait3A_536] : memref<200x128xi32, #tpu.memory_space<vmem>> -> memref<1x128xi32, #tpu.memory_space<vmem>>
      %dma_wait3A_538 = tpu.memref_squeeze %dma_wait3A_537 : memref<1x128xi32, #tpu.memory_space<vmem>> -> memref<128xi32, #tpu.memory_space<vmem>>
      %dma_wait3A_539 = arith.constant 0 : i32
      %dma_wait3A_540 = arith.constant 0 : i32
      %dma_wait3A_541 = tpu.memref_slice %arg2[%dma_wait3A_539, %dma_wait3A_540] : memref<1000000x64xf32, #tpu.memory_space<hbm>> -> memref<1000000x64xf32, #tpu.memory_space<hbm>>
      tpu.wait_indirect_dma semaphore(%arg16 : memref<!tpu.dma_semaphore, #tpu.memory_space<semaphore_mem>>) src(%dma_wait3A_541 : memref<1000000x64xf32, #tpu.memory_space<hbm>>) dst(%arg6 : memref<128x64xf32, #tpu.memory_space<vmem>>)
      %scan3A_542 = arith.constant 0 : i32
      %scan3A_543 = arith.constant 0 : i32
      %scan3A_544 = arith.constant 16 : i32
      %scan3A_545 = arith.addi %scan3A_543, %scan3A_544 : i32
      %scan3A_546 = arith.constant 1 : i32
      %scan3A_547 = scf.for %scan3A_1290 = %scan3A_543 to %scan3A_545 step %scan3A_546 iter_args(%scan3A_1291 = %scan3A_542) -> (i32)  : i32 {
        %add3A_1292 = vector.broadcast %scan3A_1290 : i32 to vector<16xi32>
        %add3A_1293 = arith.addi %iota3A, %add3A_1292 : vector<16xi32>
        %and3A = arith.constant 15 : i32
        %and3A_1294 = vector.broadcast %and3A : i32 to vector<16xi32>
        %and3A_1295 = arith.andi %add3A_1293, %and3A_1294 : vector<16xi32>
        %add3A_1296 = arith.constant 0 : i32
        %add3A_1297 = vector.broadcast %add3A_1296 : i32 to vector<16xi32>
        %add3A_1298 = arith.addi %and3A_1295, %add3A_1297 : vector<16xi32>
        %add3A_1299 = arith.constant 16 : i32
        %add3A_1300 = vector.broadcast %add3A_1299 : i32 to vector<16xi32>
        %add3A_1301 = arith.addi %and3A_1295, %add3A_1300 : vector<16xi32>
        %add3A_1302 = arith.constant 32 : i32
        %add3A_1303 = vector.broadcast %add3A_1302 : i32 to vector<16xi32>
        %add3A_1304 = arith.addi %and3A_1295, %add3A_1303 : vector<16xi32>
        %add3A_1305 = arith.constant 48 : i32
        %add3A_1306 = vector.broadcast %add3A_1305 : i32 to vector<16xi32>
        %add3A_1307 = arith.addi %and3A_1295, %add3A_1306 : vector<16xi32>
        %mul3A_1308 = arith.constant 128 : i32
        %mul3A_1309 = vector.broadcast %mul3A_1308 : i32 to vector<16xi32>
        %mul3A_1310 = arith.muli %add3A_1298, %mul3A_1309 : vector<16xi32>
        %mul3A_1311 = arith.constant 128 : i32
        %mul3A_1312 = vector.broadcast %mul3A_1311 : i32 to vector<16xi32>
        %mul3A_1313 = arith.muli %add3A_1301, %mul3A_1312 : vector<16xi32>
        %mul3A_1314 = arith.constant 128 : i32
        %mul3A_1315 = vector.broadcast %mul3A_1314 : i32 to vector<16xi32>
        %mul3A_1316 = arith.muli %add3A_1304, %mul3A_1315 : vector<16xi32>
        %mul3A_1317 = arith.constant 128 : i32
        %mul3A_1318 = vector.broadcast %mul3A_1317 : i32 to vector<16xi32>
        %mul3A_1319 = arith.muli %add3A_1307, %mul3A_1318 : vector<16xi32>
        %scan3A_1320 = arith.constant 0 : i32
        %scan3A_1321 = arith.constant 0 : i32
        %scan3A_1322 = arith.constant 8 : i32
        %scan3A_1323 = arith.addi %scan3A_1321, %scan3A_1322 : i32
        %scan3A_1324 = arith.constant 1 : i32
        %scan3A_1325 = scf.for %scan3A_1328 = %scan3A_1321 to %scan3A_1323 step %scan3A_1324 iter_args(%scan3A_1329 = %scan3A_1320) -> (i32)  : i32 {
          %mul3A_1330 = arith.constant 16 : i32
          %mul3A_1331 = arith.muli %scan3A_1328, %mul3A_1330 : i32
          %add3A_1332 = vector.broadcast %mul3A_1331 : i32 to vector<16xi32>
          %add3A_1333 = arith.addi %iota3A, %add3A_1332 : vector<16xi32>
          %gather3A = tpu.vector_load_idx %arg6[%add3A_1333, %add3A_1298] : memref<128x64xf32, #tpu.memory_space<vmem>>[vector<16xi32>, vector<16xi32>], vector<16xf32>,
          %mul3A_1334 = arith.constant 8.000000e+00 : f32
          %mul3A_1335 = vector.broadcast %mul3A_1334 : f32 to vector<16xf32>
          %mul3A_1336 = arith.mulf %gather3A, %mul3A_1335 : vector<16xf32>
          %gather3A_1337 = tpu.vector_load_idx %arg6[%add3A_1333, %add3A_1301] : memref<128x64xf32, #tpu.memory_space<vmem>>[vector<16xi32>, vector<16xi32>], vector<16xf32>,
          %mul3A_1338 = arith.constant 8.000000e+00 : f32
          %mul3A_1339 = vector.broadcast %mul3A_1338 : f32 to vector<16xf32>
          %mul3A_1340 = arith.mulf %gather3A_1337, %mul3A_1339 : vector<16xf32>
          %gather3A_1341 = tpu.vector_load_idx %arg6[%add3A_1333, %add3A_1304] : memref<128x64xf32, #tpu.memory_space<vmem>>[vector<16xi32>, vector<16xi32>], vector<16xf32>,
          %mul3A_1342 = arith.constant 8.000000e+00 : f32
          %mul3A_1343 = vector.broadcast %mul3A_1342 : f32 to vector<16xf32>
          %mul3A_1344 = arith.mulf %gather3A_1341, %mul3A_1343 : vector<16xf32>
          %gather3A_1345 = tpu.vector_load_idx %arg6[%add3A_1333, %add3A_1307] : memref<128x64xf32, #tpu.memory_space<vmem>>[vector<16xi32>, vector<16xi32>], vector<16xf32>,
          %mul3A_1346 = arith.constant 8.000000e+00 : f32
          %mul3A_1347 = vector.broadcast %mul3A_1346 : f32 to vector<16xf32>
          %mul3A_1348 = arith.mulf %gather3A_1345, %mul3A_1347 : vector<16xf32>
          %add3A_1349 = arith.addi %mul3A_1310, %add3A_1333 : vector<16xi32>
          tpu.vector_store_idx %arg11[%add3A_1349], %mul3A_1336 : memref<8192xf32, #tpu.memory_space<vmem>>[vector<16xi32>], vector<16xf32>,
          %add3A_1350 = arith.addi %mul3A_1313, %add3A_1333 : vector<16xi32>
          tpu.vector_store_idx %arg11[%add3A_1350], %mul3A_1340 : memref<8192xf32, #tpu.memory_space<vmem>>[vector<16xi32>], vector<16xf32>,
          %add3A_1351 = arith.addi %mul3A_1316, %add3A_1333 : vector<16xi32>
          tpu.vector_store_idx %arg11[%add3A_1351], %mul3A_1344 : memref<8192xf32, #tpu.memory_space<vmem>>[vector<16xi32>], vector<16xf32>,
          %add3A_1352 = arith.addi %mul3A_1319, %add3A_1333 : vector<16xi32>
          tpu.vector_store_idx %arg11[%add3A_1352], %mul3A_1348 : memref<8192xf32, #tpu.memory_space<vmem>>[vector<16xi32>], vector<16xf32>,
          %scan3A_1353 = arith.constant 0 : i32
          scf.yield %scan3A_1353 : i32
        }
        %scan3A_1326 = arith.constant 8 : i32
        %scan3A_1327 = arith.constant 0 : i32
        scf.yield %scan3A_1327 : i32
      }
      %scan3A_548 = arith.constant 16 : i32
      %add3A_549 = arith.constant 0 : i32
      %add3A_550 = arith.addi %mul3A_533, %add3A_549 : i32
      %mul3A_551 = arith.constant 8 : i32
      %mul3A_552 = arith.muli %add3A_550, %mul3A_551 : i32
      %add3A_553 = arith.constant 0 : i32
      %add3A_554 = arith.addi %mul3A_552, %add3A_553 : i32
      %mul3A_555 = arith.constant 32 : i32
      %mul3A_556 = arith.muli %add3A_554, %mul3A_555 : i32
      %add3A_557 = arith.addi %mul3A_556, %add3A : i32
      %mul3A_558 = arith.constant 1024 : i32
      %mul3A_559 = arith.muli %add3A_557, %mul3A_558 : i32
      %dma_start3A_560 = arith.constant 0 : i32
      %dma_start3A_561 = tpu.memref_slice %arg11[%dma_start3A_560] : memref<8192xf32, #tpu.memory_space<vmem>> -> memref<1024xf32, #tpu.memory_space<vmem>>
      %dma_start3A_562 = tpu.memref_slice %arg4[%mul3A_559] : memref<52428800xf32, #tpu.memory_space<hbm>> -> memref<1024xf32, #tpu.memory_space<hbm>>
      %dma_start3A_563 = tpu.memref_slice %arg4[%mul3A_559] : memref<52428800xf32, #tpu.memory_space<hbm>> -> memref<1024xf32, #tpu.memory_space<hbm>>
      %dma_start3A_564 = arith.constant 0 : i32
      %dma_start3A_565 = tpu.memref_slice %arg11[%dma_start3A_564] : memref<8192xf32, #tpu.memory_space<vmem>> -> memref<1024xf32, #tpu.memory_space<vmem>>
      tpu.enqueue_dma source(%dma_start3A_565 : memref<1024xf32, #tpu.memory_space<vmem>>) target(%dma_start3A_563 : memref<1024xf32, #tpu.memory_space<hbm>>) target_semaphore(%arg21 : memref<!tpu.dma_semaphore, #tpu.memory_space<semaphore_mem>>)
      %mul3A_566 = arith.constant 8 : i32
      %mul3A_567 = arith.muli %add3A_550, %mul3A_566 : i32
      %add3A_568 = arith.constant 1 : i32
      %add3A_569 = arith.addi %mul3A_567, %add3A_568 : i32
      %mul3A_570 = arith.constant 32 : i32
      %mul3A_571 = arith.muli %add3A_569, %mul3A_570 : i32
      %add3A_572 = arith.addi %mul3A_571, %add3A : i32
      %mul3A_573 = arith.constant 1024 : i32
      %mul3A_574 = arith.muli %add3A_572, %mul3A_573 : i32
      %dma_start3A_575 = arith.constant 1024 : i32
      %dma_start3A_576 = tpu.memref_slice %arg11[%dma_start3A_575] : memref<8192xf32, #tpu.memory_space<vmem>> -> memref<1024xf32, #tpu.memory_space<vmem>>
      %dma_start3A_577 = tpu.memref_slice %arg4[%mul3A_574] : memref<52428800xf32, #tpu.memory_space<hbm>> -> memref<1024xf32, #tpu.memory_space<hbm>>
      %dma_start3A_578 = tpu.memref_slice %arg4[%mul3A_574] : memref<52428800xf32, #tpu.memory_space<hbm>> -> memref<1024xf32, #tpu.memory_space<hbm>>
      %dma_start3A_579 = arith.constant 1024 : i32
      %dma_start3A_580 = tpu.memref_slice %arg11[%dma_start3A_579] : memref<8192xf32, #tpu.memory_space<vmem>> -> memref<1024xf32, #tpu.memory_space<vmem>>
      tpu.enqueue_dma source(%dma_start3A_580 : memref<1024xf32, #tpu.memory_space<vmem>>) target(%dma_start3A_578 : memref<1024xf32, #tpu.memory_space<hbm>>) target_semaphore(%arg21 : memref<!tpu.dma_semaphore, #tpu.memory_space<semaphore_mem>>)
      %mul3A_581 = arith.constant 8 : i32
      %mul3A_582 = arith.muli %add3A_550, %mul3A_581 : i32
      %add3A_583 = arith.constant 2 : i32
      %add3A_584 = arith.addi %mul3A_582, %add3A_583 : i32
      %mul3A_585 = arith.constant 32 : i32
      %mul3A_586 = arith.muli %add3A_584, %mul3A_585 : i32
      %add3A_587 = arith.addi %mul3A_586, %add3A : i32
      %mul3A_588 = arith.constant 1024 : i32
      %mul3A_589 = arith.muli %add3A_587, %mul3A_588 : i32
      %dma_start3A_590 = arith.constant 2048 : i32
      %dma_start3A_591 = tpu.memref_slice %arg11[%dma_start3A_590] : memref<8192xf32, #tpu.memory_space<vmem>> -> memref<1024xf32, #tpu.memory_space<vmem>>
      %dma_start3A_592 = tpu.memref_slice %arg4[%mul3A_589] : memref<52428800xf32, #tpu.memory_space<hbm>> -> memref<1024xf32, #tpu.memory_space<hbm>>
      %dma_start3A_593 = tpu.memref_slice %arg4[%mul3A_589] : memref<52428800xf32, #tpu.memory_space<hbm>> -> memref<1024xf32, #tpu.memory_space<hbm>>
      %dma_start3A_594 = arith.constant 2048 : i32
      %dma_start3A_595 = tpu.memref_slice %arg11[%dma_start3A_594] : memref<8192xf32, #tpu.memory_space<vmem>> -> memref<1024xf32, #tpu.memory_space<vmem>>
      tpu.enqueue_dma source(%dma_start3A_595 : memref<1024xf32, #tpu.memory_space<vmem>>) target(%dma_start3A_593 : memref<1024xf32, #tpu.memory_space<hbm>>) target_semaphore(%arg21 : memref<!tpu.dma_semaphore, #tpu.memory_space<semaphore_mem>>)
      %mul3A_596 = arith.constant 8 : i32
      %mul3A_597 = arith.muli %add3A_550, %mul3A_596 : i32
      %add3A_598 = arith.constant 3 : i32
      %add3A_599 = arith.addi %mul3A_597, %add3A_598 : i32
      %mul3A_600 = arith.constant 32 : i32
      %mul3A_601 = arith.muli %add3A_599, %mul3A_600 : i32
      %add3A_602 = arith.addi %mul3A_601, %add3A : i32
      %mul3A_603 = arith.constant 1024 : i32
      %mul3A_604 = arith.muli %add3A_602, %mul3A_603 : i32
      %dma_start3A_605 = arith.constant 3072 : i32
      %dma_start3A_606 = tpu.memref_slice %arg11[%dma_start3A_605] : memref<8192xf32, #tpu.memory_space<vmem>> -> memref<1024xf32, #tpu.memory_space<vmem>>
      %dma_start3A_607 = tpu.memref_slice %arg4[%mul3A_604] : memref<52428800xf32, #tpu.memory_space<hbm>> -> memref<1024xf32, #tpu.memory_space<hbm>>
      %dma_start3A_608 = tpu.memref_slice %arg4[%mul3A_604] : memref<52428800xf32, #tpu.memory_space<hbm>> -> memref<1024xf32, #tpu.memory_space<hbm>>
      %dma_start3A_609 = arith.constant 3072 : i32
      %dma_start3A_610 = tpu.memref_slice %arg11[%dma_start3A_609] : memref<8192xf32, #tpu.memory_space<vmem>> -> memref<1024xf32, #tpu.memory_space<vmem>>
      tpu.enqueue_dma source(%dma_start3A_610 : memref<1024xf32, #tpu.memory_space<vmem>>) target(%dma_start3A_608 : memref<1024xf32, #tpu.memory_space<hbm>>) target_semaphore(%arg21 : memref<!tpu.dma_semaphore, #tpu.memory_space<semaphore_mem>>)
      %mul3A_611 = arith.constant 8 : i32
      %mul3A_612 = arith.muli %add3A_550, %mul3A_611 : i32
      %add3A_613 = arith.constant 4 : i32
      %add3A_614 = arith.addi %mul3A_612, %add3A_613 : i32
      %mul3A_615 = arith.constant 32 : i32
      %mul3A_616 = arith.muli %add3A_614, %mul3A_615 : i32
      %add3A_617 = arith.addi %mul3A_616, %add3A : i32
      %mul3A_618 = arith.constant 1024 : i32
      %mul3A_619 = arith.muli %add3A_617, %mul3A_618 : i32
      %dma_start3A_620 = arith.constant 4096 : i32
      %dma_start3A_621 = tpu.memref_slice %arg11[%dma_start3A_620] : memref<8192xf32, #tpu.memory_space<vmem>> -> memref<1024xf32, #tpu.memory_space<vmem>>
      %dma_start3A_622 = tpu.memref_slice %arg4[%mul3A_619] : memref<52428800xf32, #tpu.memory_space<hbm>> -> memref<1024xf32, #tpu.memory_space<hbm>>
      %dma_start3A_623 = tpu.memref_slice %arg4[%mul3A_619] : memref<52428800xf32, #tpu.memory_space<hbm>> -> memref<1024xf32, #tpu.memory_space<hbm>>
      %dma_start3A_624 = arith.constant 4096 : i32
      %dma_start3A_625 = tpu.memref_slice %arg11[%dma_start3A_624] : memref<8192xf32, #tpu.memory_space<vmem>> -> memref<1024xf32, #tpu.memory_space<vmem>>
      tpu.enqueue_dma source(%dma_start3A_625 : memref<1024xf32, #tpu.memory_space<vmem>>) target(%dma_start3A_623 : memref<1024xf32, #tpu.memory_space<hbm>>) target_semaphore(%arg21 : memref<!tpu.dma_semaphore, #tpu.memory_space<semaphore_mem>>)
      %mul3A_626 = arith.constant 8 : i32
      %mul3A_627 = arith.muli %add3A_550, %mul3A_626 : i32
      %add3A_628 = arith.constant 5 : i32
      %add3A_629 = arith.addi %mul3A_627, %add3A_628 : i32
      %mul3A_630 = arith.constant 32 : i32
      %mul3A_631 = arith.muli %add3A_629, %mul3A_630 : i32
      %add3A_632 = arith.addi %mul3A_631, %add3A : i32
      %mul3A_633 = arith.constant 1024 : i32
      %mul3A_634 = arith.muli %add3A_632, %mul3A_633 : i32
      %dma_start3A_635 = arith.constant 5120 : i32
      %dma_start3A_636 = tpu.memref_slice %arg11[%dma_start3A_635] : memref<8192xf32, #tpu.memory_space<vmem>> -> memref<1024xf32, #tpu.memory_space<vmem>>
      %dma_start3A_637 = tpu.memref_slice %arg4[%mul3A_634] : memref<52428800xf32, #tpu.memory_space<hbm>> -> memref<1024xf32, #tpu.memory_space<hbm>>
      %dma_start3A_638 = tpu.memref_slice %arg4[%mul3A_634] : memref<52428800xf32, #tpu.memory_space<hbm>> -> memref<1024xf32, #tpu.memory_space<hbm>>
      %dma_start3A_639 = arith.constant 5120 : i32
      %dma_start3A_640 = tpu.memref_slice %arg11[%dma_start3A_639] : memref<8192xf32, #tpu.memory_space<vmem>> -> memref<1024xf32, #tpu.memory_space<vmem>>
      tpu.enqueue_dma source(%dma_start3A_640 : memref<1024xf32, #tpu.memory_space<vmem>>) target(%dma_start3A_638 : memref<1024xf32, #tpu.memory_space<hbm>>) target_semaphore(%arg21 : memref<!tpu.dma_semaphore, #tpu.memory_space<semaphore_mem>>)
      %mul3A_641 = arith.constant 8 : i32
      %mul3A_642 = arith.muli %add3A_550, %mul3A_641 : i32
      %add3A_643 = arith.constant 6 : i32
      %add3A_644 = arith.addi %mul3A_642, %add3A_643 : i32
      %mul3A_645 = arith.constant 32 : i32
      %mul3A_646 = arith.muli %add3A_644, %mul3A_645 : i32
      %add3A_647 = arith.addi %mul3A_646, %add3A : i32
      %mul3A_648 = arith.constant 1024 : i32
      %mul3A_649 = arith.muli %add3A_647, %mul3A_648 : i32
      %dma_start3A_650 = arith.constant 6144 : i32
      %dma_start3A_651 = tpu.memref_slice %arg11[%dma_start3A_650] : memref<8192xf32, #tpu.memory_space<vmem>> -> memref<1024xf32, #tpu.memory_space<vmem>>
      %dma_start3A_652 = tpu.memref_slice %arg4[%mul3A_649] : memref<52428800xf32, #tpu.memory_space<hbm>> -> memref<1024xf32, #tpu.memory_space<hbm>>
      %dma_start3A_653 = tpu.memref_slice %arg4[%mul3A_649] : memref<52428800xf32, #tpu.memory_space<hbm>> -> memref<1024xf32, #tpu.memory_space<hbm>>
      %dma_start3A_654 = arith.constant 6144 : i32
      %dma_start3A_655 = tpu.memref_slice %arg11[%dma_start3A_654] : memref<8192xf32, #tpu.memory_space<vmem>> -> memref<1024xf32, #tpu.memory_space<vmem>>
      tpu.enqueue_dma source(%dma_start3A_655 : memref<1024xf32, #tpu.memory_space<vmem>>) target(%dma_start3A_653 : memref<1024xf32, #tpu.memory_space<hbm>>) target_semaphore(%arg21 : memref<!tpu.dma_semaphore, #tpu.memory_space<semaphore_mem>>)
      %mul3A_656 = arith.constant 8 : i32
      %mul3A_657 = arith.muli %add3A_550, %mul3A_656 : i32
      %add3A_658 = arith.constant 7 : i32
      %add3A_659 = arith.addi %mul3A_657, %add3A_658 : i32
      %mul3A_660 = arith.constant 32 : i32
      %mul3A_661 = arith.muli %add3A_659, %mul3A_660 : i32
      %add3A_662 = arith.addi %mul3A_661, %add3A : i32
      %mul3A_663 = arith.constant 1024 : i32
      %mul3A_664 = arith.muli %add3A_662, %mul3A_663 : i32
      %dma_start3A_665 = arith.constant 7168 : i32
      %dma_start3A_666 = tpu.memref_slice %arg11[%dma_start3A_665] : memref<8192xf32, #tpu.memory_space<vmem>> -> memref<1024xf32, #tpu.memory_space<vmem>>
      %dma_start3A_667 = tpu.memref_slice %arg4[%mul3A_664] : memref<52428800xf32, #tpu.memory_space<hbm>> -> memref<1024xf32, #tpu.memory_space<hbm>>
      %dma_start3A_668 = tpu.memref_slice %arg4[%mul3A_664] : memref<52428800xf32, #tpu.memory_space<hbm>> -> memref<1024xf32, #tpu.memory_space<hbm>>
      %dma_start3A_669 = arith.constant 7168 : i32
      %dma_start3A_670 = tpu.memref_slice %arg11[%dma_start3A_669] : memref<8192xf32, #tpu.memory_space<vmem>> -> memref<1024xf32, #tpu.memory_space<vmem>>
      tpu.enqueue_dma source(%dma_start3A_670 : memref<1024xf32, #tpu.memory_space<vmem>>) target(%dma_start3A_668 : memref<1024xf32, #tpu.memory_space<hbm>>) target_semaphore(%arg21 : memref<!tpu.dma_semaphore, #tpu.memory_space<semaphore_mem>>)
      %add3A_671 = arith.constant 1 : i32
      %add3A_672 = arith.addi %mul3A_533, %add3A_671 : i32
      %dma_wait3A_673 = arith.constant 0 : i32
      %dma_wait3A_674 = tpu.memref_slice %arg5[%add3A_672, %dma_wait3A_673] : memref<200x128xi32, #tpu.memory_space<vmem>> -> memref<1x128xi32, #tpu.memory_space<vmem>>
      %dma_wait3A_675 = tpu.memref_squeeze %dma_wait3A_674 : memref<1x128xi32, #tpu.memory_space<vmem>> -> memref<128xi32, #tpu.memory_space<vmem>>
      %dma_wait3A_676 = arith.constant 0 : i32
      %dma_wait3A_677 = arith.constant 0 : i32
      %dma_wait3A_678 = tpu.memref_slice %arg2[%dma_wait3A_676, %dma_wait3A_677] : memref<1000000x64xf32, #tpu.memory_space<hbm>> -> memref<1000000x64xf32, #tpu.memory_space<hbm>>
      tpu.wait_indirect_dma semaphore(%arg17 : memref<!tpu.dma_semaphore, #tpu.memory_space<semaphore_mem>>) src(%dma_wait3A_678 : memref<1000000x64xf32, #tpu.memory_space<hbm>>) dst(%arg7 : memref<128x64xf32, #tpu.memory_space<vmem>>)
      %scan3A_679 = arith.constant 0 : i32
      %scan3A_680 = arith.constant 0 : i32
      %scan3A_681 = arith.constant 16 : i32
      %scan3A_682 = arith.addi %scan3A_680, %scan3A_681 : i32
      %scan3A_683 = arith.constant 1 : i32
      %scan3A_684 = scf.for %scan3A_1290 = %scan3A_680 to %scan3A_682 step %scan3A_683 iter_args(%scan3A_1291 = %scan3A_679) -> (i32)  : i32 {
        %add3A_1292 = vector.broadcast %scan3A_1290 : i32 to vector<16xi32>
        %add3A_1293 = arith.addi %iota3A, %add3A_1292 : vector<16xi32>
        %and3A = arith.constant 15 : i32
        %and3A_1294 = vector.broadcast %and3A : i32 to vector<16xi32>
        %and3A_1295 = arith.andi %add3A_1293, %and3A_1294 : vector<16xi32>
        %add3A_1296 = arith.constant 0 : i32
        %add3A_1297 = vector.broadcast %add3A_1296 : i32 to vector<16xi32>
        %add3A_1298 = arith.addi %and3A_1295, %add3A_1297 : vector<16xi32>
        %add3A_1299 = arith.constant 16 : i32
        %add3A_1300 = vector.broadcast %add3A_1299 : i32 to vector<16xi32>
        %add3A_1301 = arith.addi %and3A_1295, %add3A_1300 : vector<16xi32>
        %add3A_1302 = arith.constant 32 : i32
        %add3A_1303 = vector.broadcast %add3A_1302 : i32 to vector<16xi32>
        %add3A_1304 = arith.addi %and3A_1295, %add3A_1303 : vector<16xi32>
        %add3A_1305 = arith.constant 48 : i32
        %add3A_1306 = vector.broadcast %add3A_1305 : i32 to vector<16xi32>
        %add3A_1307 = arith.addi %and3A_1295, %add3A_1306 : vector<16xi32>
        %mul3A_1308 = arith.constant 128 : i32
        %mul3A_1309 = vector.broadcast %mul3A_1308 : i32 to vector<16xi32>
        %mul3A_1310 = arith.muli %add3A_1298, %mul3A_1309 : vector<16xi32>
        %mul3A_1311 = arith.constant 128 : i32
        %mul3A_1312 = vector.broadcast %mul3A_1311 : i32 to vector<16xi32>
        %mul3A_1313 = arith.muli %add3A_1301, %mul3A_1312 : vector<16xi32>
        %mul3A_1314 = arith.constant 128 : i32
        %mul3A_1315 = vector.broadcast %mul3A_1314 : i32 to vector<16xi32>
        %mul3A_1316 = arith.muli %add3A_1304, %mul3A_1315 : vector<16xi32>
        %mul3A_1317 = arith.constant 128 : i32
        %mul3A_1318 = vector.broadcast %mul3A_1317 : i32 to vector<16xi32>
        %mul3A_1319 = arith.muli %add3A_1307, %mul3A_1318 : vector<16xi32>
        %scan3A_1320 = arith.constant 0 : i32
        %scan3A_1321 = arith.constant 0 : i32
        %scan3A_1322 = arith.constant 8 : i32
        %scan3A_1323 = arith.addi %scan3A_1321, %scan3A_1322 : i32
        %scan3A_1324 = arith.constant 1 : i32
        %scan3A_1325 = scf.for %scan3A_1328 = %scan3A_1321 to %scan3A_1323 step %scan3A_1324 iter_args(%scan3A_1329 = %scan3A_1320) -> (i32)  : i32 {
          %mul3A_1330 = arith.constant 16 : i32
          %mul3A_1331 = arith.muli %scan3A_1328, %mul3A_1330 : i32
          %add3A_1332 = vector.broadcast %mul3A_1331 : i32 to vector<16xi32>
          %add3A_1333 = arith.addi %iota3A, %add3A_1332 : vector<16xi32>
          %gather3A = tpu.vector_load_idx %arg7[%add3A_1333, %add3A_1298] : memref<128x64xf32, #tpu.memory_space<vmem>>[vector<16xi32>, vector<16xi32>], vector<16xf32>,
          %mul3A_1334 = arith.constant 8.000000e+00 : f32
          %mul3A_1335 = vector.broadcast %mul3A_1334 : f32 to vector<16xf32>
          %mul3A_1336 = arith.mulf %gather3A, %mul3A_1335 : vector<16xf32>
          %gather3A_1337 = tpu.vector_load_idx %arg7[%add3A_1333, %add3A_1301] : memref<128x64xf32, #tpu.memory_space<vmem>>[vector<16xi32>, vector<16xi32>], vector<16xf32>,
          %mul3A_1338 = arith.constant 8.000000e+00 : f32
          %mul3A_1339 = vector.broadcast %mul3A_1338 : f32 to vector<16xf32>
          %mul3A_1340 = arith.mulf %gather3A_1337, %mul3A_1339 : vector<16xf32>
          %gather3A_1341 = tpu.vector_load_idx %arg7[%add3A_1333, %add3A_1304] : memref<128x64xf32, #tpu.memory_space<vmem>>[vector<16xi32>, vector<16xi32>], vector<16xf32>,
          %mul3A_1342 = arith.constant 8.000000e+00 : f32
          %mul3A_1343 = vector.broadcast %mul3A_1342 : f32 to vector<16xf32>
          %mul3A_1344 = arith.mulf %gather3A_1341, %mul3A_1343 : vector<16xf32>
          %gather3A_1345 = tpu.vector_load_idx %arg7[%add3A_1333, %add3A_1307] : memref<128x64xf32, #tpu.memory_space<vmem>>[vector<16xi32>, vector<16xi32>], vector<16xf32>,
          %mul3A_1346 = arith.constant 8.000000e+00 : f32
          %mul3A_1347 = vector.broadcast %mul3A_1346 : f32 to vector<16xf32>
          %mul3A_1348 = arith.mulf %gather3A_1345, %mul3A_1347 : vector<16xf32>
          %add3A_1349 = arith.addi %mul3A_1310, %add3A_1333 : vector<16xi32>
          tpu.vector_store_idx %arg12[%add3A_1349], %mul3A_1336 : memref<8192xf32, #tpu.memory_space<vmem>>[vector<16xi32>], vector<16xf32>,
          %add3A_1350 = arith.addi %mul3A_1313, %add3A_1333 : vector<16xi32>
          tpu.vector_store_idx %arg12[%add3A_1350], %mul3A_1340 : memref<8192xf32, #tpu.memory_space<vmem>>[vector<16xi32>], vector<16xf32>,
          %add3A_1351 = arith.addi %mul3A_1316, %add3A_1333 : vector<16xi32>
          tpu.vector_store_idx %arg12[%add3A_1351], %mul3A_1344 : memref<8192xf32, #tpu.memory_space<vmem>>[vector<16xi32>], vector<16xf32>,
          %add3A_1352 = arith.addi %mul3A_1319, %add3A_1333 : vector<16xi32>
          tpu.vector_store_idx %arg12[%add3A_1352], %mul3A_1348 : memref<8192xf32, #tpu.memory_space<vmem>>[vector<16xi32>], vector<16xf32>,
          %scan3A_1353 = arith.constant 0 : i32
          scf.yield %scan3A_1353 : i32
        }
        %scan3A_1326 = arith.constant 8 : i32
        %scan3A_1327 = arith.constant 0 : i32
        scf.yield %scan3A_1327 : i32
      }
      %scan3A_685 = arith.constant 16 : i32
      %add3A_686 = arith.constant 1 : i32
      %add3A_687 = arith.addi %mul3A_533, %add3A_686 : i32
      %mul3A_688 = arith.constant 8 : i32
      %mul3A_689 = arith.muli %add3A_687, %mul3A_688 : i32
      %add3A_690 = arith.constant 0 : i32
      %add3A_691 = arith.addi %mul3A_689, %add3A_690 : i32
      %mul3A_692 = arith.constant 32 : i32
      %mul3A_693 = arith.muli %add3A_691, %mul3A_692 : i32
      %add3A_694 = arith.addi %mul3A_693, %add3A : i32
      %mul3A_695 = arith.constant 1024 : i32
      %mul3A_696 = arith.muli %add3A_694, %mul3A_695 : i32
      %dma_start3A_697 = arith.constant 0 : i32
      %dma_start3A_698 = tpu.memref_slice %arg12[%dma_start3A_697] : memref<8192xf32, #tpu.memory_space<vmem>> -> memref<1024xf32, #tpu.memory_space<vmem>>
      %dma_start3A_699 = tpu.memref_slice %arg4[%mul3A_696] : memref<52428800xf32, #tpu.memory_space<hbm>> -> memref<1024xf32, #tpu.memory_space<hbm>>
      %dma_start3A_700 = tpu.memref_slice %arg4[%mul3A_696] : memref<52428800xf32, #tpu.memory_space<hbm>> -> memref<1024xf32, #tpu.memory_space<hbm>>
      %dma_start3A_701 = arith.constant 0 : i32
      %dma_start3A_702 = tpu.memref_slice %arg12[%dma_start3A_701] : memref<8192xf32, #tpu.memory_space<vmem>> -> memref<1024xf32, #tpu.memory_space<vmem>>
      tpu.enqueue_dma source(%dma_start3A_702 : memref<1024xf32, #tpu.memory_space<vmem>>) target(%dma_start3A_700 : memref<1024xf32, #tpu.memory_space<hbm>>) target_semaphore(%arg22 : memref<!tpu.dma_semaphore, #tpu.memory_space<semaphore_mem>>)
      %mul3A_703 = arith.constant 8 : i32
      %mul3A_704 = arith.muli %add3A_687, %mul3A_703 : i32
      %add3A_705 = arith.constant 1 : i32
      %add3A_706 = arith.addi %mul3A_704, %add3A_705 : i32
      %mul3A_707 = arith.constant 32 : i32
      %mul3A_708 = arith.muli %add3A_706, %mul3A_707 : i32
      %add3A_709 = arith.addi %mul3A_708, %add3A : i32
      %mul3A_710 = arith.constant 1024 : i32
      %mul3A_711 = arith.muli %add3A_709, %mul3A_710 : i32
      %dma_start3A_712 = arith.constant 1024 : i32
      %dma_start3A_713 = tpu.memref_slice %arg12[%dma_start3A_712] : memref<8192xf32, #tpu.memory_space<vmem>> -> memref<1024xf32, #tpu.memory_space<vmem>>
      %dma_start3A_714 = tpu.memref_slice %arg4[%mul3A_711] : memref<52428800xf32, #tpu.memory_space<hbm>> -> memref<1024xf32, #tpu.memory_space<hbm>>
      %dma_start3A_715 = tpu.memref_slice %arg4[%mul3A_711] : memref<52428800xf32, #tpu.memory_space<hbm>> -> memref<1024xf32, #tpu.memory_space<hbm>>
      %dma_start3A_716 = arith.constant 1024 : i32
      %dma_start3A_717 = tpu.memref_slice %arg12[%dma_start3A_716] : memref<8192xf32, #tpu.memory_space<vmem>> -> memref<1024xf32, #tpu.memory_space<vmem>>
      tpu.enqueue_dma source(%dma_start3A_717 : memref<1024xf32, #tpu.memory_space<vmem>>) target(%dma_start3A_715 : memref<1024xf32, #tpu.memory_space<hbm>>) target_semaphore(%arg22 : memref<!tpu.dma_semaphore, #tpu.memory_space<semaphore_mem>>)
      %mul3A_718 = arith.constant 8 : i32
      %mul3A_719 = arith.muli %add3A_687, %mul3A_718 : i32
      %add3A_720 = arith.constant 2 : i32
      %add3A_721 = arith.addi %mul3A_719, %add3A_720 : i32
      %mul3A_722 = arith.constant 32 : i32
      %mul3A_723 = arith.muli %add3A_721, %mul3A_722 : i32
      %add3A_724 = arith.addi %mul3A_723, %add3A : i32
      %mul3A_725 = arith.constant 1024 : i32
      %mul3A_726 = arith.muli %add3A_724, %mul3A_725 : i32
      %dma_start3A_727 = arith.constant 2048 : i32
      %dma_start3A_728 = tpu.memref_slice %arg12[%dma_start3A_727] : memref<8192xf32, #tpu.memory_space<vmem>> -> memref<1024xf32, #tpu.memory_space<vmem>>
      %dma_start3A_729 = tpu.memref_slice %arg4[%mul3A_726] : memref<52428800xf32, #tpu.memory_space<hbm>> -> memref<1024xf32, #tpu.memory_space<hbm>>
      %dma_start3A_730 = tpu.memref_slice %arg4[%mul3A_726] : memref<52428800xf32, #tpu.memory_space<hbm>> -> memref<1024xf32, #tpu.memory_space<hbm>>
      %dma_start3A_731 = arith.constant 2048 : i32
      %dma_start3A_732 = tpu.memref_slice %arg12[%dma_start3A_731] : memref<8192xf32, #tpu.memory_space<vmem>> -> memref<1024xf32, #tpu.memory_space<vmem>>
      tpu.enqueue_dma source(%dma_start3A_732 : memref<1024xf32, #tpu.memory_space<vmem>>) target(%dma_start3A_730 : memref<1024xf32, #tpu.memory_space<hbm>>) target_semaphore(%arg22 : memref<!tpu.dma_semaphore, #tpu.memory_space<semaphore_mem>>)
      %mul3A_733 = arith.constant 8 : i32
      %mul3A_734 = arith.muli %add3A_687, %mul3A_733 : i32
      %add3A_735 = arith.constant 3 : i32
      %add3A_736 = arith.addi %mul3A_734, %add3A_735 : i32
      %mul3A_737 = arith.constant 32 : i32
      %mul3A_738 = arith.muli %add3A_736, %mul3A_737 : i32
      %add3A_739 = arith.addi %mul3A_738, %add3A : i32
      %mul3A_740 = arith.constant 1024 : i32
      %mul3A_741 = arith.muli %add3A_739, %mul3A_740 : i32
      %dma_start3A_742 = arith.constant 3072 : i32
      %dma_start3A_743 = tpu.memref_slice %arg12[%dma_start3A_742] : memref<8192xf32, #tpu.memory_space<vmem>> -> memref<1024xf32, #tpu.memory_space<vmem>>
      %dma_start3A_744 = tpu.memref_slice %arg4[%mul3A_741] : memref<52428800xf32, #tpu.memory_space<hbm>> -> memref<1024xf32, #tpu.memory_space<hbm>>
      %dma_start3A_745 = tpu.memref_slice %arg4[%mul3A_741] : memref<52428800xf32, #tpu.memory_space<hbm>> -> memref<1024xf32, #tpu.memory_space<hbm>>
      %dma_start3A_746 = arith.constant 3072 : i32
      %dma_start3A_747 = tpu.memref_slice %arg12[%dma_start3A_746] : memref<8192xf32, #tpu.memory_space<vmem>> -> memref<1024xf32, #tpu.memory_space<vmem>>
      tpu.enqueue_dma source(%dma_start3A_747 : memref<1024xf32, #tpu.memory_space<vmem>>) target(%dma_start3A_745 : memref<1024xf32, #tpu.memory_space<hbm>>) target_semaphore(%arg22 : memref<!tpu.dma_semaphore, #tpu.memory_space<semaphore_mem>>)
      %mul3A_748 = arith.constant 8 : i32
      %mul3A_749 = arith.muli %add3A_687, %mul3A_748 : i32
      %add3A_750 = arith.constant 4 : i32
      %add3A_751 = arith.addi %mul3A_749, %add3A_750 : i32
      %mul3A_752 = arith.constant 32 : i32
      %mul3A_753 = arith.muli %add3A_751, %mul3A_752 : i32
      %add3A_754 = arith.addi %mul3A_753, %add3A : i32
      %mul3A_755 = arith.constant 1024 : i32
      %mul3A_756 = arith.muli %add3A_754, %mul3A_755 : i32
      %dma_start3A_757 = arith.constant 4096 : i32
      %dma_start3A_758 = tpu.memref_slice %arg12[%dma_start3A_757] : memref<8192xf32, #tpu.memory_space<vmem>> -> memref<1024xf32, #tpu.memory_space<vmem>>
      %dma_start3A_759 = tpu.memref_slice %arg4[%mul3A_756] : memref<52428800xf32, #tpu.memory_space<hbm>> -> memref<1024xf32, #tpu.memory_space<hbm>>
      %dma_start3A_760 = tpu.memref_slice %arg4[%mul3A_756] : memref<52428800xf32, #tpu.memory_space<hbm>> -> memref<1024xf32, #tpu.memory_space<hbm>>
      %dma_start3A_761 = arith.constant 4096 : i32
      %dma_start3A_762 = tpu.memref_slice %arg12[%dma_start3A_761] : memref<8192xf32, #tpu.memory_space<vmem>> -> memref<1024xf32, #tpu.memory_space<vmem>>
      tpu.enqueue_dma source(%dma_start3A_762 : memref<1024xf32, #tpu.memory_space<vmem>>) target(%dma_start3A_760 : memref<1024xf32, #tpu.memory_space<hbm>>) target_semaphore(%arg22 : memref<!tpu.dma_semaphore, #tpu.memory_space<semaphore_mem>>)
      %mul3A_763 = arith.constant 8 : i32
      %mul3A_764 = arith.muli %add3A_687, %mul3A_763 : i32
      %add3A_765 = arith.constant 5 : i32
      %add3A_766 = arith.addi %mul3A_764, %add3A_765 : i32
      %mul3A_767 = arith.constant 32 : i32
      %mul3A_768 = arith.muli %add3A_766, %mul3A_767 : i32
      %add3A_769 = arith.addi %mul3A_768, %add3A : i32
      %mul3A_770 = arith.constant 1024 : i32
      %mul3A_771 = arith.muli %add3A_769, %mul3A_770 : i32
      %dma_start3A_772 = arith.constant 5120 : i32
      %dma_start3A_773 = tpu.memref_slice %arg12[%dma_start3A_772] : memref<8192xf32, #tpu.memory_space<vmem>> -> memref<1024xf32, #tpu.memory_space<vmem>>
      %dma_start3A_774 = tpu.memref_slice %arg4[%mul3A_771] : memref<52428800xf32, #tpu.memory_space<hbm>> -> memref<1024xf32, #tpu.memory_space<hbm>>
      %dma_start3A_775 = tpu.memref_slice %arg4[%mul3A_771] : memref<52428800xf32, #tpu.memory_space<hbm>> -> memref<1024xf32, #tpu.memory_space<hbm>>
      %dma_start3A_776 = arith.constant 5120 : i32
      %dma_start3A_777 = tpu.memref_slice %arg12[%dma_start3A_776] : memref<8192xf32, #tpu.memory_space<vmem>> -> memref<1024xf32, #tpu.memory_space<vmem>>
      tpu.enqueue_dma source(%dma_start3A_777 : memref<1024xf32, #tpu.memory_space<vmem>>) target(%dma_start3A_775 : memref<1024xf32, #tpu.memory_space<hbm>>) target_semaphore(%arg22 : memref<!tpu.dma_semaphore, #tpu.memory_space<semaphore_mem>>)
      %mul3A_778 = arith.constant 8 : i32
      %mul3A_779 = arith.muli %add3A_687, %mul3A_778 : i32
      %add3A_780 = arith.constant 6 : i32
      %add3A_781 = arith.addi %mul3A_779, %add3A_780 : i32
      %mul3A_782 = arith.constant 32 : i32
      %mul3A_783 = arith.muli %add3A_781, %mul3A_782 : i32
      %add3A_784 = arith.addi %mul3A_783, %add3A : i32
      %mul3A_785 = arith.constant 1024 : i32
      %mul3A_786 = arith.muli %add3A_784, %mul3A_785 : i32
      %dma_start3A_787 = arith.constant 6144 : i32
      %dma_start3A_788 = tpu.memref_slice %arg12[%dma_start3A_787] : memref<8192xf32, #tpu.memory_space<vmem>> -> memref<1024xf32, #tpu.memory_space<vmem>>
      %dma_start3A_789 = tpu.memref_slice %arg4[%mul3A_786] : memref<52428800xf32, #tpu.memory_space<hbm>> -> memref<1024xf32, #tpu.memory_space<hbm>>
      %dma_start3A_790 = tpu.memref_slice %arg4[%mul3A_786] : memref<52428800xf32, #tpu.memory_space<hbm>> -> memref<1024xf32, #tpu.memory_space<hbm>>
      %dma_start3A_791 = arith.constant 6144 : i32
      %dma_start3A_792 = tpu.memref_slice %arg12[%dma_start3A_791] : memref<8192xf32, #tpu.memory_space<vmem>> -> memref<1024xf32, #tpu.memory_space<vmem>>
      tpu.enqueue_dma source(%dma_start3A_792 : memref<1024xf32, #tpu.memory_space<vmem>>) target(%dma_start3A_790 : memref<1024xf32, #tpu.memory_space<hbm>>) target_semaphore(%arg22 : memref<!tpu.dma_semaphore, #tpu.memory_space<semaphore_mem>>)
      %mul3A_793 = arith.constant 8 : i32
      %mul3A_794 = arith.muli %add3A_687, %mul3A_793 : i32
      %add3A_795 = arith.constant 7 : i32
      %add3A_796 = arith.addi %mul3A_794, %add3A_795 : i32
      %mul3A_797 = arith.constant 32 : i32
      %mul3A_798 = arith.muli %add3A_796, %mul3A_797 : i32
      %add3A_799 = arith.addi %mul3A_798, %add3A : i32
      %mul3A_800 = arith.constant 1024 : i32
      %mul3A_801 = arith.muli %add3A_799, %mul3A_800 : i32
      %dma_start3A_802 = arith.constant 7168 : i32
      %dma_start3A_803 = tpu.memref_slice %arg12[%dma_start3A_802] : memref<8192xf32, #tpu.memory_space<vmem>> -> memref<1024xf32, #tpu.memory_space<vmem>>
      %dma_start3A_804 = tpu.memref_slice %arg4[%mul3A_801] : memref<52428800xf32, #tpu.memory_space<hbm>> -> memref<1024xf32, #tpu.memory_space<hbm>>
      %dma_start3A_805 = tpu.memref_slice %arg4[%mul3A_801] : memref<52428800xf32, #tpu.memory_space<hbm>> -> memref<1024xf32, #tpu.memory_space<hbm>>
      %dma_start3A_806 = arith.constant 7168 : i32
      %dma_start3A_807 = tpu.memref_slice %arg12[%dma_start3A_806] : memref<8192xf32, #tpu.memory_space<vmem>> -> memref<1024xf32, #tpu.memory_space<vmem>>
      tpu.enqueue_dma source(%dma_start3A_807 : memref<1024xf32, #tpu.memory_space<vmem>>) target(%dma_start3A_805 : memref<1024xf32, #tpu.memory_space<hbm>>) target_semaphore(%arg22 : memref<!tpu.dma_semaphore, #tpu.memory_space<semaphore_mem>>)
      %add3A_808 = arith.constant 2 : i32
      %add3A_809 = arith.addi %mul3A_533, %add3A_808 : i32
      %dma_wait3A_810 = arith.constant 0 : i32
      %dma_wait3A_811 = tpu.memref_slice %arg5[%add3A_809, %dma_wait3A_810] : memref<200x128xi32, #tpu.memory_space<vmem>> -> memref<1x128xi32, #tpu.memory_space<vmem>>
      %dma_wait3A_812 = tpu.memref_squeeze %dma_wait3A_811 : memref<1x128xi32, #tpu.memory_space<vmem>> -> memref<128xi32, #tpu.memory_space<vmem>>
      %dma_wait3A_813 = arith.constant 0 : i32
      %dma_wait3A_814 = arith.constant 0 : i32
      %dma_wait3A_815 = tpu.memref_slice %arg2[%dma_wait3A_813, %dma_wait3A_814] : memref<1000000x64xf32, #tpu.memory_space<hbm>> -> memref<1000000x64xf32, #tpu.memory_space<hbm>>
      tpu.wait_indirect_dma semaphore(%arg18 : memref<!tpu.dma_semaphore, #tpu.memory_space<semaphore_mem>>) src(%dma_wait3A_815 : memref<1000000x64xf32, #tpu.memory_space<hbm>>) dst(%arg8 : memref<128x64xf32, #tpu.memory_space<vmem>>)
      %scan3A_816 = arith.constant 0 : i32
      %scan3A_817 = arith.constant 0 : i32
      %scan3A_818 = arith.constant 16 : i32
      %scan3A_819 = arith.addi %scan3A_817, %scan3A_818 : i32
      %scan3A_820 = arith.constant 1 : i32
      %scan3A_821 = scf.for %scan3A_1290 = %scan3A_817 to %scan3A_819 step %scan3A_820 iter_args(%scan3A_1291 = %scan3A_816) -> (i32)  : i32 {
        %add3A_1292 = vector.broadcast %scan3A_1290 : i32 to vector<16xi32>
        %add3A_1293 = arith.addi %iota3A, %add3A_1292 : vector<16xi32>
        %and3A = arith.constant 15 : i32
        %and3A_1294 = vector.broadcast %and3A : i32 to vector<16xi32>
        %and3A_1295 = arith.andi %add3A_1293, %and3A_1294 : vector<16xi32>
        %add3A_1296 = arith.constant 0 : i32
        %add3A_1297 = vector.broadcast %add3A_1296 : i32 to vector<16xi32>
        %add3A_1298 = arith.addi %and3A_1295, %add3A_1297 : vector<16xi32>
        %add3A_1299 = arith.constant 16 : i32
        %add3A_1300 = vector.broadcast %add3A_1299 : i32 to vector<16xi32>
        %add3A_1301 = arith.addi %and3A_1295, %add3A_1300 : vector<16xi32>
        %add3A_1302 = arith.constant 32 : i32
        %add3A_1303 = vector.broadcast %add3A_1302 : i32 to vector<16xi32>
        %add3A_1304 = arith.addi %and3A_1295, %add3A_1303 : vector<16xi32>
        %add3A_1305 = arith.constant 48 : i32
        %add3A_1306 = vector.broadcast %add3A_1305 : i32 to vector<16xi32>
        %add3A_1307 = arith.addi %and3A_1295, %add3A_1306 : vector<16xi32>
        %mul3A_1308 = arith.constant 128 : i32
        %mul3A_1309 = vector.broadcast %mul3A_1308 : i32 to vector<16xi32>
        %mul3A_1310 = arith.muli %add3A_1298, %mul3A_1309 : vector<16xi32>
        %mul3A_1311 = arith.constant 128 : i32
        %mul3A_1312 = vector.broadcast %mul3A_1311 : i32 to vector<16xi32>
        %mul3A_1313 = arith.muli %add3A_1301, %mul3A_1312 : vector<16xi32>
        %mul3A_1314 = arith.constant 128 : i32
        %mul3A_1315 = vector.broadcast %mul3A_1314 : i32 to vector<16xi32>
        %mul3A_1316 = arith.muli %add3A_1304, %mul3A_1315 : vector<16xi32>
        %mul3A_1317 = arith.constant 128 : i32
        %mul3A_1318 = vector.broadcast %mul3A_1317 : i32 to vector<16xi32>
        %mul3A_1319 = arith.muli %add3A_1307, %mul3A_1318 : vector<16xi32>
        %scan3A_1320 = arith.constant 0 : i32
        %scan3A_1321 = arith.constant 0 : i32
        %scan3A_1322 = arith.constant 8 : i32
        %scan3A_1323 = arith.addi %scan3A_1321, %scan3A_1322 : i32
        %scan3A_1324 = arith.constant 1 : i32
        %scan3A_1325 = scf.for %scan3A_1328 = %scan3A_1321 to %scan3A_1323 step %scan3A_1324 iter_args(%scan3A_1329 = %scan3A_1320) -> (i32)  : i32 {
          %mul3A_1330 = arith.constant 16 : i32
          %mul3A_1331 = arith.muli %scan3A_1328, %mul3A_1330 : i32
          %add3A_1332 = vector.broadcast %mul3A_1331 : i32 to vector<16xi32>
          %add3A_1333 = arith.addi %iota3A, %add3A_1332 : vector<16xi32>
          %gather3A = tpu.vector_load_idx %arg8[%add3A_1333, %add3A_1298] : memref<128x64xf32, #tpu.memory_space<vmem>>[vector<16xi32>, vector<16xi32>], vector<16xf32>,
          %mul3A_1334 = arith.constant 8.000000e+00 : f32
          %mul3A_1335 = vector.broadcast %mul3A_1334 : f32 to vector<16xf32>
          %mul3A_1336 = arith.mulf %gather3A, %mul3A_1335 : vector<16xf32>
          %gather3A_1337 = tpu.vector_load_idx %arg8[%add3A_1333, %add3A_1301] : memref<128x64xf32, #tpu.memory_space<vmem>>[vector<16xi32>, vector<16xi32>], vector<16xf32>,
          %mul3A_1338 = arith.constant 8.000000e+00 : f32
          %mul3A_1339 = vector.broadcast %mul3A_1338 : f32 to vector<16xf32>
          %mul3A_1340 = arith.mulf %gather3A_1337, %mul3A_1339 : vector<16xf32>
          %gather3A_1341 = tpu.vector_load_idx %arg8[%add3A_1333, %add3A_1304] : memref<128x64xf32, #tpu.memory_space<vmem>>[vector<16xi32>, vector<16xi32>], vector<16xf32>,
          %mul3A_1342 = arith.constant 8.000000e+00 : f32
          %mul3A_1343 = vector.broadcast %mul3A_1342 : f32 to vector<16xf32>
          %mul3A_1344 = arith.mulf %gather3A_1341, %mul3A_1343 : vector<16xf32>
          %gather3A_1345 = tpu.vector_load_idx %arg8[%add3A_1333, %add3A_1307] : memref<128x64xf32, #tpu.memory_space<vmem>>[vector<16xi32>, vector<16xi32>], vector<16xf32>,
          %mul3A_1346 = arith.constant 8.000000e+00 : f32
          %mul3A_1347 = vector.broadcast %mul3A_1346 : f32 to vector<16xf32>
          %mul3A_1348 = arith.mulf %gather3A_1345, %mul3A_1347 : vector<16xf32>
          %add3A_1349 = arith.addi %mul3A_1310, %add3A_1333 : vector<16xi32>
          tpu.vector_store_idx %arg13[%add3A_1349], %mul3A_1336 : memref<8192xf32, #tpu.memory_space<vmem>>[vector<16xi32>], vector<16xf32>,
          %add3A_1350 = arith.addi %mul3A_1313, %add3A_1333 : vector<16xi32>
          tpu.vector_store_idx %arg13[%add3A_1350], %mul3A_1340 : memref<8192xf32, #tpu.memory_space<vmem>>[vector<16xi32>], vector<16xf32>,
          %add3A_1351 = arith.addi %mul3A_1316, %add3A_1333 : vector<16xi32>
          tpu.vector_store_idx %arg13[%add3A_1351], %mul3A_1344 : memref<8192xf32, #tpu.memory_space<vmem>>[vector<16xi32>], vector<16xf32>,
          %add3A_1352 = arith.addi %mul3A_1319, %add3A_1333 : vector<16xi32>
          tpu.vector_store_idx %arg13[%add3A_1352], %mul3A_1348 : memref<8192xf32, #tpu.memory_space<vmem>>[vector<16xi32>], vector<16xf32>,
          %scan3A_1353 = arith.constant 0 : i32
          scf.yield %scan3A_1353 : i32
        }
        %scan3A_1326 = arith.constant 8 : i32
        %scan3A_1327 = arith.constant 0 : i32
        scf.yield %scan3A_1327 : i32
      }
      %scan3A_822 = arith.constant 16 : i32
      %add3A_823 = arith.constant 2 : i32
      %add3A_824 = arith.addi %mul3A_533, %add3A_823 : i32
      %mul3A_825 = arith.constant 8 : i32
      %mul3A_826 = arith.muli %add3A_824, %mul3A_825 : i32
      %add3A_827 = arith.constant 0 : i32
      %add3A_828 = arith.addi %mul3A_826, %add3A_827 : i32
      %mul3A_829 = arith.constant 32 : i32
      %mul3A_830 = arith.muli %add3A_828, %mul3A_829 : i32
      %add3A_831 = arith.addi %mul3A_830, %add3A : i32
      %mul3A_832 = arith.constant 1024 : i32
      %mul3A_833 = arith.muli %add3A_831, %mul3A_832 : i32
      %dma_start3A_834 = arith.constant 0 : i32
      %dma_start3A_835 = tpu.memref_slice %arg13[%dma_start3A_834] : memref<8192xf32, #tpu.memory_space<vmem>> -> memref<1024xf32, #tpu.memory_space<vmem>>
      %dma_start3A_836 = tpu.memref_slice %arg4[%mul3A_833] : memref<52428800xf32, #tpu.memory_space<hbm>> -> memref<1024xf32, #tpu.memory_space<hbm>>
      %dma_start3A_837 = tpu.memref_slice %arg4[%mul3A_833] : memref<52428800xf32, #tpu.memory_space<hbm>> -> memref<1024xf32, #tpu.memory_space<hbm>>
      %dma_start3A_838 = arith.constant 0 : i32
      %dma_start3A_839 = tpu.memref_slice %arg13[%dma_start3A_838] : memref<8192xf32, #tpu.memory_space<vmem>> -> memref<1024xf32, #tpu.memory_space<vmem>>
      tpu.enqueue_dma source(%dma_start3A_839 : memref<1024xf32, #tpu.memory_space<vmem>>) target(%dma_start3A_837 : memref<1024xf32, #tpu.memory_space<hbm>>) target_semaphore(%arg23 : memref<!tpu.dma_semaphore, #tpu.memory_space<semaphore_mem>>)
      %mul3A_840 = arith.constant 8 : i32
      %mul3A_841 = arith.muli %add3A_824, %mul3A_840 : i32
      %add3A_842 = arith.constant 1 : i32
      %add3A_843 = arith.addi %mul3A_841, %add3A_842 : i32
      %mul3A_844 = arith.constant 32 : i32
      %mul3A_845 = arith.muli %add3A_843, %mul3A_844 : i32
      %add3A_846 = arith.addi %mul3A_845, %add3A : i32
      %mul3A_847 = arith.constant 1024 : i32
      %mul3A_848 = arith.muli %add3A_846, %mul3A_847 : i32
      %dma_start3A_849 = arith.constant 1024 : i32
      %dma_start3A_850 = tpu.memref_slice %arg13[%dma_start3A_849] : memref<8192xf32, #tpu.memory_space<vmem>> -> memref<1024xf32, #tpu.memory_space<vmem>>
      %dma_start3A_851 = tpu.memref_slice %arg4[%mul3A_848] : memref<52428800xf32, #tpu.memory_space<hbm>> -> memref<1024xf32, #tpu.memory_space<hbm>>
      %dma_start3A_852 = tpu.memref_slice %arg4[%mul3A_848] : memref<52428800xf32, #tpu.memory_space<hbm>> -> memref<1024xf32, #tpu.memory_space<hbm>>
      %dma_start3A_853 = arith.constant 1024 : i32
      %dma_start3A_854 = tpu.memref_slice %arg13[%dma_start3A_853] : memref<8192xf32, #tpu.memory_space<vmem>> -> memref<1024xf32, #tpu.memory_space<vmem>>
      tpu.enqueue_dma source(%dma_start3A_854 : memref<1024xf32, #tpu.memory_space<vmem>>) target(%dma_start3A_852 : memref<1024xf32, #tpu.memory_space<hbm>>) target_semaphore(%arg23 : memref<!tpu.dma_semaphore, #tpu.memory_space<semaphore_mem>>)
      %mul3A_855 = arith.constant 8 : i32
      %mul3A_856 = arith.muli %add3A_824, %mul3A_855 : i32
      %add3A_857 = arith.constant 2 : i32
      %add3A_858 = arith.addi %mul3A_856, %add3A_857 : i32
      %mul3A_859 = arith.constant 32 : i32
      %mul3A_860 = arith.muli %add3A_858, %mul3A_859 : i32
      %add3A_861 = arith.addi %mul3A_860, %add3A : i32
      %mul3A_862 = arith.constant 1024 : i32
      %mul3A_863 = arith.muli %add3A_861, %mul3A_862 : i32
      %dma_start3A_864 = arith.constant 2048 : i32
      %dma_start3A_865 = tpu.memref_slice %arg13[%dma_start3A_864] : memref<8192xf32, #tpu.memory_space<vmem>> -> memref<1024xf32, #tpu.memory_space<vmem>>
      %dma_start3A_866 = tpu.memref_slice %arg4[%mul3A_863] : memref<52428800xf32, #tpu.memory_space<hbm>> -> memref<1024xf32, #tpu.memory_space<hbm>>
      %dma_start3A_867 = tpu.memref_slice %arg4[%mul3A_863] : memref<52428800xf32, #tpu.memory_space<hbm>> -> memref<1024xf32, #tpu.memory_space<hbm>>
      %dma_start3A_868 = arith.constant 2048 : i32
      %dma_start3A_869 = tpu.memref_slice %arg13[%dma_start3A_868] : memref<8192xf32, #tpu.memory_space<vmem>> -> memref<1024xf32, #tpu.memory_space<vmem>>
      tpu.enqueue_dma source(%dma_start3A_869 : memref<1024xf32, #tpu.memory_space<vmem>>) target(%dma_start3A_867 : memref<1024xf32, #tpu.memory_space<hbm>>) target_semaphore(%arg23 : memref<!tpu.dma_semaphore, #tpu.memory_space<semaphore_mem>>)
      %mul3A_870 = arith.constant 8 : i32
      %mul3A_871 = arith.muli %add3A_824, %mul3A_870 : i32
      %add3A_872 = arith.constant 3 : i32
      %add3A_873 = arith.addi %mul3A_871, %add3A_872 : i32
      %mul3A_874 = arith.constant 32 : i32
      %mul3A_875 = arith.muli %add3A_873, %mul3A_874 : i32
      %add3A_876 = arith.addi %mul3A_875, %add3A : i32
      %mul3A_877 = arith.constant 1024 : i32
      %mul3A_878 = arith.muli %add3A_876, %mul3A_877 : i32
      %dma_start3A_879 = arith.constant 3072 : i32
      %dma_start3A_880 = tpu.memref_slice %arg13[%dma_start3A_879] : memref<8192xf32, #tpu.memory_space<vmem>> -> memref<1024xf32, #tpu.memory_space<vmem>>
      %dma_start3A_881 = tpu.memref_slice %arg4[%mul3A_878] : memref<52428800xf32, #tpu.memory_space<hbm>> -> memref<1024xf32, #tpu.memory_space<hbm>>
      %dma_start3A_882 = tpu.memref_slice %arg4[%mul3A_878] : memref<52428800xf32, #tpu.memory_space<hbm>> -> memref<1024xf32, #tpu.memory_space<hbm>>
      %dma_start3A_883 = arith.constant 3072 : i32
      %dma_start3A_884 = tpu.memref_slice %arg13[%dma_start3A_883] : memref<8192xf32, #tpu.memory_space<vmem>> -> memref<1024xf32, #tpu.memory_space<vmem>>
      tpu.enqueue_dma source(%dma_start3A_884 : memref<1024xf32, #tpu.memory_space<vmem>>) target(%dma_start3A_882 : memref<1024xf32, #tpu.memory_space<hbm>>) target_semaphore(%arg23 : memref<!tpu.dma_semaphore, #tpu.memory_space<semaphore_mem>>)
      %mul3A_885 = arith.constant 8 : i32
      %mul3A_886 = arith.muli %add3A_824, %mul3A_885 : i32
      %add3A_887 = arith.constant 4 : i32
      %add3A_888 = arith.addi %mul3A_886, %add3A_887 : i32
      %mul3A_889 = arith.constant 32 : i32
      %mul3A_890 = arith.muli %add3A_888, %mul3A_889 : i32
      %add3A_891 = arith.addi %mul3A_890, %add3A : i32
      %mul3A_892 = arith.constant 1024 : i32
      %mul3A_893 = arith.muli %add3A_891, %mul3A_892 : i32
      %dma_start3A_894 = arith.constant 4096 : i32
      %dma_start3A_895 = tpu.memref_slice %arg13[%dma_start3A_894] : memref<8192xf32, #tpu.memory_space<vmem>> -> memref<1024xf32, #tpu.memory_space<vmem>>
      %dma_start3A_896 = tpu.memref_slice %arg4[%mul3A_893] : memref<52428800xf32, #tpu.memory_space<hbm>> -> memref<1024xf32, #tpu.memory_space<hbm>>
      %dma_start3A_897 = tpu.memref_slice %arg4[%mul3A_893] : memref<52428800xf32, #tpu.memory_space<hbm>> -> memref<1024xf32, #tpu.memory_space<hbm>>
      %dma_start3A_898 = arith.constant 4096 : i32
      %dma_start3A_899 = tpu.memref_slice %arg13[%dma_start3A_898] : memref<8192xf32, #tpu.memory_space<vmem>> -> memref<1024xf32, #tpu.memory_space<vmem>>
      tpu.enqueue_dma source(%dma_start3A_899 : memref<1024xf32, #tpu.memory_space<vmem>>) target(%dma_start3A_897 : memref<1024xf32, #tpu.memory_space<hbm>>) target_semaphore(%arg23 : memref<!tpu.dma_semaphore, #tpu.memory_space<semaphore_mem>>)
      %mul3A_900 = arith.constant 8 : i32
      %mul3A_901 = arith.muli %add3A_824, %mul3A_900 : i32
      %add3A_902 = arith.constant 5 : i32
      %add3A_903 = arith.addi %mul3A_901, %add3A_902 : i32
      %mul3A_904 = arith.constant 32 : i32
      %mul3A_905 = arith.muli %add3A_903, %mul3A_904 : i32
      %add3A_906 = arith.addi %mul3A_905, %add3A : i32
      %mul3A_907 = arith.constant 1024 : i32
      %mul3A_908 = arith.muli %add3A_906, %mul3A_907 : i32
      %dma_start3A_909 = arith.constant 5120 : i32
      %dma_start3A_910 = tpu.memref_slice %arg13[%dma_start3A_909] : memref<8192xf32, #tpu.memory_space<vmem>> -> memref<1024xf32, #tpu.memory_space<vmem>>
      %dma_start3A_911 = tpu.memref_slice %arg4[%mul3A_908] : memref<52428800xf32, #tpu.memory_space<hbm>> -> memref<1024xf32, #tpu.memory_space<hbm>>
      %dma_start3A_912 = tpu.memref_slice %arg4[%mul3A_908] : memref<52428800xf32, #tpu.memory_space<hbm>> -> memref<1024xf32, #tpu.memory_space<hbm>>
      %dma_start3A_913 = arith.constant 5120 : i32
      %dma_start3A_914 = tpu.memref_slice %arg13[%dma_start3A_913] : memref<8192xf32, #tpu.memory_space<vmem>> -> memref<1024xf32, #tpu.memory_space<vmem>>
      tpu.enqueue_dma source(%dma_start3A_914 : memref<1024xf32, #tpu.memory_space<vmem>>) target(%dma_start3A_912 : memref<1024xf32, #tpu.memory_space<hbm>>) target_semaphore(%arg23 : memref<!tpu.dma_semaphore, #tpu.memory_space<semaphore_mem>>)
      %mul3A_915 = arith.constant 8 : i32
      %mul3A_916 = arith.muli %add3A_824, %mul3A_915 : i32
      %add3A_917 = arith.constant 6 : i32
      %add3A_918 = arith.addi %mul3A_916, %add3A_917 : i32
      %mul3A_919 = arith.constant 32 : i32
      %mul3A_920 = arith.muli %add3A_918, %mul3A_919 : i32
      %add3A_921 = arith.addi %mul3A_920, %add3A : i32
      %mul3A_922 = arith.constant 1024 : i32
      %mul3A_923 = arith.muli %add3A_921, %mul3A_922 : i32
      %dma_start3A_924 = arith.constant 6144 : i32
      %dma_start3A_925 = tpu.memref_slice %arg13[%dma_start3A_924] : memref<8192xf32, #tpu.memory_space<vmem>> -> memref<1024xf32, #tpu.memory_space<vmem>>
      %dma_start3A_926 = tpu.memref_slice %arg4[%mul3A_923] : memref<52428800xf32, #tpu.memory_space<hbm>> -> memref<1024xf32, #tpu.memory_space<hbm>>
      %dma_start3A_927 = tpu.memref_slice %arg4[%mul3A_923] : memref<52428800xf32, #tpu.memory_space<hbm>> -> memref<1024xf32, #tpu.memory_space<hbm>>
      %dma_start3A_928 = arith.constant 6144 : i32
      %dma_start3A_929 = tpu.memref_slice %arg13[%dma_start3A_928] : memref<8192xf32, #tpu.memory_space<vmem>> -> memref<1024xf32, #tpu.memory_space<vmem>>
      tpu.enqueue_dma source(%dma_start3A_929 : memref<1024xf32, #tpu.memory_space<vmem>>) target(%dma_start3A_927 : memref<1024xf32, #tpu.memory_space<hbm>>) target_semaphore(%arg23 : memref<!tpu.dma_semaphore, #tpu.memory_space<semaphore_mem>>)
      %mul3A_930 = arith.constant 8 : i32
      %mul3A_931 = arith.muli %add3A_824, %mul3A_930 : i32
      %add3A_932 = arith.constant 7 : i32
      %add3A_933 = arith.addi %mul3A_931, %add3A_932 : i32
      %mul3A_934 = arith.constant 32 : i32
      %mul3A_935 = arith.muli %add3A_933, %mul3A_934 : i32
      %add3A_936 = arith.addi %mul3A_935, %add3A : i32
      %mul3A_937 = arith.constant 1024 : i32
      %mul3A_938 = arith.muli %add3A_936, %mul3A_937 : i32
      %dma_start3A_939 = arith.constant 7168 : i32
      %dma_start3A_940 = tpu.memref_slice %arg13[%dma_start3A_939] : memref<8192xf32, #tpu.memory_space<vmem>> -> memref<1024xf32, #tpu.memory_space<vmem>>
      %dma_start3A_941 = tpu.memref_slice %arg4[%mul3A_938] : memref<52428800xf32, #tpu.memory_space<hbm>> -> memref<1024xf32, #tpu.memory_space<hbm>>
      %dma_start3A_942 = tpu.memref_slice %arg4[%mul3A_938] : memref<52428800xf32, #tpu.memory_space<hbm>> -> memref<1024xf32, #tpu.memory_space<hbm>>
      %dma_start3A_943 = arith.constant 7168 : i32
      %dma_start3A_944 = tpu.memref_slice %arg13[%dma_start3A_943] : memref<8192xf32, #tpu.memory_space<vmem>> -> memref<1024xf32, #tpu.memory_space<vmem>>
      tpu.enqueue_dma source(%dma_start3A_944 : memref<1024xf32, #tpu.memory_space<vmem>>) target(%dma_start3A_942 : memref<1024xf32, #tpu.memory_space<hbm>>) target_semaphore(%arg23 : memref<!tpu.dma_semaphore, #tpu.memory_space<semaphore_mem>>)
      %add3A_945 = arith.constant 3 : i32
      %add3A_946 = arith.addi %mul3A_533, %add3A_945 : i32
      %dma_wait3A_947 = arith.constant 0 : i32
      %dma_wait3A_948 = tpu.memref_slice %arg5[%add3A_946, %dma_wait3A_947] : memref<200x128xi32, #tpu.memory_space<vmem>> -> memref<1x128xi32, #tpu.memory_space<vmem>>
      %dma_wait3A_949 = tpu.memref_squeeze %dma_wait3A_948 : memref<1x128xi32, #tpu.memory_space<vmem>> -> memref<128xi32, #tpu.memory_space<vmem>>
      %dma_wait3A_950 = arith.constant 0 : i32
      %dma_wait3A_951 = arith.constant 0 : i32
      %dma_wait3A_952 = tpu.memref_slice %arg2[%dma_wait3A_950, %dma_wait3A_951] : memref<1000000x64xf32, #tpu.memory_space<hbm>> -> memref<1000000x64xf32, #tpu.memory_space<hbm>>
      tpu.wait_indirect_dma semaphore(%arg19 : memref<!tpu.dma_semaphore, #tpu.memory_space<semaphore_mem>>) src(%dma_wait3A_952 : memref<1000000x64xf32, #tpu.memory_space<hbm>>) dst(%arg9 : memref<128x64xf32, #tpu.memory_space<vmem>>)
      %scan3A_953 = arith.constant 0 : i32
      %scan3A_954 = arith.constant 0 : i32
      %scan3A_955 = arith.constant 16 : i32
      %scan3A_956 = arith.addi %scan3A_954, %scan3A_955 : i32
      %scan3A_957 = arith.constant 1 : i32
      %scan3A_958 = scf.for %scan3A_1290 = %scan3A_954 to %scan3A_956 step %scan3A_957 iter_args(%scan3A_1291 = %scan3A_953) -> (i32)  : i32 {
        %add3A_1292 = vector.broadcast %scan3A_1290 : i32 to vector<16xi32>
        %add3A_1293 = arith.addi %iota3A, %add3A_1292 : vector<16xi32>
        %and3A = arith.constant 15 : i32
        %and3A_1294 = vector.broadcast %and3A : i32 to vector<16xi32>
        %and3A_1295 = arith.andi %add3A_1293, %and3A_1294 : vector<16xi32>
        %add3A_1296 = arith.constant 0 : i32
        %add3A_1297 = vector.broadcast %add3A_1296 : i32 to vector<16xi32>
        %add3A_1298 = arith.addi %and3A_1295, %add3A_1297 : vector<16xi32>
        %add3A_1299 = arith.constant 16 : i32
        %add3A_1300 = vector.broadcast %add3A_1299 : i32 to vector<16xi32>
        %add3A_1301 = arith.addi %and3A_1295, %add3A_1300 : vector<16xi32>
        %add3A_1302 = arith.constant 32 : i32
        %add3A_1303 = vector.broadcast %add3A_1302 : i32 to vector<16xi32>
        %add3A_1304 = arith.addi %and3A_1295, %add3A_1303 : vector<16xi32>
        %add3A_1305 = arith.constant 48 : i32
        %add3A_1306 = vector.broadcast %add3A_1305 : i32 to vector<16xi32>
        %add3A_1307 = arith.addi %and3A_1295, %add3A_1306 : vector<16xi32>
        %mul3A_1308 = arith.constant 128 : i32
        %mul3A_1309 = vector.broadcast %mul3A_1308 : i32 to vector<16xi32>
        %mul3A_1310 = arith.muli %add3A_1298, %mul3A_1309 : vector<16xi32>
        %mul3A_1311 = arith.constant 128 : i32
        %mul3A_1312 = vector.broadcast %mul3A_1311 : i32 to vector<16xi32>
        %mul3A_1313 = arith.muli %add3A_1301, %mul3A_1312 : vector<16xi32>
        %mul3A_1314 = arith.constant 128 : i32
        %mul3A_1315 = vector.broadcast %mul3A_1314 : i32 to vector<16xi32>
        %mul3A_1316 = arith.muli %add3A_1304, %mul3A_1315 : vector<16xi32>
        %mul3A_1317 = arith.constant 128 : i32
        %mul3A_1318 = vector.broadcast %mul3A_1317 : i32 to vector<16xi32>
        %mul3A_1319 = arith.muli %add3A_1307, %mul3A_1318 : vector<16xi32>
        %scan3A_1320 = arith.constant 0 : i32
        %scan3A_1321 = arith.constant 0 : i32
        %scan3A_1322 = arith.constant 8 : i32
        %scan3A_1323 = arith.addi %scan3A_1321, %scan3A_1322 : i32
        %scan3A_1324 = arith.constant 1 : i32
        %scan3A_1325 = scf.for %scan3A_1328 = %scan3A_1321 to %scan3A_1323 step %scan3A_1324 iter_args(%scan3A_1329 = %scan3A_1320) -> (i32)  : i32 {
          %mul3A_1330 = arith.constant 16 : i32
          %mul3A_1331 = arith.muli %scan3A_1328, %mul3A_1330 : i32
          %add3A_1332 = vector.broadcast %mul3A_1331 : i32 to vector<16xi32>
          %add3A_1333 = arith.addi %iota3A, %add3A_1332 : vector<16xi32>
          %gather3A = tpu.vector_load_idx %arg9[%add3A_1333, %add3A_1298] : memref<128x64xf32, #tpu.memory_space<vmem>>[vector<16xi32>, vector<16xi32>], vector<16xf32>,
          %mul3A_1334 = arith.constant 8.000000e+00 : f32
          %mul3A_1335 = vector.broadcast %mul3A_1334 : f32 to vector<16xf32>
          %mul3A_1336 = arith.mulf %gather3A, %mul3A_1335 : vector<16xf32>
          %gather3A_1337 = tpu.vector_load_idx %arg9[%add3A_1333, %add3A_1301] : memref<128x64xf32, #tpu.memory_space<vmem>>[vector<16xi32>, vector<16xi32>], vector<16xf32>,
          %mul3A_1338 = arith.constant 8.000000e+00 : f32
          %mul3A_1339 = vector.broadcast %mul3A_1338 : f32 to vector<16xf32>
          %mul3A_1340 = arith.mulf %gather3A_1337, %mul3A_1339 : vector<16xf32>
          %gather3A_1341 = tpu.vector_load_idx %arg9[%add3A_1333, %add3A_1304] : memref<128x64xf32, #tpu.memory_space<vmem>>[vector<16xi32>, vector<16xi32>], vector<16xf32>,
          %mul3A_1342 = arith.constant 8.000000e+00 : f32
          %mul3A_1343 = vector.broadcast %mul3A_1342 : f32 to vector<16xf32>
          %mul3A_1344 = arith.mulf %gather3A_1341, %mul3A_1343 : vector<16xf32>
          %gather3A_1345 = tpu.vector_load_idx %arg9[%add3A_1333, %add3A_1307] : memref<128x64xf32, #tpu.memory_space<vmem>>[vector<16xi32>, vector<16xi32>], vector<16xf32>,
          %mul3A_1346 = arith.constant 8.000000e+00 : f32
          %mul3A_1347 = vector.broadcast %mul3A_1346 : f32 to vector<16xf32>
          %mul3A_1348 = arith.mulf %gather3A_1345, %mul3A_1347 : vector<16xf32>
          %add3A_1349 = arith.addi %mul3A_1310, %add3A_1333 : vector<16xi32>
          tpu.vector_store_idx %arg14[%add3A_1349], %mul3A_1336 : memref<8192xf32, #tpu.memory_space<vmem>>[vector<16xi32>], vector<16xf32>,
          %add3A_1350 = arith.addi %mul3A_1313, %add3A_1333 : vector<16xi32>
          tpu.vector_store_idx %arg14[%add3A_1350], %mul3A_1340 : memref<8192xf32, #tpu.memory_space<vmem>>[vector<16xi32>], vector<16xf32>,
          %add3A_1351 = arith.addi %mul3A_1316, %add3A_1333 : vector<16xi32>
          tpu.vector_store_idx %arg14[%add3A_1351], %mul3A_1344 : memref<8192xf32, #tpu.memory_space<vmem>>[vector<16xi32>], vector<16xf32>,
          %add3A_1352 = arith.addi %mul3A_1319, %add3A_1333 : vector<16xi32>
          tpu.vector_store_idx %arg14[%add3A_1352], %mul3A_1348 : memref<8192xf32, #tpu.memory_space<vmem>>[vector<16xi32>], vector<16xf32>,
          %scan3A_1353 = arith.constant 0 : i32
          scf.yield %scan3A_1353 : i32
        }
        %scan3A_1326 = arith.constant 8 : i32
        %scan3A_1327 = arith.constant 0 : i32
        scf.yield %scan3A_1327 : i32
      }
      %scan3A_959 = arith.constant 16 : i32
      %add3A_960 = arith.constant 3 : i32
      %add3A_961 = arith.addi %mul3A_533, %add3A_960 : i32
      %mul3A_962 = arith.constant 8 : i32
      %mul3A_963 = arith.muli %add3A_961, %mul3A_962 : i32
      %add3A_964 = arith.constant 0 : i32
      %add3A_965 = arith.addi %mul3A_963, %add3A_964 : i32
      %mul3A_966 = arith.constant 32 : i32
      %mul3A_967 = arith.muli %add3A_965, %mul3A_966 : i32
      %add3A_968 = arith.addi %mul3A_967, %add3A : i32
      %mul3A_969 = arith.constant 1024 : i32
      %mul3A_970 = arith.muli %add3A_968, %mul3A_969 : i32
      %dma_start3A_971 = arith.constant 0 : i32
      %dma_start3A_972 = tpu.memref_slice %arg14[%dma_start3A_971] : memref<8192xf32, #tpu.memory_space<vmem>> -> memref<1024xf32, #tpu.memory_space<vmem>>
      %dma_start3A_973 = tpu.memref_slice %arg4[%mul3A_970] : memref<52428800xf32, #tpu.memory_space<hbm>> -> memref<1024xf32, #tpu.memory_space<hbm>>
      %dma_start3A_974 = tpu.memref_slice %arg4[%mul3A_970] : memref<52428800xf32, #tpu.memory_space<hbm>> -> memref<1024xf32, #tpu.memory_space<hbm>>
      %dma_start3A_975 = arith.constant 0 : i32
      %dma_start3A_976 = tpu.memref_slice %arg14[%dma_start3A_975] : memref<8192xf32, #tpu.memory_space<vmem>> -> memref<1024xf32, #tpu.memory_space<vmem>>
      tpu.enqueue_dma source(%dma_start3A_976 : memref<1024xf32, #tpu.memory_space<vmem>>) target(%dma_start3A_974 : memref<1024xf32, #tpu.memory_space<hbm>>) target_semaphore(%arg24 : memref<!tpu.dma_semaphore, #tpu.memory_space<semaphore_mem>>)
      %mul3A_977 = arith.constant 8 : i32
      %mul3A_978 = arith.muli %add3A_961, %mul3A_977 : i32
      %add3A_979 = arith.constant 1 : i32
      %add3A_980 = arith.addi %mul3A_978, %add3A_979 : i32
      %mul3A_981 = arith.constant 32 : i32
      %mul3A_982 = arith.muli %add3A_980, %mul3A_981 : i32
      %add3A_983 = arith.addi %mul3A_982, %add3A : i32
      %mul3A_984 = arith.constant 1024 : i32
      %mul3A_985 = arith.muli %add3A_983, %mul3A_984 : i32
      %dma_start3A_986 = arith.constant 1024 : i32
      %dma_start3A_987 = tpu.memref_slice %arg14[%dma_start3A_986] : memref<8192xf32, #tpu.memory_space<vmem>> -> memref<1024xf32, #tpu.memory_space<vmem>>
      %dma_start3A_988 = tpu.memref_slice %arg4[%mul3A_985] : memref<52428800xf32, #tpu.memory_space<hbm>> -> memref<1024xf32, #tpu.memory_space<hbm>>
      %dma_start3A_989 = tpu.memref_slice %arg4[%mul3A_985] : memref<52428800xf32, #tpu.memory_space<hbm>> -> memref<1024xf32, #tpu.memory_space<hbm>>
      %dma_start3A_990 = arith.constant 1024 : i32
      %dma_start3A_991 = tpu.memref_slice %arg14[%dma_start3A_990] : memref<8192xf32, #tpu.memory_space<vmem>> -> memref<1024xf32, #tpu.memory_space<vmem>>
      tpu.enqueue_dma source(%dma_start3A_991 : memref<1024xf32, #tpu.memory_space<vmem>>) target(%dma_start3A_989 : memref<1024xf32, #tpu.memory_space<hbm>>) target_semaphore(%arg24 : memref<!tpu.dma_semaphore, #tpu.memory_space<semaphore_mem>>)
      %mul3A_992 = arith.constant 8 : i32
      %mul3A_993 = arith.muli %add3A_961, %mul3A_992 : i32
      %add3A_994 = arith.constant 2 : i32
      %add3A_995 = arith.addi %mul3A_993, %add3A_994 : i32
      %mul3A_996 = arith.constant 32 : i32
      %mul3A_997 = arith.muli %add3A_995, %mul3A_996 : i32
      %add3A_998 = arith.addi %mul3A_997, %add3A : i32
      %mul3A_999 = arith.constant 1024 : i32
      %mul3A_1000 = arith.muli %add3A_998, %mul3A_999 : i32
      %dma_start3A_1001 = arith.constant 2048 : i32
      %dma_start3A_1002 = tpu.memref_slice %arg14[%dma_start3A_1001] : memref<8192xf32, #tpu.memory_space<vmem>> -> memref<1024xf32, #tpu.memory_space<vmem>>
      %dma_start3A_1003 = tpu.memref_slice %arg4[%mul3A_1000] : memref<52428800xf32, #tpu.memory_space<hbm>> -> memref<1024xf32, #tpu.memory_space<hbm>>
      %dma_start3A_1004 = tpu.memref_slice %arg4[%mul3A_1000] : memref<52428800xf32, #tpu.memory_space<hbm>> -> memref<1024xf32, #tpu.memory_space<hbm>>
      %dma_start3A_1005 = arith.constant 2048 : i32
      %dma_start3A_1006 = tpu.memref_slice %arg14[%dma_start3A_1005] : memref<8192xf32, #tpu.memory_space<vmem>> -> memref<1024xf32, #tpu.memory_space<vmem>>
      tpu.enqueue_dma source(%dma_start3A_1006 : memref<1024xf32, #tpu.memory_space<vmem>>) target(%dma_start3A_1004 : memref<1024xf32, #tpu.memory_space<hbm>>) target_semaphore(%arg24 : memref<!tpu.dma_semaphore, #tpu.memory_space<semaphore_mem>>)
      %mul3A_1007 = arith.constant 8 : i32
      %mul3A_1008 = arith.muli %add3A_961, %mul3A_1007 : i32
      %add3A_1009 = arith.constant 3 : i32
      %add3A_1010 = arith.addi %mul3A_1008, %add3A_1009 : i32
      %mul3A_1011 = arith.constant 32 : i32
      %mul3A_1012 = arith.muli %add3A_1010, %mul3A_1011 : i32
      %add3A_1013 = arith.addi %mul3A_1012, %add3A : i32
      %mul3A_1014 = arith.constant 1024 : i32
      %mul3A_1015 = arith.muli %add3A_1013, %mul3A_1014 : i32
      %dma_start3A_1016 = arith.constant 3072 : i32
      %dma_start3A_1017 = tpu.memref_slice %arg14[%dma_start3A_1016] : memref<8192xf32, #tpu.memory_space<vmem>> -> memref<1024xf32, #tpu.memory_space<vmem>>
      %dma_start3A_1018 = tpu.memref_slice %arg4[%mul3A_1015] : memref<52428800xf32, #tpu.memory_space<hbm>> -> memref<1024xf32, #tpu.memory_space<hbm>>
      %dma_start3A_1019 = tpu.memref_slice %arg4[%mul3A_1015] : memref<52428800xf32, #tpu.memory_space<hbm>> -> memref<1024xf32, #tpu.memory_space<hbm>>
      %dma_start3A_1020 = arith.constant 3072 : i32
      %dma_start3A_1021 = tpu.memref_slice %arg14[%dma_start3A_1020] : memref<8192xf32, #tpu.memory_space<vmem>> -> memref<1024xf32, #tpu.memory_space<vmem>>
      tpu.enqueue_dma source(%dma_start3A_1021 : memref<1024xf32, #tpu.memory_space<vmem>>) target(%dma_start3A_1019 : memref<1024xf32, #tpu.memory_space<hbm>>) target_semaphore(%arg24 : memref<!tpu.dma_semaphore, #tpu.memory_space<semaphore_mem>>)
      %mul3A_1022 = arith.constant 8 : i32
      %mul3A_1023 = arith.muli %add3A_961, %mul3A_1022 : i32
      %add3A_1024 = arith.constant 4 : i32
      %add3A_1025 = arith.addi %mul3A_1023, %add3A_1024 : i32
      %mul3A_1026 = arith.constant 32 : i32
      %mul3A_1027 = arith.muli %add3A_1025, %mul3A_1026 : i32
      %add3A_1028 = arith.addi %mul3A_1027, %add3A : i32
      %mul3A_1029 = arith.constant 1024 : i32
      %mul3A_1030 = arith.muli %add3A_1028, %mul3A_1029 : i32
      %dma_start3A_1031 = arith.constant 4096 : i32
      %dma_start3A_1032 = tpu.memref_slice %arg14[%dma_start3A_1031] : memref<8192xf32, #tpu.memory_space<vmem>> -> memref<1024xf32, #tpu.memory_space<vmem>>
      %dma_start3A_1033 = tpu.memref_slice %arg4[%mul3A_1030] : memref<52428800xf32, #tpu.memory_space<hbm>> -> memref<1024xf32, #tpu.memory_space<hbm>>
      %dma_start3A_1034 = tpu.memref_slice %arg4[%mul3A_1030] : memref<52428800xf32, #tpu.memory_space<hbm>> -> memref<1024xf32, #tpu.memory_space<hbm>>
      %dma_start3A_1035 = arith.constant 4096 : i32
      %dma_start3A_1036 = tpu.memref_slice %arg14[%dma_start3A_1035] : memref<8192xf32, #tpu.memory_space<vmem>> -> memref<1024xf32, #tpu.memory_space<vmem>>
      tpu.enqueue_dma source(%dma_start3A_1036 : memref<1024xf32, #tpu.memory_space<vmem>>) target(%dma_start3A_1034 : memref<1024xf32, #tpu.memory_space<hbm>>) target_semaphore(%arg24 : memref<!tpu.dma_semaphore, #tpu.memory_space<semaphore_mem>>)
      %mul3A_1037 = arith.constant 8 : i32
      %mul3A_1038 = arith.muli %add3A_961, %mul3A_1037 : i32
      %add3A_1039 = arith.constant 5 : i32
      %add3A_1040 = arith.addi %mul3A_1038, %add3A_1039 : i32
      %mul3A_1041 = arith.constant 32 : i32
      %mul3A_1042 = arith.muli %add3A_1040, %mul3A_1041 : i32
      %add3A_1043 = arith.addi %mul3A_1042, %add3A : i32
      %mul3A_1044 = arith.constant 1024 : i32
      %mul3A_1045 = arith.muli %add3A_1043, %mul3A_1044 : i32
      %dma_start3A_1046 = arith.constant 5120 : i32
      %dma_start3A_1047 = tpu.memref_slice %arg14[%dma_start3A_1046] : memref<8192xf32, #tpu.memory_space<vmem>> -> memref<1024xf32, #tpu.memory_space<vmem>>
      %dma_start3A_1048 = tpu.memref_slice %arg4[%mul3A_1045] : memref<52428800xf32, #tpu.memory_space<hbm>> -> memref<1024xf32, #tpu.memory_space<hbm>>
      %dma_start3A_1049 = tpu.memref_slice %arg4[%mul3A_1045] : memref<52428800xf32, #tpu.memory_space<hbm>> -> memref<1024xf32, #tpu.memory_space<hbm>>
      %dma_start3A_1050 = arith.constant 5120 : i32
      %dma_start3A_1051 = tpu.memref_slice %arg14[%dma_start3A_1050] : memref<8192xf32, #tpu.memory_space<vmem>> -> memref<1024xf32, #tpu.memory_space<vmem>>
      tpu.enqueue_dma source(%dma_start3A_1051 : memref<1024xf32, #tpu.memory_space<vmem>>) target(%dma_start3A_1049 : memref<1024xf32, #tpu.memory_space<hbm>>) target_semaphore(%arg24 : memref<!tpu.dma_semaphore, #tpu.memory_space<semaphore_mem>>)
      %mul3A_1052 = arith.constant 8 : i32
      %mul3A_1053 = arith.muli %add3A_961, %mul3A_1052 : i32
      %add3A_1054 = arith.constant 6 : i32
      %add3A_1055 = arith.addi %mul3A_1053, %add3A_1054 : i32
      %mul3A_1056 = arith.constant 32 : i32
      %mul3A_1057 = arith.muli %add3A_1055, %mul3A_1056 : i32
      %add3A_1058 = arith.addi %mul3A_1057, %add3A : i32
      %mul3A_1059 = arith.constant 1024 : i32
      %mul3A_1060 = arith.muli %add3A_1058, %mul3A_1059 : i32
      %dma_start3A_1061 = arith.constant 6144 : i32
      %dma_start3A_1062 = tpu.memref_slice %arg14[%dma_start3A_1061] : memref<8192xf32, #tpu.memory_space<vmem>> -> memref<1024xf32, #tpu.memory_space<vmem>>
      %dma_start3A_1063 = tpu.memref_slice %arg4[%mul3A_1060] : memref<52428800xf32, #tpu.memory_space<hbm>> -> memref<1024xf32, #tpu.memory_space<hbm>>
      %dma_start3A_1064 = tpu.memref_slice %arg4[%mul3A_1060] : memref<52428800xf32, #tpu.memory_space<hbm>> -> memref<1024xf32, #tpu.memory_space<hbm>>
      %dma_start3A_1065 = arith.constant 6144 : i32
      %dma_start3A_1066 = tpu.memref_slice %arg14[%dma_start3A_1065] : memref<8192xf32, #tpu.memory_space<vmem>> -> memref<1024xf32, #tpu.memory_space<vmem>>
      tpu.enqueue_dma source(%dma_start3A_1066 : memref<1024xf32, #tpu.memory_space<vmem>>) target(%dma_start3A_1064 : memref<1024xf32, #tpu.memory_space<hbm>>) target_semaphore(%arg24 : memref<!tpu.dma_semaphore, #tpu.memory_space<semaphore_mem>>)
      %mul3A_1067 = arith.constant 8 : i32
      %mul3A_1068 = arith.muli %add3A_961, %mul3A_1067 : i32
      %add3A_1069 = arith.constant 7 : i32
      %add3A_1070 = arith.addi %mul3A_1068, %add3A_1069 : i32
      %mul3A_1071 = arith.constant 32 : i32
      %mul3A_1072 = arith.muli %add3A_1070, %mul3A_1071 : i32
      %add3A_1073 = arith.addi %mul3A_1072, %add3A : i32
      %mul3A_1074 = arith.constant 1024 : i32
      %mul3A_1075 = arith.muli %add3A_1073, %mul3A_1074 : i32
      %dma_start3A_1076 = arith.constant 7168 : i32
      %dma_start3A_1077 = tpu.memref_slice %arg14[%dma_start3A_1076] : memref<8192xf32, #tpu.memory_space<vmem>> -> memref<1024xf32, #tpu.memory_space<vmem>>
      %dma_start3A_1078 = tpu.memref_slice %arg4[%mul3A_1075] : memref<52428800xf32, #tpu.memory_space<hbm>> -> memref<1024xf32, #tpu.memory_space<hbm>>
      %dma_start3A_1079 = tpu.memref_slice %arg4[%mul3A_1075] : memref<52428800xf32, #tpu.memory_space<hbm>> -> memref<1024xf32, #tpu.memory_space<hbm>>
      %dma_start3A_1080 = arith.constant 7168 : i32
      %dma_start3A_1081 = tpu.memref_slice %arg14[%dma_start3A_1080] : memref<8192xf32, #tpu.memory_space<vmem>> -> memref<1024xf32, #tpu.memory_space<vmem>>
      tpu.enqueue_dma source(%dma_start3A_1081 : memref<1024xf32, #tpu.memory_space<vmem>>) target(%dma_start3A_1079 : memref<1024xf32, #tpu.memory_space<hbm>>) target_semaphore(%arg24 : memref<!tpu.dma_semaphore, #tpu.memory_space<semaphore_mem>>)
      %add3A_1082 = arith.constant 4 : i32
      %add3A_1083 = arith.addi %mul3A_533, %add3A_1082 : i32
      %dma_wait3A_1084 = arith.constant 0 : i32
      %dma_wait3A_1085 = tpu.memref_slice %arg5[%add3A_1083, %dma_wait3A_1084] : memref<200x128xi32, #tpu.memory_space<vmem>> -> memref<1x128xi32, #tpu.memory_space<vmem>>
      %dma_wait3A_1086 = tpu.memref_squeeze %dma_wait3A_1085 : memref<1x128xi32, #tpu.memory_space<vmem>> -> memref<128xi32, #tpu.memory_space<vmem>>
      %dma_wait3A_1087 = arith.constant 0 : i32
      %dma_wait3A_1088 = arith.constant 0 : i32
      %dma_wait3A_1089 = tpu.memref_slice %arg2[%dma_wait3A_1087, %dma_wait3A_1088] : memref<1000000x64xf32, #tpu.memory_space<hbm>> -> memref<1000000x64xf32, #tpu.memory_space<hbm>>
      tpu.wait_indirect_dma semaphore(%arg20 : memref<!tpu.dma_semaphore, #tpu.memory_space<semaphore_mem>>) src(%dma_wait3A_1089 : memref<1000000x64xf32, #tpu.memory_space<hbm>>) dst(%arg10 : memref<128x64xf32, #tpu.memory_space<vmem>>)
      %scan3A_1090 = arith.constant 0 : i32
      %scan3A_1091 = arith.constant 0 : i32
      %scan3A_1092 = arith.constant 16 : i32
      %scan3A_1093 = arith.addi %scan3A_1091, %scan3A_1092 : i32
      %scan3A_1094 = arith.constant 1 : i32
      %scan3A_1095 = scf.for %scan3A_1290 = %scan3A_1091 to %scan3A_1093 step %scan3A_1094 iter_args(%scan3A_1291 = %scan3A_1090) -> (i32)  : i32 {
        %add3A_1292 = vector.broadcast %scan3A_1290 : i32 to vector<16xi32>
        %add3A_1293 = arith.addi %iota3A, %add3A_1292 : vector<16xi32>
        %and3A = arith.constant 15 : i32
        %and3A_1294 = vector.broadcast %and3A : i32 to vector<16xi32>
        %and3A_1295 = arith.andi %add3A_1293, %and3A_1294 : vector<16xi32>
        %add3A_1296 = arith.constant 0 : i32
        %add3A_1297 = vector.broadcast %add3A_1296 : i32 to vector<16xi32>
        %add3A_1298 = arith.addi %and3A_1295, %add3A_1297 : vector<16xi32>
        %add3A_1299 = arith.constant 16 : i32
        %add3A_1300 = vector.broadcast %add3A_1299 : i32 to vector<16xi32>
        %add3A_1301 = arith.addi %and3A_1295, %add3A_1300 : vector<16xi32>
        %add3A_1302 = arith.constant 32 : i32
        %add3A_1303 = vector.broadcast %add3A_1302 : i32 to vector<16xi32>
        %add3A_1304 = arith.addi %and3A_1295, %add3A_1303 : vector<16xi32>
        %add3A_1305 = arith.constant 48 : i32
        %add3A_1306 = vector.broadcast %add3A_1305 : i32 to vector<16xi32>
        %add3A_1307 = arith.addi %and3A_1295, %add3A_1306 : vector<16xi32>
        %mul3A_1308 = arith.constant 128 : i32
        %mul3A_1309 = vector.broadcast %mul3A_1308 : i32 to vector<16xi32>
        %mul3A_1310 = arith.muli %add3A_1298, %mul3A_1309 : vector<16xi32>
        %mul3A_1311 = arith.constant 128 : i32
        %mul3A_1312 = vector.broadcast %mul3A_1311 : i32 to vector<16xi32>
        %mul3A_1313 = arith.muli %add3A_1301, %mul3A_1312 : vector<16xi32>
        %mul3A_1314 = arith.constant 128 : i32
        %mul3A_1315 = vector.broadcast %mul3A_1314 : i32 to vector<16xi32>
        %mul3A_1316 = arith.muli %add3A_1304, %mul3A_1315 : vector<16xi32>
        %mul3A_1317 = arith.constant 128 : i32
        %mul3A_1318 = vector.broadcast %mul3A_1317 : i32 to vector<16xi32>
        %mul3A_1319 = arith.muli %add3A_1307, %mul3A_1318 : vector<16xi32>
        %scan3A_1320 = arith.constant 0 : i32
        %scan3A_1321 = arith.constant 0 : i32
        %scan3A_1322 = arith.constant 8 : i32
        %scan3A_1323 = arith.addi %scan3A_1321, %scan3A_1322 : i32
        %scan3A_1324 = arith.constant 1 : i32
        %scan3A_1325 = scf.for %scan3A_1328 = %scan3A_1321 to %scan3A_1323 step %scan3A_1324 iter_args(%scan3A_1329 = %scan3A_1320) -> (i32)  : i32 {
          %mul3A_1330 = arith.constant 16 : i32
          %mul3A_1331 = arith.muli %scan3A_1328, %mul3A_1330 : i32
          %add3A_1332 = vector.broadcast %mul3A_1331 : i32 to vector<16xi32>
          %add3A_1333 = arith.addi %iota3A, %add3A_1332 : vector<16xi32>
          %gather3A = tpu.vector_load_idx %arg10[%add3A_1333, %add3A_1298] : memref<128x64xf32, #tpu.memory_space<vmem>>[vector<16xi32>, vector<16xi32>], vector<16xf32>,
          %mul3A_1334 = arith.constant 8.000000e+00 : f32
          %mul3A_1335 = vector.broadcast %mul3A_1334 : f32 to vector<16xf32>
          %mul3A_1336 = arith.mulf %gather3A, %mul3A_1335 : vector<16xf32>
          %gather3A_1337 = tpu.vector_load_idx %arg10[%add3A_1333, %add3A_1301] : memref<128x64xf32, #tpu.memory_space<vmem>>[vector<16xi32>, vector<16xi32>], vector<16xf32>,
          %mul3A_1338 = arith.constant 8.000000e+00 : f32
          %mul3A_1339 = vector.broadcast %mul3A_1338 : f32 to vector<16xf32>
          %mul3A_1340 = arith.mulf %gather3A_1337, %mul3A_1339 : vector<16xf32>
          %gather3A_1341 = tpu.vector_load_idx %arg10[%add3A_1333, %add3A_1304] : memref<128x64xf32, #tpu.memory_space<vmem>>[vector<16xi32>, vector<16xi32>], vector<16xf32>,
          %mul3A_1342 = arith.constant 8.000000e+00 : f32
          %mul3A_1343 = vector.broadcast %mul3A_1342 : f32 to vector<16xf32>
          %mul3A_1344 = arith.mulf %gather3A_1341, %mul3A_1343 : vector<16xf32>
          %gather3A_1345 = tpu.vector_load_idx %arg10[%add3A_1333, %add3A_1307] : memref<128x64xf32, #tpu.memory_space<vmem>>[vector<16xi32>, vector<16xi32>], vector<16xf32>,
          %mul3A_1346 = arith.constant 8.000000e+00 : f32
          %mul3A_1347 = vector.broadcast %mul3A_1346 : f32 to vector<16xf32>
          %mul3A_1348 = arith.mulf %gather3A_1345, %mul3A_1347 : vector<16xf32>
          %add3A_1349 = arith.addi %mul3A_1310, %add3A_1333 : vector<16xi32>
          tpu.vector_store_idx %arg15[%add3A_1349], %mul3A_1336 : memref<8192xf32, #tpu.memory_space<vmem>>[vector<16xi32>], vector<16xf32>,
          %add3A_1350 = arith.addi %mul3A_1313, %add3A_1333 : vector<16xi32>
          tpu.vector_store_idx %arg15[%add3A_1350], %mul3A_1340 : memref<8192xf32, #tpu.memory_space<vmem>>[vector<16xi32>], vector<16xf32>,
          %add3A_1351 = arith.addi %mul3A_1316, %add3A_1333 : vector<16xi32>
          tpu.vector_store_idx %arg15[%add3A_1351], %mul3A_1344 : memref<8192xf32, #tpu.memory_space<vmem>>[vector<16xi32>], vector<16xf32>,
          %add3A_1352 = arith.addi %mul3A_1319, %add3A_1333 : vector<16xi32>
          tpu.vector_store_idx %arg15[%add3A_1352], %mul3A_1348 : memref<8192xf32, #tpu.memory_space<vmem>>[vector<16xi32>], vector<16xf32>,
          %scan3A_1353 = arith.constant 0 : i32
          scf.yield %scan3A_1353 : i32
        }
        %scan3A_1326 = arith.constant 8 : i32
        %scan3A_1327 = arith.constant 0 : i32
        scf.yield %scan3A_1327 : i32
      }
      %scan3A_1096 = arith.constant 16 : i32
      %add3A_1097 = arith.constant 4 : i32
      %add3A_1098 = arith.addi %mul3A_533, %add3A_1097 : i32
      %mul3A_1099 = arith.constant 8 : i32
      %mul3A_1100 = arith.muli %add3A_1098, %mul3A_1099 : i32
      %add3A_1101 = arith.constant 0 : i32
      %add3A_1102 = arith.addi %mul3A_1100, %add3A_1101 : i32
      %mul3A_1103 = arith.constant 32 : i32
      %mul3A_1104 = arith.muli %add3A_1102, %mul3A_1103 : i32
      %add3A_1105 = arith.addi %mul3A_1104, %add3A : i32
      %mul3A_1106 = arith.constant 1024 : i32
      %mul3A_1107 = arith.muli %add3A_1105, %mul3A_1106 : i32
      %dma_start3A_1108 = arith.constant 0 : i32
      %dma_start3A_1109 = tpu.memref_slice %arg15[%dma_start3A_1108] : memref<8192xf32, #tpu.memory_space<vmem>> -> memref<1024xf32, #tpu.memory_space<vmem>>
      %dma_start3A_1110 = tpu.memref_slice %arg4[%mul3A_1107] : memref<52428800xf32, #tpu.memory_space<hbm>> -> memref<1024xf32, #tpu.memory_space<hbm>>
      %dma_start3A_1111 = tpu.memref_slice %arg4[%mul3A_1107] : memref<52428800xf32, #tpu.memory_space<hbm>> -> memref<1024xf32, #tpu.memory_space<hbm>>
      %dma_start3A_1112 = arith.constant 0 : i32
      %dma_start3A_1113 = tpu.memref_slice %arg15[%dma_start3A_1112] : memref<8192xf32, #tpu.memory_space<vmem>> -> memref<1024xf32, #tpu.memory_space<vmem>>
      tpu.enqueue_dma source(%dma_start3A_1113 : memref<1024xf32, #tpu.memory_space<vmem>>) target(%dma_start3A_1111 : memref<1024xf32, #tpu.memory_space<hbm>>) target_semaphore(%arg25 : memref<!tpu.dma_semaphore, #tpu.memory_space<semaphore_mem>>)
      %mul3A_1114 = arith.constant 8 : i32
      %mul3A_1115 = arith.muli %add3A_1098, %mul3A_1114 : i32
      %add3A_1116 = arith.constant 1 : i32
      %add3A_1117 = arith.addi %mul3A_1115, %add3A_1116 : i32
      %mul3A_1118 = arith.constant 32 : i32
      %mul3A_1119 = arith.muli %add3A_1117, %mul3A_1118 : i32
      %add3A_1120 = arith.addi %mul3A_1119, %add3A : i32
      %mul3A_1121 = arith.constant 1024 : i32
      %mul3A_1122 = arith.muli %add3A_1120, %mul3A_1121 : i32
      %dma_start3A_1123 = arith.constant 1024 : i32
      %dma_start3A_1124 = tpu.memref_slice %arg15[%dma_start3A_1123] : memref<8192xf32, #tpu.memory_space<vmem>> -> memref<1024xf32, #tpu.memory_space<vmem>>
      %dma_start3A_1125 = tpu.memref_slice %arg4[%mul3A_1122] : memref<52428800xf32, #tpu.memory_space<hbm>> -> memref<1024xf32, #tpu.memory_space<hbm>>
      %dma_start3A_1126 = tpu.memref_slice %arg4[%mul3A_1122] : memref<52428800xf32, #tpu.memory_space<hbm>> -> memref<1024xf32, #tpu.memory_space<hbm>>
      %dma_start3A_1127 = arith.constant 1024 : i32
      %dma_start3A_1128 = tpu.memref_slice %arg15[%dma_start3A_1127] : memref<8192xf32, #tpu.memory_space<vmem>> -> memref<1024xf32, #tpu.memory_space<vmem>>
      tpu.enqueue_dma source(%dma_start3A_1128 : memref<1024xf32, #tpu.memory_space<vmem>>) target(%dma_start3A_1126 : memref<1024xf32, #tpu.memory_space<hbm>>) target_semaphore(%arg25 : memref<!tpu.dma_semaphore, #tpu.memory_space<semaphore_mem>>)
      %mul3A_1129 = arith.constant 8 : i32
      %mul3A_1130 = arith.muli %add3A_1098, %mul3A_1129 : i32
      %add3A_1131 = arith.constant 2 : i32
      %add3A_1132 = arith.addi %mul3A_1130, %add3A_1131 : i32
      %mul3A_1133 = arith.constant 32 : i32
      %mul3A_1134 = arith.muli %add3A_1132, %mul3A_1133 : i32
      %add3A_1135 = arith.addi %mul3A_1134, %add3A : i32
      %mul3A_1136 = arith.constant 1024 : i32
      %mul3A_1137 = arith.muli %add3A_1135, %mul3A_1136 : i32
      %dma_start3A_1138 = arith.constant 2048 : i32
      %dma_start3A_1139 = tpu.memref_slice %arg15[%dma_start3A_1138] : memref<8192xf32, #tpu.memory_space<vmem>> -> memref<1024xf32, #tpu.memory_space<vmem>>
      %dma_start3A_1140 = tpu.memref_slice %arg4[%mul3A_1137] : memref<52428800xf32, #tpu.memory_space<hbm>> -> memref<1024xf32, #tpu.memory_space<hbm>>
      %dma_start3A_1141 = tpu.memref_slice %arg4[%mul3A_1137] : memref<52428800xf32, #tpu.memory_space<hbm>> -> memref<1024xf32, #tpu.memory_space<hbm>>
      %dma_start3A_1142 = arith.constant 2048 : i32
      %dma_start3A_1143 = tpu.memref_slice %arg15[%dma_start3A_1142] : memref<8192xf32, #tpu.memory_space<vmem>> -> memref<1024xf32, #tpu.memory_space<vmem>>
      tpu.enqueue_dma source(%dma_start3A_1143 : memref<1024xf32, #tpu.memory_space<vmem>>) target(%dma_start3A_1141 : memref<1024xf32, #tpu.memory_space<hbm>>) target_semaphore(%arg25 : memref<!tpu.dma_semaphore, #tpu.memory_space<semaphore_mem>>)
      %mul3A_1144 = arith.constant 8 : i32
      %mul3A_1145 = arith.muli %add3A_1098, %mul3A_1144 : i32
      %add3A_1146 = arith.constant 3 : i32
      %add3A_1147 = arith.addi %mul3A_1145, %add3A_1146 : i32
      %mul3A_1148 = arith.constant 32 : i32
      %mul3A_1149 = arith.muli %add3A_1147, %mul3A_1148 : i32
      %add3A_1150 = arith.addi %mul3A_1149, %add3A : i32
      %mul3A_1151 = arith.constant 1024 : i32
      %mul3A_1152 = arith.muli %add3A_1150, %mul3A_1151 : i32
      %dma_start3A_1153 = arith.constant 3072 : i32
      %dma_start3A_1154 = tpu.memref_slice %arg15[%dma_start3A_1153] : memref<8192xf32, #tpu.memory_space<vmem>> -> memref<1024xf32, #tpu.memory_space<vmem>>
      %dma_start3A_1155 = tpu.memref_slice %arg4[%mul3A_1152] : memref<52428800xf32, #tpu.memory_space<hbm>> -> memref<1024xf32, #tpu.memory_space<hbm>>
      %dma_start3A_1156 = tpu.memref_slice %arg4[%mul3A_1152] : memref<52428800xf32, #tpu.memory_space<hbm>> -> memref<1024xf32, #tpu.memory_space<hbm>>
      %dma_start3A_1157 = arith.constant 3072 : i32
      %dma_start3A_1158 = tpu.memref_slice %arg15[%dma_start3A_1157] : memref<8192xf32, #tpu.memory_space<vmem>> -> memref<1024xf32, #tpu.memory_space<vmem>>
      tpu.enqueue_dma source(%dma_start3A_1158 : memref<1024xf32, #tpu.memory_space<vmem>>) target(%dma_start3A_1156 : memref<1024xf32, #tpu.memory_space<hbm>>) target_semaphore(%arg25 : memref<!tpu.dma_semaphore, #tpu.memory_space<semaphore_mem>>)
      %mul3A_1159 = arith.constant 8 : i32
      %mul3A_1160 = arith.muli %add3A_1098, %mul3A_1159 : i32
      %add3A_1161 = arith.constant 4 : i32
      %add3A_1162 = arith.addi %mul3A_1160, %add3A_1161 : i32
      %mul3A_1163 = arith.constant 32 : i32
      %mul3A_1164 = arith.muli %add3A_1162, %mul3A_1163 : i32
      %add3A_1165 = arith.addi %mul3A_1164, %add3A : i32
      %mul3A_1166 = arith.constant 1024 : i32
      %mul3A_1167 = arith.muli %add3A_1165, %mul3A_1166 : i32
      %dma_start3A_1168 = arith.constant 4096 : i32
      %dma_start3A_1169 = tpu.memref_slice %arg15[%dma_start3A_1168] : memref<8192xf32, #tpu.memory_space<vmem>> -> memref<1024xf32, #tpu.memory_space<vmem>>
      %dma_start3A_1170 = tpu.memref_slice %arg4[%mul3A_1167] : memref<52428800xf32, #tpu.memory_space<hbm>> -> memref<1024xf32, #tpu.memory_space<hbm>>
      %dma_start3A_1171 = tpu.memref_slice %arg4[%mul3A_1167] : memref<52428800xf32, #tpu.memory_space<hbm>> -> memref<1024xf32, #tpu.memory_space<hbm>>
      %dma_start3A_1172 = arith.constant 4096 : i32
      %dma_start3A_1173 = tpu.memref_slice %arg15[%dma_start3A_1172] : memref<8192xf32, #tpu.memory_space<vmem>> -> memref<1024xf32, #tpu.memory_space<vmem>>
      tpu.enqueue_dma source(%dma_start3A_1173 : memref<1024xf32, #tpu.memory_space<vmem>>) target(%dma_start3A_1171 : memref<1024xf32, #tpu.memory_space<hbm>>) target_semaphore(%arg25 : memref<!tpu.dma_semaphore, #tpu.memory_space<semaphore_mem>>)
      %mul3A_1174 = arith.constant 8 : i32
      %mul3A_1175 = arith.muli %add3A_1098, %mul3A_1174 : i32
      %add3A_1176 = arith.constant 5 : i32
      %add3A_1177 = arith.addi %mul3A_1175, %add3A_1176 : i32
      %mul3A_1178 = arith.constant 32 : i32
      %mul3A_1179 = arith.muli %add3A_1177, %mul3A_1178 : i32
      %add3A_1180 = arith.addi %mul3A_1179, %add3A : i32
      %mul3A_1181 = arith.constant 1024 : i32
      %mul3A_1182 = arith.muli %add3A_1180, %mul3A_1181 : i32
      %dma_start3A_1183 = arith.constant 5120 : i32
      %dma_start3A_1184 = tpu.memref_slice %arg15[%dma_start3A_1183] : memref<8192xf32, #tpu.memory_space<vmem>> -> memref<1024xf32, #tpu.memory_space<vmem>>
      %dma_start3A_1185 = tpu.memref_slice %arg4[%mul3A_1182] : memref<52428800xf32, #tpu.memory_space<hbm>> -> memref<1024xf32, #tpu.memory_space<hbm>>
      %dma_start3A_1186 = tpu.memref_slice %arg4[%mul3A_1182] : memref<52428800xf32, #tpu.memory_space<hbm>> -> memref<1024xf32, #tpu.memory_space<hbm>>
      %dma_start3A_1187 = arith.constant 5120 : i32
      %dma_start3A_1188 = tpu.memref_slice %arg15[%dma_start3A_1187] : memref<8192xf32, #tpu.memory_space<vmem>> -> memref<1024xf32, #tpu.memory_space<vmem>>
      tpu.enqueue_dma source(%dma_start3A_1188 : memref<1024xf32, #tpu.memory_space<vmem>>) target(%dma_start3A_1186 : memref<1024xf32, #tpu.memory_space<hbm>>) target_semaphore(%arg25 : memref<!tpu.dma_semaphore, #tpu.memory_space<semaphore_mem>>)
      %mul3A_1189 = arith.constant 8 : i32
      %mul3A_1190 = arith.muli %add3A_1098, %mul3A_1189 : i32
      %add3A_1191 = arith.constant 6 : i32
      %add3A_1192 = arith.addi %mul3A_1190, %add3A_1191 : i32
      %mul3A_1193 = arith.constant 32 : i32
      %mul3A_1194 = arith.muli %add3A_1192, %mul3A_1193 : i32
      %add3A_1195 = arith.addi %mul3A_1194, %add3A : i32
      %mul3A_1196 = arith.constant 1024 : i32
      %mul3A_1197 = arith.muli %add3A_1195, %mul3A_1196 : i32
      %dma_start3A_1198 = arith.constant 6144 : i32
      %dma_start3A_1199 = tpu.memref_slice %arg15[%dma_start3A_1198] : memref<8192xf32, #tpu.memory_space<vmem>> -> memref<1024xf32, #tpu.memory_space<vmem>>
      %dma_start3A_1200 = tpu.memref_slice %arg4[%mul3A_1197] : memref<52428800xf32, #tpu.memory_space<hbm>> -> memref<1024xf32, #tpu.memory_space<hbm>>
      %dma_start3A_1201 = tpu.memref_slice %arg4[%mul3A_1197] : memref<52428800xf32, #tpu.memory_space<hbm>> -> memref<1024xf32, #tpu.memory_space<hbm>>
      %dma_start3A_1202 = arith.constant 6144 : i32
      %dma_start3A_1203 = tpu.memref_slice %arg15[%dma_start3A_1202] : memref<8192xf32, #tpu.memory_space<vmem>> -> memref<1024xf32, #tpu.memory_space<vmem>>
      tpu.enqueue_dma source(%dma_start3A_1203 : memref<1024xf32, #tpu.memory_space<vmem>>) target(%dma_start3A_1201 : memref<1024xf32, #tpu.memory_space<hbm>>) target_semaphore(%arg25 : memref<!tpu.dma_semaphore, #tpu.memory_space<semaphore_mem>>)
      %mul3A_1204 = arith.constant 8 : i32
      %mul3A_1205 = arith.muli %add3A_1098, %mul3A_1204 : i32
      %add3A_1206 = arith.constant 7 : i32
      %add3A_1207 = arith.addi %mul3A_1205, %add3A_1206 : i32
      %mul3A_1208 = arith.constant 32 : i32
      %mul3A_1209 = arith.muli %add3A_1207, %mul3A_1208 : i32
      %add3A_1210 = arith.addi %mul3A_1209, %add3A : i32
      %mul3A_1211 = arith.constant 1024 : i32
      %mul3A_1212 = arith.muli %add3A_1210, %mul3A_1211 : i32
      %dma_start3A_1213 = arith.constant 7168 : i32
      %dma_start3A_1214 = tpu.memref_slice %arg15[%dma_start3A_1213] : memref<8192xf32, #tpu.memory_space<vmem>> -> memref<1024xf32, #tpu.memory_space<vmem>>
      %dma_start3A_1215 = tpu.memref_slice %arg4[%mul3A_1212] : memref<52428800xf32, #tpu.memory_space<hbm>> -> memref<1024xf32, #tpu.memory_space<hbm>>
      %dma_start3A_1216 = tpu.memref_slice %arg4[%mul3A_1212] : memref<52428800xf32, #tpu.memory_space<hbm>> -> memref<1024xf32, #tpu.memory_space<hbm>>
      %dma_start3A_1217 = arith.constant 7168 : i32
      %dma_start3A_1218 = tpu.memref_slice %arg15[%dma_start3A_1217] : memref<8192xf32, #tpu.memory_space<vmem>> -> memref<1024xf32, #tpu.memory_space<vmem>>
      tpu.enqueue_dma source(%dma_start3A_1218 : memref<1024xf32, #tpu.memory_space<vmem>>) target(%dma_start3A_1216 : memref<1024xf32, #tpu.memory_space<hbm>>) target_semaphore(%arg25 : memref<!tpu.dma_semaphore, #tpu.memory_space<semaphore_mem>>)
      %mul3A_1219 = arith.constant 8192 : i32
      %mul3A_1220 = arith.muli %add3A, %mul3A_1219 : i32
      %dma_wait3A_1221 = tpu.memref_slice %arg4[%mul3A_1220] : memref<52428800xf32, #tpu.memory_space<hbm>> -> memref<8192xf32, #tpu.memory_space<hbm>>
      %dma_wait3A_1222 = tpu.memref_slice %arg4[%mul3A_1220] : memref<52428800xf32, #tpu.memory_space<hbm>> -> memref<8192xf32, #tpu.memory_space<hbm>>
      tpu.wait_dma2 semaphore(%arg21 : memref<!tpu.dma_semaphore, #tpu.memory_space<semaphore_mem>>) src(%arg11 : memref<8192xf32, #tpu.memory_space<vmem>>) dst(%dma_wait3A_1222 : memref<8192xf32, #tpu.memory_space<hbm>>)
      %add3A_1223 = arith.constant 5 : i32
      %add3A_1224 = arith.addi %mul3A_533, %add3A_1223 : i32
      %add3A_1225 = arith.constant 0 : i32
      %add3A_1226 = arith.addi %add3A_1224, %add3A_1225 : i32
      %dma_start3A_1227 = arith.constant 0 : i32
      %dma_start3A_1228 = tpu.memref_slice %arg5[%add3A_1226, %dma_start3A_1227] : memref<200x128xi32, #tpu.memory_space<vmem>> -> memref<1x128xi32, #tpu.memory_space<vmem>>
      %dma_start3A_1229 = tpu.memref_squeeze %dma_start3A_1228 : memref<1x128xi32, #tpu.memory_space<vmem>> -> memref<128xi32, #tpu.memory_space<vmem>>
      %dma_start3A_1230 = arith.constant 0 : i32
      %dma_start3A_1231 = arith.constant 0 : i32
      %dma_start3A_1232 = tpu.memref_slice %arg2[%dma_start3A_1230, %dma_start3A_1231] : memref<1000000x64xf32, #tpu.memory_space<hbm>> -> memref<1000000x64xf32, #tpu.memory_space<hbm>>
      tpu.enqueue_indirect_dma source(%dma_start3A_1232 : memref<1000000x64xf32, #tpu.memory_space<hbm>>) target(%arg6 : memref<128x64xf32, #tpu.memory_space<vmem>>) offsets(%dma_start3A_1229 : memref<128xi32, #tpu.memory_space<vmem>>) semaphore(%arg16 : memref<!tpu.dma_semaphore, #tpu.memory_space<semaphore_mem>>)
      %mul3A_1233 = arith.constant 8192 : i32
      %mul3A_1234 = arith.muli %add3A, %mul3A_1233 : i32
      %dma_wait3A_1235 = tpu.memref_slice %arg4[%mul3A_1234] : memref<52428800xf32, #tpu.memory_space<hbm>> -> memref<8192xf32, #tpu.memory_space<hbm>>
      %dma_wait3A_1236 = tpu.memref_slice %arg4[%mul3A_1234] : memref<52428800xf32, #tpu.memory_space<hbm>> -> memref<8192xf32, #tpu.memory_space<hbm>>
      tpu.wait_dma2 semaphore(%arg22 : memref<!tpu.dma_semaphore, #tpu.memory_space<semaphore_mem>>) src(%arg12 : memref<8192xf32, #tpu.memory_space<vmem>>) dst(%dma_wait3A_1236 : memref<8192xf32, #tpu.memory_space<hbm>>)
      %add3A_1237 = arith.constant 5 : i32
      %add3A_1238 = arith.addi %mul3A_533, %add3A_1237 : i32
      %add3A_1239 = arith.constant 1 : i32
      %add3A_1240 = arith.addi %add3A_1238, %add3A_1239 : i32
      %dma_start3A_1241 = arith.constant 0 : i32
      %dma_start3A_1242 = tpu.memref_slice %arg5[%add3A_1240, %dma_start3A_1241] : memref<200x128xi32, #tpu.memory_space<vmem>> -> memref<1x128xi32, #tpu.memory_space<vmem>>
      %dma_start3A_1243 = tpu.memref_squeeze %dma_start3A_1242 : memref<1x128xi32, #tpu.memory_space<vmem>> -> memref<128xi32, #tpu.memory_space<vmem>>
      %dma_start3A_1244 = arith.constant 0 : i32
      %dma_start3A_1245 = arith.constant 0 : i32
      %dma_start3A_1246 = tpu.memref_slice %arg2[%dma_start3A_1244, %dma_start3A_1245] : memref<1000000x64xf32, #tpu.memory_space<hbm>> -> memref<1000000x64xf32, #tpu.memory_space<hbm>>
      tpu.enqueue_indirect_dma source(%dma_start3A_1246 : memref<1000000x64xf32, #tpu.memory_space<hbm>>) target(%arg7 : memref<128x64xf32, #tpu.memory_space<vmem>>) offsets(%dma_start3A_1243 : memref<128xi32, #tpu.memory_space<vmem>>) semaphore(%arg17 : memref<!tpu.dma_semaphore, #tpu.memory_space<semaphore_mem>>)
      %mul3A_1247 = arith.constant 8192 : i32
      %mul3A_1248 = arith.muli %add3A, %mul3A_1247 : i32
      %dma_wait3A_1249 = tpu.memref_slice %arg4[%mul3A_1248] : memref<52428800xf32, #tpu.memory_space<hbm>> -> memref<8192xf32, #tpu.memory_space<hbm>>
      %dma_wait3A_1250 = tpu.memref_slice %arg4[%mul3A_1248] : memref<52428800xf32, #tpu.memory_space<hbm>> -> memref<8192xf32, #tpu.memory_space<hbm>>
      tpu.wait_dma2 semaphore(%arg23 : memref<!tpu.dma_semaphore, #tpu.memory_space<semaphore_mem>>) src(%arg13 : memref<8192xf32, #tpu.memory_space<vmem>>) dst(%dma_wait3A_1250 : memref<8192xf32, #tpu.memory_space<hbm>>)
      %add3A_1251 = arith.constant 5 : i32
      %add3A_1252 = arith.addi %mul3A_533, %add3A_1251 : i32
      %add3A_1253 = arith.constant 2 : i32
      %add3A_1254 = arith.addi %add3A_1252, %add3A_1253 : i32
      %dma_start3A_1255 = arith.constant 0 : i32
      %dma_start3A_1256 = tpu.memref_slice %arg5[%add3A_1254, %dma_start3A_1255] : memref<200x128xi32, #tpu.memory_space<vmem>> -> memref<1x128xi32, #tpu.memory_space<vmem>>
      %dma_start3A_1257 = tpu.memref_squeeze %dma_start3A_1256 : memref<1x128xi32, #tpu.memory_space<vmem>> -> memref<128xi32, #tpu.memory_space<vmem>>
      %dma_start3A_1258 = arith.constant 0 : i32
      %dma_start3A_1259 = arith.constant 0 : i32
      %dma_start3A_1260 = tpu.memref_slice %arg2[%dma_start3A_1258, %dma_start3A_1259] : memref<1000000x64xf32, #tpu.memory_space<hbm>> -> memref<1000000x64xf32, #tpu.memory_space<hbm>>
      tpu.enqueue_indirect_dma source(%dma_start3A_1260 : memref<1000000x64xf32, #tpu.memory_space<hbm>>) target(%arg8 : memref<128x64xf32, #tpu.memory_space<vmem>>) offsets(%dma_start3A_1257 : memref<128xi32, #tpu.memory_space<vmem>>) semaphore(%arg18 : memref<!tpu.dma_semaphore, #tpu.memory_space<semaphore_mem>>)
      %mul3A_1261 = arith.constant 8192 : i32
      %mul3A_1262 = arith.muli %add3A, %mul3A_1261 : i32
      %dma_wait3A_1263 = tpu.memref_slice %arg4[%mul3A_1262] : memref<52428800xf32, #tpu.memory_space<hbm>> -> memref<8192xf32, #tpu.memory_space<hbm>>
      %dma_wait3A_1264 = tpu.memref_slice %arg4[%mul3A_1262] : memref<52428800xf32, #tpu.memory_space<hbm>> -> memref<8192xf32, #tpu.memory_space<hbm>>
      tpu.wait_dma2 semaphore(%arg24 : memref<!tpu.dma_semaphore, #tpu.memory_space<semaphore_mem>>) src(%arg14 : memref<8192xf32, #tpu.memory_space<vmem>>) dst(%dma_wait3A_1264 : memref<8192xf32, #tpu.memory_space<hbm>>)
      %add3A_1265 = arith.constant 5 : i32
      %add3A_1266 = arith.addi %mul3A_533, %add3A_1265 : i32
      %add3A_1267 = arith.constant 3 : i32
      %add3A_1268 = arith.addi %add3A_1266, %add3A_1267 : i32
      %dma_start3A_1269 = arith.constant 0 : i32
      %dma_start3A_1270 = tpu.memref_slice %arg5[%add3A_1268, %dma_start3A_1269] : memref<200x128xi32, #tpu.memory_space<vmem>> -> memref<1x128xi32, #tpu.memory_space<vmem>>
      %dma_start3A_1271 = tpu.memref_squeeze %dma_start3A_1270 : memref<1x128xi32, #tpu.memory_space<vmem>> -> memref<128xi32, #tpu.memory_space<vmem>>
      %dma_start3A_1272 = arith.constant 0 : i32
      %dma_start3A_1273 = arith.constant 0 : i32
      %dma_start3A_1274 = tpu.memref_slice %arg2[%dma_start3A_1272, %dma_start3A_1273] : memref<1000000x64xf32, #tpu.memory_space<hbm>> -> memref<1000000x64xf32, #tpu.memory_space<hbm>>
      tpu.enqueue_indirect_dma source(%dma_start3A_1274 : memref<1000000x64xf32, #tpu.memory_space<hbm>>) target(%arg9 : memref<128x64xf32, #tpu.memory_space<vmem>>) offsets(%dma_start3A_1271 : memref<128xi32, #tpu.memory_space<vmem>>) semaphore(%arg19 : memref<!tpu.dma_semaphore, #tpu.memory_space<semaphore_mem>>)
      %mul3A_1275 = arith.constant 8192 : i32
      %mul3A_1276 = arith.muli %add3A, %mul3A_1275 : i32
      %dma_wait3A_1277 = tpu.memref_slice %arg4[%mul3A_1276] : memref<52428800xf32, #tpu.memory_space<hbm>> -> memref<8192xf32, #tpu.memory_space<hbm>>
      %dma_wait3A_1278 = tpu.memref_slice %arg4[%mul3A_1276] : memref<52428800xf32, #tpu.memory_space<hbm>> -> memref<8192xf32, #tpu.memory_space<hbm>>
      tpu.wait_dma2 semaphore(%arg25 : memref<!tpu.dma_semaphore, #tpu.memory_space<semaphore_mem>>) src(%arg15 : memref<8192xf32, #tpu.memory_space<vmem>>) dst(%dma_wait3A_1278 : memref<8192xf32, #tpu.memory_space<hbm>>)
      %add3A_1279 = arith.constant 5 : i32
      %add3A_1280 = arith.addi %mul3A_533, %add3A_1279 : i32
      %add3A_1281 = arith.constant 4 : i32
      %add3A_1282 = arith.addi %add3A_1280, %add3A_1281 : i32
      %dma_start3A_1283 = arith.constant 0 : i32
      %dma_start3A_1284 = tpu.memref_slice %arg5[%add3A_1282, %dma_start3A_1283] : memref<200x128xi32, #tpu.memory_space<vmem>> -> memref<1x128xi32, #tpu.memory_space<vmem>>
      %dma_start3A_1285 = tpu.memref_squeeze %dma_start3A_1284 : memref<1x128xi32, #tpu.memory_space<vmem>> -> memref<128xi32, #tpu.memory_space<vmem>>
      %dma_start3A_1286 = arith.constant 0 : i32
      %dma_start3A_1287 = arith.constant 0 : i32
      %dma_start3A_1288 = tpu.memref_slice %arg2[%dma_start3A_1286, %dma_start3A_1287] : memref<1000000x64xf32, #tpu.memory_space<hbm>> -> memref<1000000x64xf32, #tpu.memory_space<hbm>>
      tpu.enqueue_indirect_dma source(%dma_start3A_1288 : memref<1000000x64xf32, #tpu.memory_space<hbm>>) target(%arg10 : memref<128x64xf32, #tpu.memory_space<vmem>>) offsets(%dma_start3A_1285 : memref<128xi32, #tpu.memory_space<vmem>>) semaphore(%arg20 : memref<!tpu.dma_semaphore, #tpu.memory_space<semaphore_mem>>)
      %scan3A_1289 = arith.constant 0 : i32
      scf.yield %scan3A_1289 : i32
    }
    %scan3A_40 = arith.constant 39 : i32
    %dma_wait3A = arith.constant 195 : i32
    %dma_wait3A_41 = arith.constant 0 : i32
    %dma_wait3A_42 = tpu.memref_slice %arg5[%dma_wait3A, %dma_wait3A_41] : memref<200x128xi32, #tpu.memory_space<vmem>> -> memref<1x128xi32, #tpu.memory_space<vmem>>
    %dma_wait3A_43 = tpu.memref_squeeze %dma_wait3A_42 : memref<1x128xi32, #tpu.memory_space<vmem>> -> memref<128xi32, #tpu.memory_space<vmem>>
    %dma_wait3A_44 = arith.constant 0 : i32
    %dma_wait3A_45 = arith.constant 0 : i32
    %dma_wait3A_46 = tpu.memref_slice %arg2[%dma_wait3A_44, %dma_wait3A_45] : memref<1000000x64xf32, #tpu.memory_space<hbm>> -> memref<1000000x64xf32, #tpu.memory_space<hbm>>
    tpu.wait_indirect_dma semaphore(%arg16 : memref<!tpu.dma_semaphore, #tpu.memory_space<semaphore_mem>>) src(%dma_wait3A_46 : memref<1000000x64xf32, #tpu.memory_space<hbm>>) dst(%arg6 : memref<128x64xf32, #tpu.memory_space<vmem>>)
    %scan3A_47 = arith.constant 0 : i32
    %scan3A_48 = arith.constant 0 : i32
    %scan3A_49 = arith.constant 16 : i32
    %scan3A_50 = arith.addi %scan3A_48, %scan3A_49 : i32
    %scan3A_51 = arith.constant 1 : i32
    %scan3A_52 = scf.for %scan3A_530 = %scan3A_48 to %scan3A_50 step %scan3A_51 iter_args(%scan3A_531 = %scan3A_47) -> (i32)  : i32 {
      %add3A_532 = vector.broadcast %scan3A_530 : i32 to vector<16xi32>
      %add3A_533 = arith.addi %iota3A, %add3A_532 : vector<16xi32>
      %and3A = arith.constant 15 : i32
      %and3A_534 = vector.broadcast %and3A : i32 to vector<16xi32>
      %and3A_535 = arith.andi %add3A_533, %and3A_534 : vector<16xi32>
      %add3A_536 = arith.constant 0 : i32
      %add3A_537 = vector.broadcast %add3A_536 : i32 to vector<16xi32>
      %add3A_538 = arith.addi %and3A_535, %add3A_537 : vector<16xi32>
      %add3A_539 = arith.constant 16 : i32
      %add3A_540 = vector.broadcast %add3A_539 : i32 to vector<16xi32>
      %add3A_541 = arith.addi %and3A_535, %add3A_540 : vector<16xi32>
      %add3A_542 = arith.constant 32 : i32
      %add3A_543 = vector.broadcast %add3A_542 : i32 to vector<16xi32>
      %add3A_544 = arith.addi %and3A_535, %add3A_543 : vector<16xi32>
      %add3A_545 = arith.constant 48 : i32
      %add3A_546 = vector.broadcast %add3A_545 : i32 to vector<16xi32>
      %add3A_547 = arith.addi %and3A_535, %add3A_546 : vector<16xi32>
      %mul3A_548 = arith.constant 128 : i32
      %mul3A_549 = vector.broadcast %mul3A_548 : i32 to vector<16xi32>
      %mul3A_550 = arith.muli %add3A_538, %mul3A_549 : vector<16xi32>
      %mul3A_551 = arith.constant 128 : i32
      %mul3A_552 = vector.broadcast %mul3A_551 : i32 to vector<16xi32>
      %mul3A_553 = arith.muli %add3A_541, %mul3A_552 : vector<16xi32>
      %mul3A_554 = arith.constant 128 : i32
      %mul3A_555 = vector.broadcast %mul3A_554 : i32 to vector<16xi32>
      %mul3A_556 = arith.muli %add3A_544, %mul3A_555 : vector<16xi32>
      %mul3A_557 = arith.constant 128 : i32
      %mul3A_558 = vector.broadcast %mul3A_557 : i32 to vector<16xi32>
      %mul3A_559 = arith.muli %add3A_547, %mul3A_558 : vector<16xi32>
      %scan3A_560 = arith.constant 0 : i32
      %scan3A_561 = arith.constant 0 : i32
      %scan3A_562 = arith.constant 8 : i32
      %scan3A_563 = arith.addi %scan3A_561, %scan3A_562 : i32
      %scan3A_564 = arith.constant 1 : i32
      %scan3A_565 = scf.for %scan3A_568 = %scan3A_561 to %scan3A_563 step %scan3A_564 iter_args(%scan3A_569 = %scan3A_560) -> (i32)  : i32 {
        %mul3A_570 = arith.constant 16 : i32
        %mul3A_571 = arith.muli %scan3A_568, %mul3A_570 : i32
        %add3A_572 = vector.broadcast %mul3A_571 : i32 to vector<16xi32>
        %add3A_573 = arith.addi %iota3A, %add3A_572 : vector<16xi32>
        %gather3A = tpu.vector_load_idx %arg6[%add3A_573, %add3A_538] : memref<128x64xf32, #tpu.memory_space<vmem>>[vector<16xi32>, vector<16xi32>], vector<16xf32>,
        %mul3A_574 = arith.constant 8.000000e+00 : f32
        %mul3A_575 = vector.broadcast %mul3A_574 : f32 to vector<16xf32>
        %mul3A_576 = arith.mulf %gather3A, %mul3A_575 : vector<16xf32>
        %gather3A_577 = tpu.vector_load_idx %arg6[%add3A_573, %add3A_541] : memref<128x64xf32, #tpu.memory_space<vmem>>[vector<16xi32>, vector<16xi32>], vector<16xf32>,
        %mul3A_578 = arith.constant 8.000000e+00 : f32
        %mul3A_579 = vector.broadcast %mul3A_578 : f32 to vector<16xf32>
        %mul3A_580 = arith.mulf %gather3A_577, %mul3A_579 : vector<16xf32>
        %gather3A_581 = tpu.vector_load_idx %arg6[%add3A_573, %add3A_544] : memref<128x64xf32, #tpu.memory_space<vmem>>[vector<16xi32>, vector<16xi32>], vector<16xf32>,
        %mul3A_582 = arith.constant 8.000000e+00 : f32
        %mul3A_583 = vector.broadcast %mul3A_582 : f32 to vector<16xf32>
        %mul3A_584 = arith.mulf %gather3A_581, %mul3A_583 : vector<16xf32>
        %gather3A_585 = tpu.vector_load_idx %arg6[%add3A_573, %add3A_547] : memref<128x64xf32, #tpu.memory_space<vmem>>[vector<16xi32>, vector<16xi32>], vector<16xf32>,
        %mul3A_586 = arith.constant 8.000000e+00 : f32
        %mul3A_587 = vector.broadcast %mul3A_586 : f32 to vector<16xf32>
        %mul3A_588 = arith.mulf %gather3A_585, %mul3A_587 : vector<16xf32>
        %add3A_589 = arith.addi %mul3A_550, %add3A_573 : vector<16xi32>
        tpu.vector_store_idx %arg11[%add3A_589], %mul3A_576 : memref<8192xf32, #tpu.memory_space<vmem>>[vector<16xi32>], vector<16xf32>,
        %add3A_590 = arith.addi %mul3A_553, %add3A_573 : vector<16xi32>
        tpu.vector_store_idx %arg11[%add3A_590], %mul3A_580 : memref<8192xf32, #tpu.memory_space<vmem>>[vector<16xi32>], vector<16xf32>,
        %add3A_591 = arith.addi %mul3A_556, %add3A_573 : vector<16xi32>
        tpu.vector_store_idx %arg11[%add3A_591], %mul3A_584 : memref<8192xf32, #tpu.memory_space<vmem>>[vector<16xi32>], vector<16xf32>,
        %add3A_592 = arith.addi %mul3A_559, %add3A_573 : vector<16xi32>
        tpu.vector_store_idx %arg11[%add3A_592], %mul3A_588 : memref<8192xf32, #tpu.memory_space<vmem>>[vector<16xi32>], vector<16xf32>,
        %scan3A_593 = arith.constant 0 : i32
        scf.yield %scan3A_593 : i32
      }
      %scan3A_566 = arith.constant 8 : i32
      %scan3A_567 = arith.constant 0 : i32
      scf.yield %scan3A_567 : i32
    }
    %scan3A_53 = arith.constant 16 : i32
    %add3A_54 = arith.constant 49920 : i32
    %add3A_55 = arith.addi %add3A_54, %add3A : i32
    %mul3A_56 = arith.constant 1024 : i32
    %mul3A_57 = arith.muli %add3A_55, %mul3A_56 : i32
    %dma_start3A_58 = arith.constant 0 : i32
    %dma_start3A_59 = tpu.memref_slice %arg11[%dma_start3A_58] : memref<8192xf32, #tpu.memory_space<vmem>> -> memref<1024xf32, #tpu.memory_space<vmem>>
    %dma_start3A_60 = tpu.memref_slice %arg4[%mul3A_57] : memref<52428800xf32, #tpu.memory_space<hbm>> -> memref<1024xf32, #tpu.memory_space<hbm>>
    %dma_start3A_61 = tpu.memref_slice %arg4[%mul3A_57] : memref<52428800xf32, #tpu.memory_space<hbm>> -> memref<1024xf32, #tpu.memory_space<hbm>>
    %dma_start3A_62 = arith.constant 0 : i32
    %dma_start3A_63 = tpu.memref_slice %arg11[%dma_start3A_62] : memref<8192xf32, #tpu.memory_space<vmem>> -> memref<1024xf32, #tpu.memory_space<vmem>>
    tpu.enqueue_dma source(%dma_start3A_63 : memref<1024xf32, #tpu.memory_space<vmem>>) target(%dma_start3A_61 : memref<1024xf32, #tpu.memory_space<hbm>>) target_semaphore(%arg21 : memref<!tpu.dma_semaphore, #tpu.memory_space<semaphore_mem>>)
    %add3A_64 = arith.constant 49952 : i32
    %add3A_65 = arith.addi %add3A_64, %add3A : i32
    %mul3A_66 = arith.constant 1024 : i32
    %mul3A_67 = arith.muli %add3A_65, %mul3A_66 : i32
    %dma_start3A_68 = arith.constant 1024 : i32
    %dma_start3A_69 = tpu.memref_slice %arg11[%dma_start3A_68] : memref<8192xf32, #tpu.memory_space<vmem>> -> memref<1024xf32, #tpu.memory_space<vmem>>
    %dma_start3A_70 = tpu.memref_slice %arg4[%mul3A_67] : memref<52428800xf32, #tpu.memory_space<hbm>> -> memref<1024xf32, #tpu.memory_space<hbm>>
    %dma_start3A_71 = tpu.memref_slice %arg4[%mul3A_67] : memref<52428800xf32, #tpu.memory_space<hbm>> -> memref<1024xf32, #tpu.memory_space<hbm>>
    %dma_start3A_72 = arith.constant 1024 : i32
    %dma_start3A_73 = tpu.memref_slice %arg11[%dma_start3A_72] : memref<8192xf32, #tpu.memory_space<vmem>> -> memref<1024xf32, #tpu.memory_space<vmem>>
    tpu.enqueue_dma source(%dma_start3A_73 : memref<1024xf32, #tpu.memory_space<vmem>>) target(%dma_start3A_71 : memref<1024xf32, #tpu.memory_space<hbm>>) target_semaphore(%arg21 : memref<!tpu.dma_semaphore, #tpu.memory_space<semaphore_mem>>)
    %add3A_74 = arith.constant 49984 : i32
    %add3A_75 = arith.addi %add3A_74, %add3A : i32
    %mul3A_76 = arith.constant 1024 : i32
    %mul3A_77 = arith.muli %add3A_75, %mul3A_76 : i32
    %dma_start3A_78 = arith.constant 2048 : i32
    %dma_start3A_79 = tpu.memref_slice %arg11[%dma_start3A_78] : memref<8192xf32, #tpu.memory_space<vmem>> -> memref<1024xf32, #tpu.memory_space<vmem>>
    %dma_start3A_80 = tpu.memref_slice %arg4[%mul3A_77] : memref<52428800xf32, #tpu.memory_space<hbm>> -> memref<1024xf32, #tpu.memory_space<hbm>>
    %dma_start3A_81 = tpu.memref_slice %arg4[%mul3A_77] : memref<52428800xf32, #tpu.memory_space<hbm>> -> memref<1024xf32, #tpu.memory_space<hbm>>
    %dma_start3A_82 = arith.constant 2048 : i32
    %dma_start3A_83 = tpu.memref_slice %arg11[%dma_start3A_82] : memref<8192xf32, #tpu.memory_space<vmem>> -> memref<1024xf32, #tpu.memory_space<vmem>>
    tpu.enqueue_dma source(%dma_start3A_83 : memref<1024xf32, #tpu.memory_space<vmem>>) target(%dma_start3A_81 : memref<1024xf32, #tpu.memory_space<hbm>>) target_semaphore(%arg21 : memref<!tpu.dma_semaphore, #tpu.memory_space<semaphore_mem>>)
    %add3A_84 = arith.constant 50016 : i32
    %add3A_85 = arith.addi %add3A_84, %add3A : i32
    %mul3A_86 = arith.constant 1024 : i32
    %mul3A_87 = arith.muli %add3A_85, %mul3A_86 : i32
    %dma_start3A_88 = arith.constant 3072 : i32
    %dma_start3A_89 = tpu.memref_slice %arg11[%dma_start3A_88] : memref<8192xf32, #tpu.memory_space<vmem>> -> memref<1024xf32, #tpu.memory_space<vmem>>
    %dma_start3A_90 = tpu.memref_slice %arg4[%mul3A_87] : memref<52428800xf32, #tpu.memory_space<hbm>> -> memref<1024xf32, #tpu.memory_space<hbm>>
    %dma_start3A_91 = tpu.memref_slice %arg4[%mul3A_87] : memref<52428800xf32, #tpu.memory_space<hbm>> -> memref<1024xf32, #tpu.memory_space<hbm>>
    %dma_start3A_92 = arith.constant 3072 : i32
    %dma_start3A_93 = tpu.memref_slice %arg11[%dma_start3A_92] : memref<8192xf32, #tpu.memory_space<vmem>> -> memref<1024xf32, #tpu.memory_space<vmem>>
    tpu.enqueue_dma source(%dma_start3A_93 : memref<1024xf32, #tpu.memory_space<vmem>>) target(%dma_start3A_91 : memref<1024xf32, #tpu.memory_space<hbm>>) target_semaphore(%arg21 : memref<!tpu.dma_semaphore, #tpu.memory_space<semaphore_mem>>)
    %add3A_94 = arith.constant 50048 : i32
    %add3A_95 = arith.addi %add3A_94, %add3A : i32
    %mul3A_96 = arith.constant 1024 : i32
    %mul3A_97 = arith.muli %add3A_95, %mul3A_96 : i32
    %dma_start3A_98 = arith.constant 4096 : i32
    %dma_start3A_99 = tpu.memref_slice %arg11[%dma_start3A_98] : memref<8192xf32, #tpu.memory_space<vmem>> -> memref<1024xf32, #tpu.memory_space<vmem>>
    %dma_start3A_100 = tpu.memref_slice %arg4[%mul3A_97] : memref<52428800xf32, #tpu.memory_space<hbm>> -> memref<1024xf32, #tpu.memory_space<hbm>>
    %dma_start3A_101 = tpu.memref_slice %arg4[%mul3A_97] : memref<52428800xf32, #tpu.memory_space<hbm>> -> memref<1024xf32, #tpu.memory_space<hbm>>
    %dma_start3A_102 = arith.constant 4096 : i32
    %dma_start3A_103 = tpu.memref_slice %arg11[%dma_start3A_102] : memref<8192xf32, #tpu.memory_space<vmem>> -> memref<1024xf32, #tpu.memory_space<vmem>>
    tpu.enqueue_dma source(%dma_start3A_103 : memref<1024xf32, #tpu.memory_space<vmem>>) target(%dma_start3A_101 : memref<1024xf32, #tpu.memory_space<hbm>>) target_semaphore(%arg21 : memref<!tpu.dma_semaphore, #tpu.memory_space<semaphore_mem>>)
    %add3A_104 = arith.constant 50080 : i32
    %add3A_105 = arith.addi %add3A_104, %add3A : i32
    %mul3A_106 = arith.constant 1024 : i32
    %mul3A_107 = arith.muli %add3A_105, %mul3A_106 : i32
    %dma_start3A_108 = arith.constant 5120 : i32
    %dma_start3A_109 = tpu.memref_slice %arg11[%dma_start3A_108] : memref<8192xf32, #tpu.memory_space<vmem>> -> memref<1024xf32, #tpu.memory_space<vmem>>
    %dma_start3A_110 = tpu.memref_slice %arg4[%mul3A_107] : memref<52428800xf32, #tpu.memory_space<hbm>> -> memref<1024xf32, #tpu.memory_space<hbm>>
    %dma_start3A_111 = tpu.memref_slice %arg4[%mul3A_107] : memref<52428800xf32, #tpu.memory_space<hbm>> -> memref<1024xf32, #tpu.memory_space<hbm>>
    %dma_start3A_112 = arith.constant 5120 : i32
    %dma_start3A_113 = tpu.memref_slice %arg11[%dma_start3A_112] : memref<8192xf32, #tpu.memory_space<vmem>> -> memref<1024xf32, #tpu.memory_space<vmem>>
    tpu.enqueue_dma source(%dma_start3A_113 : memref<1024xf32, #tpu.memory_space<vmem>>) target(%dma_start3A_111 : memref<1024xf32, #tpu.memory_space<hbm>>) target_semaphore(%arg21 : memref<!tpu.dma_semaphore, #tpu.memory_space<semaphore_mem>>)
    %add3A_114 = arith.constant 50112 : i32
    %add3A_115 = arith.addi %add3A_114, %add3A : i32
    %mul3A_116 = arith.constant 1024 : i32
    %mul3A_117 = arith.muli %add3A_115, %mul3A_116 : i32
    %dma_start3A_118 = arith.constant 6144 : i32
    %dma_start3A_119 = tpu.memref_slice %arg11[%dma_start3A_118] : memref<8192xf32, #tpu.memory_space<vmem>> -> memref<1024xf32, #tpu.memory_space<vmem>>
    %dma_start3A_120 = tpu.memref_slice %arg4[%mul3A_117] : memref<52428800xf32, #tpu.memory_space<hbm>> -> memref<1024xf32, #tpu.memory_space<hbm>>
    %dma_start3A_121 = tpu.memref_slice %arg4[%mul3A_117] : memref<52428800xf32, #tpu.memory_space<hbm>> -> memref<1024xf32, #tpu.memory_space<hbm>>
    %dma_start3A_122 = arith.constant 6144 : i32
    %dma_start3A_123 = tpu.memref_slice %arg11[%dma_start3A_122] : memref<8192xf32, #tpu.memory_space<vmem>> -> memref<1024xf32, #tpu.memory_space<vmem>>
    tpu.enqueue_dma source(%dma_start3A_123 : memref<1024xf32, #tpu.memory_space<vmem>>) target(%dma_start3A_121 : memref<1024xf32, #tpu.memory_space<hbm>>) target_semaphore(%arg21 : memref<!tpu.dma_semaphore, #tpu.memory_space<semaphore_mem>>)
    %add3A_124 = arith.constant 50144 : i32
    %add3A_125 = arith.addi %add3A_124, %add3A : i32
    %mul3A_126 = arith.constant 1024 : i32
    %mul3A_127 = arith.muli %add3A_125, %mul3A_126 : i32
    %dma_start3A_128 = arith.constant 7168 : i32
    %dma_start3A_129 = tpu.memref_slice %arg11[%dma_start3A_128] : memref<8192xf32, #tpu.memory_space<vmem>> -> memref<1024xf32, #tpu.memory_space<vmem>>
    %dma_start3A_130 = tpu.memref_slice %arg4[%mul3A_127] : memref<52428800xf32, #tpu.memory_space<hbm>> -> memref<1024xf32, #tpu.memory_space<hbm>>
    %dma_start3A_131 = tpu.memref_slice %arg4[%mul3A_127] : memref<52428800xf32, #tpu.memory_space<hbm>> -> memref<1024xf32, #tpu.memory_space<hbm>>
    %dma_start3A_132 = arith.constant 7168 : i32
    %dma_start3A_133 = tpu.memref_slice %arg11[%dma_start3A_132] : memref<8192xf32, #tpu.memory_space<vmem>> -> memref<1024xf32, #tpu.memory_space<vmem>>
    tpu.enqueue_dma source(%dma_start3A_133 : memref<1024xf32, #tpu.memory_space<vmem>>) target(%dma_start3A_131 : memref<1024xf32, #tpu.memory_space<hbm>>) target_semaphore(%arg21 : memref<!tpu.dma_semaphore, #tpu.memory_space<semaphore_mem>>)
    %dma_wait3A_134 = arith.constant 196 : i32
    %dma_wait3A_135 = arith.constant 0 : i32
    %dma_wait3A_136 = tpu.memref_slice %arg5[%dma_wait3A_134, %dma_wait3A_135] : memref<200x128xi32, #tpu.memory_space<vmem>> -> memref<1x128xi32, #tpu.memory_space<vmem>>
    %dma_wait3A_137 = tpu.memref_squeeze %dma_wait3A_136 : memref<1x128xi32, #tpu.memory_space<vmem>> -> memref<128xi32, #tpu.memory_space<vmem>>
    %dma_wait3A_138 = arith.constant 0 : i32
    %dma_wait3A_139 = arith.constant 0 : i32
    %dma_wait3A_140 = tpu.memref_slice %arg2[%dma_wait3A_138, %dma_wait3A_139] : memref<1000000x64xf32, #tpu.memory_space<hbm>> -> memref<1000000x64xf32, #tpu.memory_space<hbm>>
    tpu.wait_indirect_dma semaphore(%arg17 : memref<!tpu.dma_semaphore, #tpu.memory_space<semaphore_mem>>) src(%dma_wait3A_140 : memref<1000000x64xf32, #tpu.memory_space<hbm>>) dst(%arg7 : memref<128x64xf32, #tpu.memory_space<vmem>>)
    %scan3A_141 = arith.constant 0 : i32
    %scan3A_142 = arith.constant 0 : i32
    %scan3A_143 = arith.constant 16 : i32
    %scan3A_144 = arith.addi %scan3A_142, %scan3A_143 : i32
    %scan3A_145 = arith.constant 1 : i32
    %scan3A_146 = scf.for %scan3A_530 = %scan3A_142 to %scan3A_144 step %scan3A_145 iter_args(%scan3A_531 = %scan3A_141) -> (i32)  : i32 {
      %add3A_532 = vector.broadcast %scan3A_530 : i32 to vector<16xi32>
      %add3A_533 = arith.addi %iota3A, %add3A_532 : vector<16xi32>
      %and3A = arith.constant 15 : i32
      %and3A_534 = vector.broadcast %and3A : i32 to vector<16xi32>
      %and3A_535 = arith.andi %add3A_533, %and3A_534 : vector<16xi32>
      %add3A_536 = arith.constant 0 : i32
      %add3A_537 = vector.broadcast %add3A_536 : i32 to vector<16xi32>
      %add3A_538 = arith.addi %and3A_535, %add3A_537 : vector<16xi32>
      %add3A_539 = arith.constant 16 : i32
      %add3A_540 = vector.broadcast %add3A_539 : i32 to vector<16xi32>
      %add3A_541 = arith.addi %and3A_535, %add3A_540 : vector<16xi32>
      %add3A_542 = arith.constant 32 : i32
      %add3A_543 = vector.broadcast %add3A_542 : i32 to vector<16xi32>
      %add3A_544 = arith.addi %and3A_535, %add3A_543 : vector<16xi32>
      %add3A_545 = arith.constant 48 : i32
      %add3A_546 = vector.broadcast %add3A_545 : i32 to vector<16xi32>
      %add3A_547 = arith.addi %and3A_535, %add3A_546 : vector<16xi32>
      %mul3A_548 = arith.constant 128 : i32
      %mul3A_549 = vector.broadcast %mul3A_548 : i32 to vector<16xi32>
      %mul3A_550 = arith.muli %add3A_538, %mul3A_549 : vector<16xi32>
      %mul3A_551 = arith.constant 128 : i32
      %mul3A_552 = vector.broadcast %mul3A_551 : i32 to vector<16xi32>
      %mul3A_553 = arith.muli %add3A_541, %mul3A_552 : vector<16xi32>
      %mul3A_554 = arith.constant 128 : i32
      %mul3A_555 = vector.broadcast %mul3A_554 : i32 to vector<16xi32>
      %mul3A_556 = arith.muli %add3A_544, %mul3A_555 : vector<16xi32>
      %mul3A_557 = arith.constant 128 : i32
      %mul3A_558 = vector.broadcast %mul3A_557 : i32 to vector<16xi32>
      %mul3A_559 = arith.muli %add3A_547, %mul3A_558 : vector<16xi32>
      %scan3A_560 = arith.constant 0 : i32
      %scan3A_561 = arith.constant 0 : i32
      %scan3A_562 = arith.constant 8 : i32
      %scan3A_563 = arith.addi %scan3A_561, %scan3A_562 : i32
      %scan3A_564 = arith.constant 1 : i32
      %scan3A_565 = scf.for %scan3A_568 = %scan3A_561 to %scan3A_563 step %scan3A_564 iter_args(%scan3A_569 = %scan3A_560) -> (i32)  : i32 {
        %mul3A_570 = arith.constant 16 : i32
        %mul3A_571 = arith.muli %scan3A_568, %mul3A_570 : i32
        %add3A_572 = vector.broadcast %mul3A_571 : i32 to vector<16xi32>
        %add3A_573 = arith.addi %iota3A, %add3A_572 : vector<16xi32>
        %gather3A = tpu.vector_load_idx %arg7[%add3A_573, %add3A_538] : memref<128x64xf32, #tpu.memory_space<vmem>>[vector<16xi32>, vector<16xi32>], vector<16xf32>,
        %mul3A_574 = arith.constant 8.000000e+00 : f32
        %mul3A_575 = vector.broadcast %mul3A_574 : f32 to vector<16xf32>
        %mul3A_576 = arith.mulf %gather3A, %mul3A_575 : vector<16xf32>
        %gather3A_577 = tpu.vector_load_idx %arg7[%add3A_573, %add3A_541] : memref<128x64xf32, #tpu.memory_space<vmem>>[vector<16xi32>, vector<16xi32>], vector<16xf32>,
        %mul3A_578 = arith.constant 8.000000e+00 : f32
        %mul3A_579 = vector.broadcast %mul3A_578 : f32 to vector<16xf32>
        %mul3A_580 = arith.mulf %gather3A_577, %mul3A_579 : vector<16xf32>
        %gather3A_581 = tpu.vector_load_idx %arg7[%add3A_573, %add3A_544] : memref<128x64xf32, #tpu.memory_space<vmem>>[vector<16xi32>, vector<16xi32>], vector<16xf32>,
        %mul3A_582 = arith.constant 8.000000e+00 : f32
        %mul3A_583 = vector.broadcast %mul3A_582 : f32 to vector<16xf32>
        %mul3A_584 = arith.mulf %gather3A_581, %mul3A_583 : vector<16xf32>
        %gather3A_585 = tpu.vector_load_idx %arg7[%add3A_573, %add3A_547] : memref<128x64xf32, #tpu.memory_space<vmem>>[vector<16xi32>, vector<16xi32>], vector<16xf32>,
        %mul3A_586 = arith.constant 8.000000e+00 : f32
        %mul3A_587 = vector.broadcast %mul3A_586 : f32 to vector<16xf32>
        %mul3A_588 = arith.mulf %gather3A_585, %mul3A_587 : vector<16xf32>
        %add3A_589 = arith.addi %mul3A_550, %add3A_573 : vector<16xi32>
        tpu.vector_store_idx %arg12[%add3A_589], %mul3A_576 : memref<8192xf32, #tpu.memory_space<vmem>>[vector<16xi32>], vector<16xf32>,
        %add3A_590 = arith.addi %mul3A_553, %add3A_573 : vector<16xi32>
        tpu.vector_store_idx %arg12[%add3A_590], %mul3A_580 : memref<8192xf32, #tpu.memory_space<vmem>>[vector<16xi32>], vector<16xf32>,
        %add3A_591 = arith.addi %mul3A_556, %add3A_573 : vector<16xi32>
        tpu.vector_store_idx %arg12[%add3A_591], %mul3A_584 : memref<8192xf32, #tpu.memory_space<vmem>>[vector<16xi32>], vector<16xf32>,
        %add3A_592 = arith.addi %mul3A_559, %add3A_573 : vector<16xi32>
        tpu.vector_store_idx %arg12[%add3A_592], %mul3A_588 : memref<8192xf32, #tpu.memory_space<vmem>>[vector<16xi32>], vector<16xf32>,
        %scan3A_593 = arith.constant 0 : i32
        scf.yield %scan3A_593 : i32
      }
      %scan3A_566 = arith.constant 8 : i32
      %scan3A_567 = arith.constant 0 : i32
      scf.yield %scan3A_567 : i32
    }
    %scan3A_147 = arith.constant 16 : i32
    %add3A_148 = arith.constant 50176 : i32
    %add3A_149 = arith.addi %add3A_148, %add3A : i32
    %mul3A_150 = arith.constant 1024 : i32
    %mul3A_151 = arith.muli %add3A_149, %mul3A_150 : i32
    %dma_start3A_152 = arith.constant 0 : i32
    %dma_start3A_153 = tpu.memref_slice %arg12[%dma_start3A_152] : memref<8192xf32, #tpu.memory_space<vmem>> -> memref<1024xf32, #tpu.memory_space<vmem>>
    %dma_start3A_154 = tpu.memref_slice %arg4[%mul3A_151] : memref<52428800xf32, #tpu.memory_space<hbm>> -> memref<1024xf32, #tpu.memory_space<hbm>>
    %dma_start3A_155 = tpu.memref_slice %arg4[%mul3A_151] : memref<52428800xf32, #tpu.memory_space<hbm>> -> memref<1024xf32, #tpu.memory_space<hbm>>
    %dma_start3A_156 = arith.constant 0 : i32
    %dma_start3A_157 = tpu.memref_slice %arg12[%dma_start3A_156] : memref<8192xf32, #tpu.memory_space<vmem>> -> memref<1024xf32, #tpu.memory_space<vmem>>
    tpu.enqueue_dma source(%dma_start3A_157 : memref<1024xf32, #tpu.memory_space<vmem>>) target(%dma_start3A_155 : memref<1024xf32, #tpu.memory_space<hbm>>) target_semaphore(%arg22 : memref<!tpu.dma_semaphore, #tpu.memory_space<semaphore_mem>>)
    %add3A_158 = arith.constant 50208 : i32
    %add3A_159 = arith.addi %add3A_158, %add3A : i32
    %mul3A_160 = arith.constant 1024 : i32
    %mul3A_161 = arith.muli %add3A_159, %mul3A_160 : i32
    %dma_start3A_162 = arith.constant 1024 : i32
    %dma_start3A_163 = tpu.memref_slice %arg12[%dma_start3A_162] : memref<8192xf32, #tpu.memory_space<vmem>> -> memref<1024xf32, #tpu.memory_space<vmem>>
    %dma_start3A_164 = tpu.memref_slice %arg4[%mul3A_161] : memref<52428800xf32, #tpu.memory_space<hbm>> -> memref<1024xf32, #tpu.memory_space<hbm>>
    %dma_start3A_165 = tpu.memref_slice %arg4[%mul3A_161] : memref<52428800xf32, #tpu.memory_space<hbm>> -> memref<1024xf32, #tpu.memory_space<hbm>>
    %dma_start3A_166 = arith.constant 1024 : i32
    %dma_start3A_167 = tpu.memref_slice %arg12[%dma_start3A_166] : memref<8192xf32, #tpu.memory_space<vmem>> -> memref<1024xf32, #tpu.memory_space<vmem>>
    tpu.enqueue_dma source(%dma_start3A_167 : memref<1024xf32, #tpu.memory_space<vmem>>) target(%dma_start3A_165 : memref<1024xf32, #tpu.memory_space<hbm>>) target_semaphore(%arg22 : memref<!tpu.dma_semaphore, #tpu.memory_space<semaphore_mem>>)
    %add3A_168 = arith.constant 50240 : i32
    %add3A_169 = arith.addi %add3A_168, %add3A : i32
    %mul3A_170 = arith.constant 1024 : i32
    %mul3A_171 = arith.muli %add3A_169, %mul3A_170 : i32
    %dma_start3A_172 = arith.constant 2048 : i32
    %dma_start3A_173 = tpu.memref_slice %arg12[%dma_start3A_172] : memref<8192xf32, #tpu.memory_space<vmem>> -> memref<1024xf32, #tpu.memory_space<vmem>>
    %dma_start3A_174 = tpu.memref_slice %arg4[%mul3A_171] : memref<52428800xf32, #tpu.memory_space<hbm>> -> memref<1024xf32, #tpu.memory_space<hbm>>
    %dma_start3A_175 = tpu.memref_slice %arg4[%mul3A_171] : memref<52428800xf32, #tpu.memory_space<hbm>> -> memref<1024xf32, #tpu.memory_space<hbm>>
    %dma_start3A_176 = arith.constant 2048 : i32
    %dma_start3A_177 = tpu.memref_slice %arg12[%dma_start3A_176] : memref<8192xf32, #tpu.memory_space<vmem>> -> memref<1024xf32, #tpu.memory_space<vmem>>
    tpu.enqueue_dma source(%dma_start3A_177 : memref<1024xf32, #tpu.memory_space<vmem>>) target(%dma_start3A_175 : memref<1024xf32, #tpu.memory_space<hbm>>) target_semaphore(%arg22 : memref<!tpu.dma_semaphore, #tpu.memory_space<semaphore_mem>>)
    %add3A_178 = arith.constant 50272 : i32
    %add3A_179 = arith.addi %add3A_178, %add3A : i32
    %mul3A_180 = arith.constant 1024 : i32
    %mul3A_181 = arith.muli %add3A_179, %mul3A_180 : i32
    %dma_start3A_182 = arith.constant 3072 : i32
    %dma_start3A_183 = tpu.memref_slice %arg12[%dma_start3A_182] : memref<8192xf32, #tpu.memory_space<vmem>> -> memref<1024xf32, #tpu.memory_space<vmem>>
    %dma_start3A_184 = tpu.memref_slice %arg4[%mul3A_181] : memref<52428800xf32, #tpu.memory_space<hbm>> -> memref<1024xf32, #tpu.memory_space<hbm>>
    %dma_start3A_185 = tpu.memref_slice %arg4[%mul3A_181] : memref<52428800xf32, #tpu.memory_space<hbm>> -> memref<1024xf32, #tpu.memory_space<hbm>>
    %dma_start3A_186 = arith.constant 3072 : i32
    %dma_start3A_187 = tpu.memref_slice %arg12[%dma_start3A_186] : memref<8192xf32, #tpu.memory_space<vmem>> -> memref<1024xf32, #tpu.memory_space<vmem>>
    tpu.enqueue_dma source(%dma_start3A_187 : memref<1024xf32, #tpu.memory_space<vmem>>) target(%dma_start3A_185 : memref<1024xf32, #tpu.memory_space<hbm>>) target_semaphore(%arg22 : memref<!tpu.dma_semaphore, #tpu.memory_space<semaphore_mem>>)
    %add3A_188 = arith.constant 50304 : i32
    %add3A_189 = arith.addi %add3A_188, %add3A : i32
    %mul3A_190 = arith.constant 1024 : i32
    %mul3A_191 = arith.muli %add3A_189, %mul3A_190 : i32
    %dma_start3A_192 = arith.constant 4096 : i32
    %dma_start3A_193 = tpu.memref_slice %arg12[%dma_start3A_192] : memref<8192xf32, #tpu.memory_space<vmem>> -> memref<1024xf32, #tpu.memory_space<vmem>>
    %dma_start3A_194 = tpu.memref_slice %arg4[%mul3A_191] : memref<52428800xf32, #tpu.memory_space<hbm>> -> memref<1024xf32, #tpu.memory_space<hbm>>
    %dma_start3A_195 = tpu.memref_slice %arg4[%mul3A_191] : memref<52428800xf32, #tpu.memory_space<hbm>> -> memref<1024xf32, #tpu.memory_space<hbm>>
    %dma_start3A_196 = arith.constant 4096 : i32
    %dma_start3A_197 = tpu.memref_slice %arg12[%dma_start3A_196] : memref<8192xf32, #tpu.memory_space<vmem>> -> memref<1024xf32, #tpu.memory_space<vmem>>
    tpu.enqueue_dma source(%dma_start3A_197 : memref<1024xf32, #tpu.memory_space<vmem>>) target(%dma_start3A_195 : memref<1024xf32, #tpu.memory_space<hbm>>) target_semaphore(%arg22 : memref<!tpu.dma_semaphore, #tpu.memory_space<semaphore_mem>>)
    %add3A_198 = arith.constant 50336 : i32
    %add3A_199 = arith.addi %add3A_198, %add3A : i32
    %mul3A_200 = arith.constant 1024 : i32
    %mul3A_201 = arith.muli %add3A_199, %mul3A_200 : i32
    %dma_start3A_202 = arith.constant 5120 : i32
    %dma_start3A_203 = tpu.memref_slice %arg12[%dma_start3A_202] : memref<8192xf32, #tpu.memory_space<vmem>> -> memref<1024xf32, #tpu.memory_space<vmem>>
    %dma_start3A_204 = tpu.memref_slice %arg4[%mul3A_201] : memref<52428800xf32, #tpu.memory_space<hbm>> -> memref<1024xf32, #tpu.memory_space<hbm>>
    %dma_start3A_205 = tpu.memref_slice %arg4[%mul3A_201] : memref<52428800xf32, #tpu.memory_space<hbm>> -> memref<1024xf32, #tpu.memory_space<hbm>>
    %dma_start3A_206 = arith.constant 5120 : i32
    %dma_start3A_207 = tpu.memref_slice %arg12[%dma_start3A_206] : memref<8192xf32, #tpu.memory_space<vmem>> -> memref<1024xf32, #tpu.memory_space<vmem>>
    tpu.enqueue_dma source(%dma_start3A_207 : memref<1024xf32, #tpu.memory_space<vmem>>) target(%dma_start3A_205 : memref<1024xf32, #tpu.memory_space<hbm>>) target_semaphore(%arg22 : memref<!tpu.dma_semaphore, #tpu.memory_space<semaphore_mem>>)
    %add3A_208 = arith.constant 50368 : i32
    %add3A_209 = arith.addi %add3A_208, %add3A : i32
    %mul3A_210 = arith.constant 1024 : i32
    %mul3A_211 = arith.muli %add3A_209, %mul3A_210 : i32
    %dma_start3A_212 = arith.constant 6144 : i32
    %dma_start3A_213 = tpu.memref_slice %arg12[%dma_start3A_212] : memref<8192xf32, #tpu.memory_space<vmem>> -> memref<1024xf32, #tpu.memory_space<vmem>>
    %dma_start3A_214 = tpu.memref_slice %arg4[%mul3A_211] : memref<52428800xf32, #tpu.memory_space<hbm>> -> memref<1024xf32, #tpu.memory_space<hbm>>
    %dma_start3A_215 = tpu.memref_slice %arg4[%mul3A_211] : memref<52428800xf32, #tpu.memory_space<hbm>> -> memref<1024xf32, #tpu.memory_space<hbm>>
    %dma_start3A_216 = arith.constant 6144 : i32
    %dma_start3A_217 = tpu.memref_slice %arg12[%dma_start3A_216] : memref<8192xf32, #tpu.memory_space<vmem>> -> memref<1024xf32, #tpu.memory_space<vmem>>
    tpu.enqueue_dma source(%dma_start3A_217 : memref<1024xf32, #tpu.memory_space<vmem>>) target(%dma_start3A_215 : memref<1024xf32, #tpu.memory_space<hbm>>) target_semaphore(%arg22 : memref<!tpu.dma_semaphore, #tpu.memory_space<semaphore_mem>>)
    %add3A_218 = arith.constant 50400 : i32
    %add3A_219 = arith.addi %add3A_218, %add3A : i32
    %mul3A_220 = arith.constant 1024 : i32
    %mul3A_221 = arith.muli %add3A_219, %mul3A_220 : i32
    %dma_start3A_222 = arith.constant 7168 : i32
    %dma_start3A_223 = tpu.memref_slice %arg12[%dma_start3A_222] : memref<8192xf32, #tpu.memory_space<vmem>> -> memref<1024xf32, #tpu.memory_space<vmem>>
    %dma_start3A_224 = tpu.memref_slice %arg4[%mul3A_221] : memref<52428800xf32, #tpu.memory_space<hbm>> -> memref<1024xf32, #tpu.memory_space<hbm>>
    %dma_start3A_225 = tpu.memref_slice %arg4[%mul3A_221] : memref<52428800xf32, #tpu.memory_space<hbm>> -> memref<1024xf32, #tpu.memory_space<hbm>>
    %dma_start3A_226 = arith.constant 7168 : i32
    %dma_start3A_227 = tpu.memref_slice %arg12[%dma_start3A_226] : memref<8192xf32, #tpu.memory_space<vmem>> -> memref<1024xf32, #tpu.memory_space<vmem>>
    tpu.enqueue_dma source(%dma_start3A_227 : memref<1024xf32, #tpu.memory_space<vmem>>) target(%dma_start3A_225 : memref<1024xf32, #tpu.memory_space<hbm>>) target_semaphore(%arg22 : memref<!tpu.dma_semaphore, #tpu.memory_space<semaphore_mem>>)
    %dma_wait3A_228 = arith.constant 197 : i32
    %dma_wait3A_229 = arith.constant 0 : i32
    %dma_wait3A_230 = tpu.memref_slice %arg5[%dma_wait3A_228, %dma_wait3A_229] : memref<200x128xi32, #tpu.memory_space<vmem>> -> memref<1x128xi32, #tpu.memory_space<vmem>>
    %dma_wait3A_231 = tpu.memref_squeeze %dma_wait3A_230 : memref<1x128xi32, #tpu.memory_space<vmem>> -> memref<128xi32, #tpu.memory_space<vmem>>
    %dma_wait3A_232 = arith.constant 0 : i32
    %dma_wait3A_233 = arith.constant 0 : i32
    %dma_wait3A_234 = tpu.memref_slice %arg2[%dma_wait3A_232, %dma_wait3A_233] : memref<1000000x64xf32, #tpu.memory_space<hbm>> -> memref<1000000x64xf32, #tpu.memory_space<hbm>>
    tpu.wait_indirect_dma semaphore(%arg18 : memref<!tpu.dma_semaphore, #tpu.memory_space<semaphore_mem>>) src(%dma_wait3A_234 : memref<1000000x64xf32, #tpu.memory_space<hbm>>) dst(%arg8 : memref<128x64xf32, #tpu.memory_space<vmem>>)
    %scan3A_235 = arith.constant 0 : i32
    %scan3A_236 = arith.constant 0 : i32
    %scan3A_237 = arith.constant 16 : i32
    %scan3A_238 = arith.addi %scan3A_236, %scan3A_237 : i32
    %scan3A_239 = arith.constant 1 : i32
    %scan3A_240 = scf.for %scan3A_530 = %scan3A_236 to %scan3A_238 step %scan3A_239 iter_args(%scan3A_531 = %scan3A_235) -> (i32)  : i32 {
      %add3A_532 = vector.broadcast %scan3A_530 : i32 to vector<16xi32>
      %add3A_533 = arith.addi %iota3A, %add3A_532 : vector<16xi32>
      %and3A = arith.constant 15 : i32
      %and3A_534 = vector.broadcast %and3A : i32 to vector<16xi32>
      %and3A_535 = arith.andi %add3A_533, %and3A_534 : vector<16xi32>
      %add3A_536 = arith.constant 0 : i32
      %add3A_537 = vector.broadcast %add3A_536 : i32 to vector<16xi32>
      %add3A_538 = arith.addi %and3A_535, %add3A_537 : vector<16xi32>
      %add3A_539 = arith.constant 16 : i32
      %add3A_540 = vector.broadcast %add3A_539 : i32 to vector<16xi32>
      %add3A_541 = arith.addi %and3A_535, %add3A_540 : vector<16xi32>
      %add3A_542 = arith.constant 32 : i32
      %add3A_543 = vector.broadcast %add3A_542 : i32 to vector<16xi32>
      %add3A_544 = arith.addi %and3A_535, %add3A_543 : vector<16xi32>
      %add3A_545 = arith.constant 48 : i32
      %add3A_546 = vector.broadcast %add3A_545 : i32 to vector<16xi32>
      %add3A_547 = arith.addi %and3A_535, %add3A_546 : vector<16xi32>
      %mul3A_548 = arith.constant 128 : i32
      %mul3A_549 = vector.broadcast %mul3A_548 : i32 to vector<16xi32>
      %mul3A_550 = arith.muli %add3A_538, %mul3A_549 : vector<16xi32>
      %mul3A_551 = arith.constant 128 : i32
      %mul3A_552 = vector.broadcast %mul3A_551 : i32 to vector<16xi32>
      %mul3A_553 = arith.muli %add3A_541, %mul3A_552 : vector<16xi32>
      %mul3A_554 = arith.constant 128 : i32
      %mul3A_555 = vector.broadcast %mul3A_554 : i32 to vector<16xi32>
      %mul3A_556 = arith.muli %add3A_544, %mul3A_555 : vector<16xi32>
      %mul3A_557 = arith.constant 128 : i32
      %mul3A_558 = vector.broadcast %mul3A_557 : i32 to vector<16xi32>
      %mul3A_559 = arith.muli %add3A_547, %mul3A_558 : vector<16xi32>
      %scan3A_560 = arith.constant 0 : i32
      %scan3A_561 = arith.constant 0 : i32
      %scan3A_562 = arith.constant 8 : i32
      %scan3A_563 = arith.addi %scan3A_561, %scan3A_562 : i32
      %scan3A_564 = arith.constant 1 : i32
      %scan3A_565 = scf.for %scan3A_568 = %scan3A_561 to %scan3A_563 step %scan3A_564 iter_args(%scan3A_569 = %scan3A_560) -> (i32)  : i32 {
        %mul3A_570 = arith.constant 16 : i32
        %mul3A_571 = arith.muli %scan3A_568, %mul3A_570 : i32
        %add3A_572 = vector.broadcast %mul3A_571 : i32 to vector<16xi32>
        %add3A_573 = arith.addi %iota3A, %add3A_572 : vector<16xi32>
        %gather3A = tpu.vector_load_idx %arg8[%add3A_573, %add3A_538] : memref<128x64xf32, #tpu.memory_space<vmem>>[vector<16xi32>, vector<16xi32>], vector<16xf32>,
        %mul3A_574 = arith.constant 8.000000e+00 : f32
        %mul3A_575 = vector.broadcast %mul3A_574 : f32 to vector<16xf32>
        %mul3A_576 = arith.mulf %gather3A, %mul3A_575 : vector<16xf32>
        %gather3A_577 = tpu.vector_load_idx %arg8[%add3A_573, %add3A_541] : memref<128x64xf32, #tpu.memory_space<vmem>>[vector<16xi32>, vector<16xi32>], vector<16xf32>,
        %mul3A_578 = arith.constant 8.000000e+00 : f32
        %mul3A_579 = vector.broadcast %mul3A_578 : f32 to vector<16xf32>
        %mul3A_580 = arith.mulf %gather3A_577, %mul3A_579 : vector<16xf32>
        %gather3A_581 = tpu.vector_load_idx %arg8[%add3A_573, %add3A_544] : memref<128x64xf32, #tpu.memory_space<vmem>>[vector<16xi32>, vector<16xi32>], vector<16xf32>,
        %mul3A_582 = arith.constant 8.000000e+00 : f32
        %mul3A_583 = vector.broadcast %mul3A_582 : f32 to vector<16xf32>
        %mul3A_584 = arith.mulf %gather3A_581, %mul3A_583 : vector<16xf32>
        %gather3A_585 = tpu.vector_load_idx %arg8[%add3A_573, %add3A_547] : memref<128x64xf32, #tpu.memory_space<vmem>>[vector<16xi32>, vector<16xi32>], vector<16xf32>,
        %mul3A_586 = arith.constant 8.000000e+00 : f32
        %mul3A_587 = vector.broadcast %mul3A_586 : f32 to vector<16xf32>
        %mul3A_588 = arith.mulf %gather3A_585, %mul3A_587 : vector<16xf32>
        %add3A_589 = arith.addi %mul3A_550, %add3A_573 : vector<16xi32>
        tpu.vector_store_idx %arg13[%add3A_589], %mul3A_576 : memref<8192xf32, #tpu.memory_space<vmem>>[vector<16xi32>], vector<16xf32>,
        %add3A_590 = arith.addi %mul3A_553, %add3A_573 : vector<16xi32>
        tpu.vector_store_idx %arg13[%add3A_590], %mul3A_580 : memref<8192xf32, #tpu.memory_space<vmem>>[vector<16xi32>], vector<16xf32>,
        %add3A_591 = arith.addi %mul3A_556, %add3A_573 : vector<16xi32>
        tpu.vector_store_idx %arg13[%add3A_591], %mul3A_584 : memref<8192xf32, #tpu.memory_space<vmem>>[vector<16xi32>], vector<16xf32>,
        %add3A_592 = arith.addi %mul3A_559, %add3A_573 : vector<16xi32>
        tpu.vector_store_idx %arg13[%add3A_592], %mul3A_588 : memref<8192xf32, #tpu.memory_space<vmem>>[vector<16xi32>], vector<16xf32>,
        %scan3A_593 = arith.constant 0 : i32
        scf.yield %scan3A_593 : i32
      }
      %scan3A_566 = arith.constant 8 : i32
      %scan3A_567 = arith.constant 0 : i32
      scf.yield %scan3A_567 : i32
    }
    %scan3A_241 = arith.constant 16 : i32
    %add3A_242 = arith.constant 50432 : i32
    %add3A_243 = arith.addi %add3A_242, %add3A : i32
    %mul3A_244 = arith.constant 1024 : i32
    %mul3A_245 = arith.muli %add3A_243, %mul3A_244 : i32
    %dma_start3A_246 = arith.constant 0 : i32
    %dma_start3A_247 = tpu.memref_slice %arg13[%dma_start3A_246] : memref<8192xf32, #tpu.memory_space<vmem>> -> memref<1024xf32, #tpu.memory_space<vmem>>
    %dma_start3A_248 = tpu.memref_slice %arg4[%mul3A_245] : memref<52428800xf32, #tpu.memory_space<hbm>> -> memref<1024xf32, #tpu.memory_space<hbm>>
    %dma_start3A_249 = tpu.memref_slice %arg4[%mul3A_245] : memref<52428800xf32, #tpu.memory_space<hbm>> -> memref<1024xf32, #tpu.memory_space<hbm>>
    %dma_start3A_250 = arith.constant 0 : i32
    %dma_start3A_251 = tpu.memref_slice %arg13[%dma_start3A_250] : memref<8192xf32, #tpu.memory_space<vmem>> -> memref<1024xf32, #tpu.memory_space<vmem>>
    tpu.enqueue_dma source(%dma_start3A_251 : memref<1024xf32, #tpu.memory_space<vmem>>) target(%dma_start3A_249 : memref<1024xf32, #tpu.memory_space<hbm>>) target_semaphore(%arg23 : memref<!tpu.dma_semaphore, #tpu.memory_space<semaphore_mem>>)
    %add3A_252 = arith.constant 50464 : i32
    %add3A_253 = arith.addi %add3A_252, %add3A : i32
    %mul3A_254 = arith.constant 1024 : i32
    %mul3A_255 = arith.muli %add3A_253, %mul3A_254 : i32
    %dma_start3A_256 = arith.constant 1024 : i32
    %dma_start3A_257 = tpu.memref_slice %arg13[%dma_start3A_256] : memref<8192xf32, #tpu.memory_space<vmem>> -> memref<1024xf32, #tpu.memory_space<vmem>>
    %dma_start3A_258 = tpu.memref_slice %arg4[%mul3A_255] : memref<52428800xf32, #tpu.memory_space<hbm>> -> memref<1024xf32, #tpu.memory_space<hbm>>
    %dma_start3A_259 = tpu.memref_slice %arg4[%mul3A_255] : memref<52428800xf32, #tpu.memory_space<hbm>> -> memref<1024xf32, #tpu.memory_space<hbm>>
    %dma_start3A_260 = arith.constant 1024 : i32
    %dma_start3A_261 = tpu.memref_slice %arg13[%dma_start3A_260] : memref<8192xf32, #tpu.memory_space<vmem>> -> memref<1024xf32, #tpu.memory_space<vmem>>
    tpu.enqueue_dma source(%dma_start3A_261 : memref<1024xf32, #tpu.memory_space<vmem>>) target(%dma_start3A_259 : memref<1024xf32, #tpu.memory_space<hbm>>) target_semaphore(%arg23 : memref<!tpu.dma_semaphore, #tpu.memory_space<semaphore_mem>>)
    %add3A_262 = arith.constant 50496 : i32
    %add3A_263 = arith.addi %add3A_262, %add3A : i32
    %mul3A_264 = arith.constant 1024 : i32
    %mul3A_265 = arith.muli %add3A_263, %mul3A_264 : i32
    %dma_start3A_266 = arith.constant 2048 : i32
    %dma_start3A_267 = tpu.memref_slice %arg13[%dma_start3A_266] : memref<8192xf32, #tpu.memory_space<vmem>> -> memref<1024xf32, #tpu.memory_space<vmem>>
    %dma_start3A_268 = tpu.memref_slice %arg4[%mul3A_265] : memref<52428800xf32, #tpu.memory_space<hbm>> -> memref<1024xf32, #tpu.memory_space<hbm>>
    %dma_start3A_269 = tpu.memref_slice %arg4[%mul3A_265] : memref<52428800xf32, #tpu.memory_space<hbm>> -> memref<1024xf32, #tpu.memory_space<hbm>>
    %dma_start3A_270 = arith.constant 2048 : i32
    %dma_start3A_271 = tpu.memref_slice %arg13[%dma_start3A_270] : memref<8192xf32, #tpu.memory_space<vmem>> -> memref<1024xf32, #tpu.memory_space<vmem>>
    tpu.enqueue_dma source(%dma_start3A_271 : memref<1024xf32, #tpu.memory_space<vmem>>) target(%dma_start3A_269 : memref<1024xf32, #tpu.memory_space<hbm>>) target_semaphore(%arg23 : memref<!tpu.dma_semaphore, #tpu.memory_space<semaphore_mem>>)
    %add3A_272 = arith.constant 50528 : i32
    %add3A_273 = arith.addi %add3A_272, %add3A : i32
    %mul3A_274 = arith.constant 1024 : i32
    %mul3A_275 = arith.muli %add3A_273, %mul3A_274 : i32
    %dma_start3A_276 = arith.constant 3072 : i32
    %dma_start3A_277 = tpu.memref_slice %arg13[%dma_start3A_276] : memref<8192xf32, #tpu.memory_space<vmem>> -> memref<1024xf32, #tpu.memory_space<vmem>>
    %dma_start3A_278 = tpu.memref_slice %arg4[%mul3A_275] : memref<52428800xf32, #tpu.memory_space<hbm>> -> memref<1024xf32, #tpu.memory_space<hbm>>
    %dma_start3A_279 = tpu.memref_slice %arg4[%mul3A_275] : memref<52428800xf32, #tpu.memory_space<hbm>> -> memref<1024xf32, #tpu.memory_space<hbm>>
    %dma_start3A_280 = arith.constant 3072 : i32
    %dma_start3A_281 = tpu.memref_slice %arg13[%dma_start3A_280] : memref<8192xf32, #tpu.memory_space<vmem>> -> memref<1024xf32, #tpu.memory_space<vmem>>
    tpu.enqueue_dma source(%dma_start3A_281 : memref<1024xf32, #tpu.memory_space<vmem>>) target(%dma_start3A_279 : memref<1024xf32, #tpu.memory_space<hbm>>) target_semaphore(%arg23 : memref<!tpu.dma_semaphore, #tpu.memory_space<semaphore_mem>>)
    %add3A_282 = arith.constant 50560 : i32
    %add3A_283 = arith.addi %add3A_282, %add3A : i32
    %mul3A_284 = arith.constant 1024 : i32
    %mul3A_285 = arith.muli %add3A_283, %mul3A_284 : i32
    %dma_start3A_286 = arith.constant 4096 : i32
    %dma_start3A_287 = tpu.memref_slice %arg13[%dma_start3A_286] : memref<8192xf32, #tpu.memory_space<vmem>> -> memref<1024xf32, #tpu.memory_space<vmem>>
    %dma_start3A_288 = tpu.memref_slice %arg4[%mul3A_285] : memref<52428800xf32, #tpu.memory_space<hbm>> -> memref<1024xf32, #tpu.memory_space<hbm>>
    %dma_start3A_289 = tpu.memref_slice %arg4[%mul3A_285] : memref<52428800xf32, #tpu.memory_space<hbm>> -> memref<1024xf32, #tpu.memory_space<hbm>>
    %dma_start3A_290 = arith.constant 4096 : i32
    %dma_start3A_291 = tpu.memref_slice %arg13[%dma_start3A_290] : memref<8192xf32, #tpu.memory_space<vmem>> -> memref<1024xf32, #tpu.memory_space<vmem>>
    tpu.enqueue_dma source(%dma_start3A_291 : memref<1024xf32, #tpu.memory_space<vmem>>) target(%dma_start3A_289 : memref<1024xf32, #tpu.memory_space<hbm>>) target_semaphore(%arg23 : memref<!tpu.dma_semaphore, #tpu.memory_space<semaphore_mem>>)
    %add3A_292 = arith.constant 50592 : i32
    %add3A_293 = arith.addi %add3A_292, %add3A : i32
    %mul3A_294 = arith.constant 1024 : i32
    %mul3A_295 = arith.muli %add3A_293, %mul3A_294 : i32
    %dma_start3A_296 = arith.constant 5120 : i32
    %dma_start3A_297 = tpu.memref_slice %arg13[%dma_start3A_296] : memref<8192xf32, #tpu.memory_space<vmem>> -> memref<1024xf32, #tpu.memory_space<vmem>>
    %dma_start3A_298 = tpu.memref_slice %arg4[%mul3A_295] : memref<52428800xf32, #tpu.memory_space<hbm>> -> memref<1024xf32, #tpu.memory_space<hbm>>
    %dma_start3A_299 = tpu.memref_slice %arg4[%mul3A_295] : memref<52428800xf32, #tpu.memory_space<hbm>> -> memref<1024xf32, #tpu.memory_space<hbm>>
    %dma_start3A_300 = arith.constant 5120 : i32
    %dma_start3A_301 = tpu.memref_slice %arg13[%dma_start3A_300] : memref<8192xf32, #tpu.memory_space<vmem>> -> memref<1024xf32, #tpu.memory_space<vmem>>
    tpu.enqueue_dma source(%dma_start3A_301 : memref<1024xf32, #tpu.memory_space<vmem>>) target(%dma_start3A_299 : memref<1024xf32, #tpu.memory_space<hbm>>) target_semaphore(%arg23 : memref<!tpu.dma_semaphore, #tpu.memory_space<semaphore_mem>>)
    %add3A_302 = arith.constant 50624 : i32
    %add3A_303 = arith.addi %add3A_302, %add3A : i32
    %mul3A_304 = arith.constant 1024 : i32
    %mul3A_305 = arith.muli %add3A_303, %mul3A_304 : i32
    %dma_start3A_306 = arith.constant 6144 : i32
    %dma_start3A_307 = tpu.memref_slice %arg13[%dma_start3A_306] : memref<8192xf32, #tpu.memory_space<vmem>> -> memref<1024xf32, #tpu.memory_space<vmem>>
    %dma_start3A_308 = tpu.memref_slice %arg4[%mul3A_305] : memref<52428800xf32, #tpu.memory_space<hbm>> -> memref<1024xf32, #tpu.memory_space<hbm>>
    %dma_start3A_309 = tpu.memref_slice %arg4[%mul3A_305] : memref<52428800xf32, #tpu.memory_space<hbm>> -> memref<1024xf32, #tpu.memory_space<hbm>>
    %dma_start3A_310 = arith.constant 6144 : i32
    %dma_start3A_311 = tpu.memref_slice %arg13[%dma_start3A_310] : memref<8192xf32, #tpu.memory_space<vmem>> -> memref<1024xf32, #tpu.memory_space<vmem>>
    tpu.enqueue_dma source(%dma_start3A_311 : memref<1024xf32, #tpu.memory_space<vmem>>) target(%dma_start3A_309 : memref<1024xf32, #tpu.memory_space<hbm>>) target_semaphore(%arg23 : memref<!tpu.dma_semaphore, #tpu.memory_space<semaphore_mem>>)
    %add3A_312 = arith.constant 50656 : i32
    %add3A_313 = arith.addi %add3A_312, %add3A : i32
    %mul3A_314 = arith.constant 1024 : i32
    %mul3A_315 = arith.muli %add3A_313, %mul3A_314 : i32
    %dma_start3A_316 = arith.constant 7168 : i32
    %dma_start3A_317 = tpu.memref_slice %arg13[%dma_start3A_316] : memref<8192xf32, #tpu.memory_space<vmem>> -> memref<1024xf32, #tpu.memory_space<vmem>>
    %dma_start3A_318 = tpu.memref_slice %arg4[%mul3A_315] : memref<52428800xf32, #tpu.memory_space<hbm>> -> memref<1024xf32, #tpu.memory_space<hbm>>
    %dma_start3A_319 = tpu.memref_slice %arg4[%mul3A_315] : memref<52428800xf32, #tpu.memory_space<hbm>> -> memref<1024xf32, #tpu.memory_space<hbm>>
    %dma_start3A_320 = arith.constant 7168 : i32
    %dma_start3A_321 = tpu.memref_slice %arg13[%dma_start3A_320] : memref<8192xf32, #tpu.memory_space<vmem>> -> memref<1024xf32, #tpu.memory_space<vmem>>
    tpu.enqueue_dma source(%dma_start3A_321 : memref<1024xf32, #tpu.memory_space<vmem>>) target(%dma_start3A_319 : memref<1024xf32, #tpu.memory_space<hbm>>) target_semaphore(%arg23 : memref<!tpu.dma_semaphore, #tpu.memory_space<semaphore_mem>>)
    %dma_wait3A_322 = arith.constant 198 : i32
    %dma_wait3A_323 = arith.constant 0 : i32
    %dma_wait3A_324 = tpu.memref_slice %arg5[%dma_wait3A_322, %dma_wait3A_323] : memref<200x128xi32, #tpu.memory_space<vmem>> -> memref<1x128xi32, #tpu.memory_space<vmem>>
    %dma_wait3A_325 = tpu.memref_squeeze %dma_wait3A_324 : memref<1x128xi32, #tpu.memory_space<vmem>> -> memref<128xi32, #tpu.memory_space<vmem>>
    %dma_wait3A_326 = arith.constant 0 : i32
    %dma_wait3A_327 = arith.constant 0 : i32
    %dma_wait3A_328 = tpu.memref_slice %arg2[%dma_wait3A_326, %dma_wait3A_327] : memref<1000000x64xf32, #tpu.memory_space<hbm>> -> memref<1000000x64xf32, #tpu.memory_space<hbm>>
    tpu.wait_indirect_dma semaphore(%arg19 : memref<!tpu.dma_semaphore, #tpu.memory_space<semaphore_mem>>) src(%dma_wait3A_328 : memref<1000000x64xf32, #tpu.memory_space<hbm>>) dst(%arg9 : memref<128x64xf32, #tpu.memory_space<vmem>>)
    %scan3A_329 = arith.constant 0 : i32
    %scan3A_330 = arith.constant 0 : i32
    %scan3A_331 = arith.constant 16 : i32
    %scan3A_332 = arith.addi %scan3A_330, %scan3A_331 : i32
    %scan3A_333 = arith.constant 1 : i32
    %scan3A_334 = scf.for %scan3A_530 = %scan3A_330 to %scan3A_332 step %scan3A_333 iter_args(%scan3A_531 = %scan3A_329) -> (i32)  : i32 {
      %add3A_532 = vector.broadcast %scan3A_530 : i32 to vector<16xi32>
      %add3A_533 = arith.addi %iota3A, %add3A_532 : vector<16xi32>
      %and3A = arith.constant 15 : i32
      %and3A_534 = vector.broadcast %and3A : i32 to vector<16xi32>
      %and3A_535 = arith.andi %add3A_533, %and3A_534 : vector<16xi32>
      %add3A_536 = arith.constant 0 : i32
      %add3A_537 = vector.broadcast %add3A_536 : i32 to vector<16xi32>
      %add3A_538 = arith.addi %and3A_535, %add3A_537 : vector<16xi32>
      %add3A_539 = arith.constant 16 : i32
      %add3A_540 = vector.broadcast %add3A_539 : i32 to vector<16xi32>
      %add3A_541 = arith.addi %and3A_535, %add3A_540 : vector<16xi32>
      %add3A_542 = arith.constant 32 : i32
      %add3A_543 = vector.broadcast %add3A_542 : i32 to vector<16xi32>
      %add3A_544 = arith.addi %and3A_535, %add3A_543 : vector<16xi32>
      %add3A_545 = arith.constant 48 : i32
      %add3A_546 = vector.broadcast %add3A_545 : i32 to vector<16xi32>
      %add3A_547 = arith.addi %and3A_535, %add3A_546 : vector<16xi32>
      %mul3A_548 = arith.constant 128 : i32
      %mul3A_549 = vector.broadcast %mul3A_548 : i32 to vector<16xi32>
      %mul3A_550 = arith.muli %add3A_538, %mul3A_549 : vector<16xi32>
      %mul3A_551 = arith.constant 128 : i32
      %mul3A_552 = vector.broadcast %mul3A_551 : i32 to vector<16xi32>
      %mul3A_553 = arith.muli %add3A_541, %mul3A_552 : vector<16xi32>
      %mul3A_554 = arith.constant 128 : i32
      %mul3A_555 = vector.broadcast %mul3A_554 : i32 to vector<16xi32>
      %mul3A_556 = arith.muli %add3A_544, %mul3A_555 : vector<16xi32>
      %mul3A_557 = arith.constant 128 : i32
      %mul3A_558 = vector.broadcast %mul3A_557 : i32 to vector<16xi32>
      %mul3A_559 = arith.muli %add3A_547, %mul3A_558 : vector<16xi32>
      %scan3A_560 = arith.constant 0 : i32
      %scan3A_561 = arith.constant 0 : i32
      %scan3A_562 = arith.constant 8 : i32
      %scan3A_563 = arith.addi %scan3A_561, %scan3A_562 : i32
      %scan3A_564 = arith.constant 1 : i32
      %scan3A_565 = scf.for %scan3A_568 = %scan3A_561 to %scan3A_563 step %scan3A_564 iter_args(%scan3A_569 = %scan3A_560) -> (i32)  : i32 {
        %mul3A_570 = arith.constant 16 : i32
        %mul3A_571 = arith.muli %scan3A_568, %mul3A_570 : i32
        %add3A_572 = vector.broadcast %mul3A_571 : i32 to vector<16xi32>
        %add3A_573 = arith.addi %iota3A, %add3A_572 : vector<16xi32>
        %gather3A = tpu.vector_load_idx %arg9[%add3A_573, %add3A_538] : memref<128x64xf32, #tpu.memory_space<vmem>>[vector<16xi32>, vector<16xi32>], vector<16xf32>,
        %mul3A_574 = arith.constant 8.000000e+00 : f32
        %mul3A_575 = vector.broadcast %mul3A_574 : f32 to vector<16xf32>
        %mul3A_576 = arith.mulf %gather3A, %mul3A_575 : vector<16xf32>
        %gather3A_577 = tpu.vector_load_idx %arg9[%add3A_573, %add3A_541] : memref<128x64xf32, #tpu.memory_space<vmem>>[vector<16xi32>, vector<16xi32>], vector<16xf32>,
        %mul3A_578 = arith.constant 8.000000e+00 : f32
        %mul3A_579 = vector.broadcast %mul3A_578 : f32 to vector<16xf32>
        %mul3A_580 = arith.mulf %gather3A_577, %mul3A_579 : vector<16xf32>
        %gather3A_581 = tpu.vector_load_idx %arg9[%add3A_573, %add3A_544] : memref<128x64xf32, #tpu.memory_space<vmem>>[vector<16xi32>, vector<16xi32>], vector<16xf32>,
        %mul3A_582 = arith.constant 8.000000e+00 : f32
        %mul3A_583 = vector.broadcast %mul3A_582 : f32 to vector<16xf32>
        %mul3A_584 = arith.mulf %gather3A_581, %mul3A_583 : vector<16xf32>
        %gather3A_585 = tpu.vector_load_idx %arg9[%add3A_573, %add3A_547] : memref<128x64xf32, #tpu.memory_space<vmem>>[vector<16xi32>, vector<16xi32>], vector<16xf32>,
        %mul3A_586 = arith.constant 8.000000e+00 : f32
        %mul3A_587 = vector.broadcast %mul3A_586 : f32 to vector<16xf32>
        %mul3A_588 = arith.mulf %gather3A_585, %mul3A_587 : vector<16xf32>
        %add3A_589 = arith.addi %mul3A_550, %add3A_573 : vector<16xi32>
        tpu.vector_store_idx %arg14[%add3A_589], %mul3A_576 : memref<8192xf32, #tpu.memory_space<vmem>>[vector<16xi32>], vector<16xf32>,
        %add3A_590 = arith.addi %mul3A_553, %add3A_573 : vector<16xi32>
        tpu.vector_store_idx %arg14[%add3A_590], %mul3A_580 : memref<8192xf32, #tpu.memory_space<vmem>>[vector<16xi32>], vector<16xf32>,
        %add3A_591 = arith.addi %mul3A_556, %add3A_573 : vector<16xi32>
        tpu.vector_store_idx %arg14[%add3A_591], %mul3A_584 : memref<8192xf32, #tpu.memory_space<vmem>>[vector<16xi32>], vector<16xf32>,
        %add3A_592 = arith.addi %mul3A_559, %add3A_573 : vector<16xi32>
        tpu.vector_store_idx %arg14[%add3A_592], %mul3A_588 : memref<8192xf32, #tpu.memory_space<vmem>>[vector<16xi32>], vector<16xf32>,
        %scan3A_593 = arith.constant 0 : i32
        scf.yield %scan3A_593 : i32
      }
      %scan3A_566 = arith.constant 8 : i32
      %scan3A_567 = arith.constant 0 : i32
      scf.yield %scan3A_567 : i32
    }
    %scan3A_335 = arith.constant 16 : i32
    %add3A_336 = arith.constant 50688 : i32
    %add3A_337 = arith.addi %add3A_336, %add3A : i32
    %mul3A_338 = arith.constant 1024 : i32
    %mul3A_339 = arith.muli %add3A_337, %mul3A_338 : i32
    %dma_start3A_340 = arith.constant 0 : i32
    %dma_start3A_341 = tpu.memref_slice %arg14[%dma_start3A_340] : memref<8192xf32, #tpu.memory_space<vmem>> -> memref<1024xf32, #tpu.memory_space<vmem>>
    %dma_start3A_342 = tpu.memref_slice %arg4[%mul3A_339] : memref<52428800xf32, #tpu.memory_space<hbm>> -> memref<1024xf32, #tpu.memory_space<hbm>>
    %dma_start3A_343 = tpu.memref_slice %arg4[%mul3A_339] : memref<52428800xf32, #tpu.memory_space<hbm>> -> memref<1024xf32, #tpu.memory_space<hbm>>
    %dma_start3A_344 = arith.constant 0 : i32
    %dma_start3A_345 = tpu.memref_slice %arg14[%dma_start3A_344] : memref<8192xf32, #tpu.memory_space<vmem>> -> memref<1024xf32, #tpu.memory_space<vmem>>
    tpu.enqueue_dma source(%dma_start3A_345 : memref<1024xf32, #tpu.memory_space<vmem>>) target(%dma_start3A_343 : memref<1024xf32, #tpu.memory_space<hbm>>) target_semaphore(%arg24 : memref<!tpu.dma_semaphore, #tpu.memory_space<semaphore_mem>>)
    %add3A_346 = arith.constant 50720 : i32
    %add3A_347 = arith.addi %add3A_346, %add3A : i32
    %mul3A_348 = arith.constant 1024 : i32
    %mul3A_349 = arith.muli %add3A_347, %mul3A_348 : i32
    %dma_start3A_350 = arith.constant 1024 : i32
    %dma_start3A_351 = tpu.memref_slice %arg14[%dma_start3A_350] : memref<8192xf32, #tpu.memory_space<vmem>> -> memref<1024xf32, #tpu.memory_space<vmem>>
    %dma_start3A_352 = tpu.memref_slice %arg4[%mul3A_349] : memref<52428800xf32, #tpu.memory_space<hbm>> -> memref<1024xf32, #tpu.memory_space<hbm>>
    %dma_start3A_353 = tpu.memref_slice %arg4[%mul3A_349] : memref<52428800xf32, #tpu.memory_space<hbm>> -> memref<1024xf32, #tpu.memory_space<hbm>>
    %dma_start3A_354 = arith.constant 1024 : i32
    %dma_start3A_355 = tpu.memref_slice %arg14[%dma_start3A_354] : memref<8192xf32, #tpu.memory_space<vmem>> -> memref<1024xf32, #tpu.memory_space<vmem>>
    tpu.enqueue_dma source(%dma_start3A_355 : memref<1024xf32, #tpu.memory_space<vmem>>) target(%dma_start3A_353 : memref<1024xf32, #tpu.memory_space<hbm>>) target_semaphore(%arg24 : memref<!tpu.dma_semaphore, #tpu.memory_space<semaphore_mem>>)
    %add3A_356 = arith.constant 50752 : i32
    %add3A_357 = arith.addi %add3A_356, %add3A : i32
    %mul3A_358 = arith.constant 1024 : i32
    %mul3A_359 = arith.muli %add3A_357, %mul3A_358 : i32
    %dma_start3A_360 = arith.constant 2048 : i32
    %dma_start3A_361 = tpu.memref_slice %arg14[%dma_start3A_360] : memref<8192xf32, #tpu.memory_space<vmem>> -> memref<1024xf32, #tpu.memory_space<vmem>>
    %dma_start3A_362 = tpu.memref_slice %arg4[%mul3A_359] : memref<52428800xf32, #tpu.memory_space<hbm>> -> memref<1024xf32, #tpu.memory_space<hbm>>
    %dma_start3A_363 = tpu.memref_slice %arg4[%mul3A_359] : memref<52428800xf32, #tpu.memory_space<hbm>> -> memref<1024xf32, #tpu.memory_space<hbm>>
    %dma_start3A_364 = arith.constant 2048 : i32
    %dma_start3A_365 = tpu.memref_slice %arg14[%dma_start3A_364] : memref<8192xf32, #tpu.memory_space<vmem>> -> memref<1024xf32, #tpu.memory_space<vmem>>
    tpu.enqueue_dma source(%dma_start3A_365 : memref<1024xf32, #tpu.memory_space<vmem>>) target(%dma_start3A_363 : memref<1024xf32, #tpu.memory_space<hbm>>) target_semaphore(%arg24 : memref<!tpu.dma_semaphore, #tpu.memory_space<semaphore_mem>>)
    %add3A_366 = arith.constant 50784 : i32
    %add3A_367 = arith.addi %add3A_366, %add3A : i32
    %mul3A_368 = arith.constant 1024 : i32
    %mul3A_369 = arith.muli %add3A_367, %mul3A_368 : i32
    %dma_start3A_370 = arith.constant 3072 : i32
    %dma_start3A_371 = tpu.memref_slice %arg14[%dma_start3A_370] : memref<8192xf32, #tpu.memory_space<vmem>> -> memref<1024xf32, #tpu.memory_space<vmem>>
    %dma_start3A_372 = tpu.memref_slice %arg4[%mul3A_369] : memref<52428800xf32, #tpu.memory_space<hbm>> -> memref<1024xf32, #tpu.memory_space<hbm>>
    %dma_start3A_373 = tpu.memref_slice %arg4[%mul3A_369] : memref<52428800xf32, #tpu.memory_space<hbm>> -> memref<1024xf32, #tpu.memory_space<hbm>>
    %dma_start3A_374 = arith.constant 3072 : i32
    %dma_start3A_375 = tpu.memref_slice %arg14[%dma_start3A_374] : memref<8192xf32, #tpu.memory_space<vmem>> -> memref<1024xf32, #tpu.memory_space<vmem>>
    tpu.enqueue_dma source(%dma_start3A_375 : memref<1024xf32, #tpu.memory_space<vmem>>) target(%dma_start3A_373 : memref<1024xf32, #tpu.memory_space<hbm>>) target_semaphore(%arg24 : memref<!tpu.dma_semaphore, #tpu.memory_space<semaphore_mem>>)
    %add3A_376 = arith.constant 50816 : i32
    %add3A_377 = arith.addi %add3A_376, %add3A : i32
    %mul3A_378 = arith.constant 1024 : i32
    %mul3A_379 = arith.muli %add3A_377, %mul3A_378 : i32
    %dma_start3A_380 = arith.constant 4096 : i32
    %dma_start3A_381 = tpu.memref_slice %arg14[%dma_start3A_380] : memref<8192xf32, #tpu.memory_space<vmem>> -> memref<1024xf32, #tpu.memory_space<vmem>>
    %dma_start3A_382 = tpu.memref_slice %arg4[%mul3A_379] : memref<52428800xf32, #tpu.memory_space<hbm>> -> memref<1024xf32, #tpu.memory_space<hbm>>
    %dma_start3A_383 = tpu.memref_slice %arg4[%mul3A_379] : memref<52428800xf32, #tpu.memory_space<hbm>> -> memref<1024xf32, #tpu.memory_space<hbm>>
    %dma_start3A_384 = arith.constant 4096 : i32
    %dma_start3A_385 = tpu.memref_slice %arg14[%dma_start3A_384] : memref<8192xf32, #tpu.memory_space<vmem>> -> memref<1024xf32, #tpu.memory_space<vmem>>
    tpu.enqueue_dma source(%dma_start3A_385 : memref<1024xf32, #tpu.memory_space<vmem>>) target(%dma_start3A_383 : memref<1024xf32, #tpu.memory_space<hbm>>) target_semaphore(%arg24 : memref<!tpu.dma_semaphore, #tpu.memory_space<semaphore_mem>>)
    %add3A_386 = arith.constant 50848 : i32
    %add3A_387 = arith.addi %add3A_386, %add3A : i32
    %mul3A_388 = arith.constant 1024 : i32
    %mul3A_389 = arith.muli %add3A_387, %mul3A_388 : i32
    %dma_start3A_390 = arith.constant 5120 : i32
    %dma_start3A_391 = tpu.memref_slice %arg14[%dma_start3A_390] : memref<8192xf32, #tpu.memory_space<vmem>> -> memref<1024xf32, #tpu.memory_space<vmem>>
    %dma_start3A_392 = tpu.memref_slice %arg4[%mul3A_389] : memref<52428800xf32, #tpu.memory_space<hbm>> -> memref<1024xf32, #tpu.memory_space<hbm>>
    %dma_start3A_393 = tpu.memref_slice %arg4[%mul3A_389] : memref<52428800xf32, #tpu.memory_space<hbm>> -> memref<1024xf32, #tpu.memory_space<hbm>>
    %dma_start3A_394 = arith.constant 5120 : i32
    %dma_start3A_395 = tpu.memref_slice %arg14[%dma_start3A_394] : memref<8192xf32, #tpu.memory_space<vmem>> -> memref<1024xf32, #tpu.memory_space<vmem>>
    tpu.enqueue_dma source(%dma_start3A_395 : memref<1024xf32, #tpu.memory_space<vmem>>) target(%dma_start3A_393 : memref<1024xf32, #tpu.memory_space<hbm>>) target_semaphore(%arg24 : memref<!tpu.dma_semaphore, #tpu.memory_space<semaphore_mem>>)
    %add3A_396 = arith.constant 50880 : i32
    %add3A_397 = arith.addi %add3A_396, %add3A : i32
    %mul3A_398 = arith.constant 1024 : i32
    %mul3A_399 = arith.muli %add3A_397, %mul3A_398 : i32
    %dma_start3A_400 = arith.constant 6144 : i32
    %dma_start3A_401 = tpu.memref_slice %arg14[%dma_start3A_400] : memref<8192xf32, #tpu.memory_space<vmem>> -> memref<1024xf32, #tpu.memory_space<vmem>>
    %dma_start3A_402 = tpu.memref_slice %arg4[%mul3A_399] : memref<52428800xf32, #tpu.memory_space<hbm>> -> memref<1024xf32, #tpu.memory_space<hbm>>
    %dma_start3A_403 = tpu.memref_slice %arg4[%mul3A_399] : memref<52428800xf32, #tpu.memory_space<hbm>> -> memref<1024xf32, #tpu.memory_space<hbm>>
    %dma_start3A_404 = arith.constant 6144 : i32
    %dma_start3A_405 = tpu.memref_slice %arg14[%dma_start3A_404] : memref<8192xf32, #tpu.memory_space<vmem>> -> memref<1024xf32, #tpu.memory_space<vmem>>
    tpu.enqueue_dma source(%dma_start3A_405 : memref<1024xf32, #tpu.memory_space<vmem>>) target(%dma_start3A_403 : memref<1024xf32, #tpu.memory_space<hbm>>) target_semaphore(%arg24 : memref<!tpu.dma_semaphore, #tpu.memory_space<semaphore_mem>>)
    %add3A_406 = arith.constant 50912 : i32
    %add3A_407 = arith.addi %add3A_406, %add3A : i32
    %mul3A_408 = arith.constant 1024 : i32
    %mul3A_409 = arith.muli %add3A_407, %mul3A_408 : i32
    %dma_start3A_410 = arith.constant 7168 : i32
    %dma_start3A_411 = tpu.memref_slice %arg14[%dma_start3A_410] : memref<8192xf32, #tpu.memory_space<vmem>> -> memref<1024xf32, #tpu.memory_space<vmem>>
    %dma_start3A_412 = tpu.memref_slice %arg4[%mul3A_409] : memref<52428800xf32, #tpu.memory_space<hbm>> -> memref<1024xf32, #tpu.memory_space<hbm>>
    %dma_start3A_413 = tpu.memref_slice %arg4[%mul3A_409] : memref<52428800xf32, #tpu.memory_space<hbm>> -> memref<1024xf32, #tpu.memory_space<hbm>>
    %dma_start3A_414 = arith.constant 7168 : i32
    %dma_start3A_415 = tpu.memref_slice %arg14[%dma_start3A_414] : memref<8192xf32, #tpu.memory_space<vmem>> -> memref<1024xf32, #tpu.memory_space<vmem>>
    tpu.enqueue_dma source(%dma_start3A_415 : memref<1024xf32, #tpu.memory_space<vmem>>) target(%dma_start3A_413 : memref<1024xf32, #tpu.memory_space<hbm>>) target_semaphore(%arg24 : memref<!tpu.dma_semaphore, #tpu.memory_space<semaphore_mem>>)
    %dma_wait3A_416 = arith.constant 199 : i32
    %dma_wait3A_417 = arith.constant 0 : i32
    %dma_wait3A_418 = tpu.memref_slice %arg5[%dma_wait3A_416, %dma_wait3A_417] : memref<200x128xi32, #tpu.memory_space<vmem>> -> memref<1x128xi32, #tpu.memory_space<vmem>>
    %dma_wait3A_419 = tpu.memref_squeeze %dma_wait3A_418 : memref<1x128xi32, #tpu.memory_space<vmem>> -> memref<128xi32, #tpu.memory_space<vmem>>
    %dma_wait3A_420 = arith.constant 0 : i32
    %dma_wait3A_421 = arith.constant 0 : i32
    %dma_wait3A_422 = tpu.memref_slice %arg2[%dma_wait3A_420, %dma_wait3A_421] : memref<1000000x64xf32, #tpu.memory_space<hbm>> -> memref<1000000x64xf32, #tpu.memory_space<hbm>>
    tpu.wait_indirect_dma semaphore(%arg20 : memref<!tpu.dma_semaphore, #tpu.memory_space<semaphore_mem>>) src(%dma_wait3A_422 : memref<1000000x64xf32, #tpu.memory_space<hbm>>) dst(%arg10 : memref<128x64xf32, #tpu.memory_space<vmem>>)
    %scan3A_423 = arith.constant 0 : i32
    %scan3A_424 = arith.constant 0 : i32
    %scan3A_425 = arith.constant 16 : i32
    %scan3A_426 = arith.addi %scan3A_424, %scan3A_425 : i32
    %scan3A_427 = arith.constant 1 : i32
    %scan3A_428 = scf.for %scan3A_530 = %scan3A_424 to %scan3A_426 step %scan3A_427 iter_args(%scan3A_531 = %scan3A_423) -> (i32)  : i32 {
      %add3A_532 = vector.broadcast %scan3A_530 : i32 to vector<16xi32>
      %add3A_533 = arith.addi %iota3A, %add3A_532 : vector<16xi32>
      %and3A = arith.constant 15 : i32
      %and3A_534 = vector.broadcast %and3A : i32 to vector<16xi32>
      %and3A_535 = arith.andi %add3A_533, %and3A_534 : vector<16xi32>
      %add3A_536 = arith.constant 0 : i32
      %add3A_537 = vector.broadcast %add3A_536 : i32 to vector<16xi32>
      %add3A_538 = arith.addi %and3A_535, %add3A_537 : vector<16xi32>
      %add3A_539 = arith.constant 16 : i32
      %add3A_540 = vector.broadcast %add3A_539 : i32 to vector<16xi32>
      %add3A_541 = arith.addi %and3A_535, %add3A_540 : vector<16xi32>
      %add3A_542 = arith.constant 32 : i32
      %add3A_543 = vector.broadcast %add3A_542 : i32 to vector<16xi32>
      %add3A_544 = arith.addi %and3A_535, %add3A_543 : vector<16xi32>
      %add3A_545 = arith.constant 48 : i32
      %add3A_546 = vector.broadcast %add3A_545 : i32 to vector<16xi32>
      %add3A_547 = arith.addi %and3A_535, %add3A_546 : vector<16xi32>
      %mul3A_548 = arith.constant 128 : i32
      %mul3A_549 = vector.broadcast %mul3A_548 : i32 to vector<16xi32>
      %mul3A_550 = arith.muli %add3A_538, %mul3A_549 : vector<16xi32>
      %mul3A_551 = arith.constant 128 : i32
      %mul3A_552 = vector.broadcast %mul3A_551 : i32 to vector<16xi32>
      %mul3A_553 = arith.muli %add3A_541, %mul3A_552 : vector<16xi32>
      %mul3A_554 = arith.constant 128 : i32
      %mul3A_555 = vector.broadcast %mul3A_554 : i32 to vector<16xi32>
      %mul3A_556 = arith.muli %add3A_544, %mul3A_555 : vector<16xi32>
      %mul3A_557 = arith.constant 128 : i32
      %mul3A_558 = vector.broadcast %mul3A_557 : i32 to vector<16xi32>
      %mul3A_559 = arith.muli %add3A_547, %mul3A_558 : vector<16xi32>
      %scan3A_560 = arith.constant 0 : i32
      %scan3A_561 = arith.constant 0 : i32
      %scan3A_562 = arith.constant 8 : i32
      %scan3A_563 = arith.addi %scan3A_561, %scan3A_562 : i32
      %scan3A_564 = arith.constant 1 : i32
      %scan3A_565 = scf.for %scan3A_568 = %scan3A_561 to %scan3A_563 step %scan3A_564 iter_args(%scan3A_569 = %scan3A_560) -> (i32)  : i32 {
        %mul3A_570 = arith.constant 16 : i32
        %mul3A_571 = arith.muli %scan3A_568, %mul3A_570 : i32
        %add3A_572 = vector.broadcast %mul3A_571 : i32 to vector<16xi32>
        %add3A_573 = arith.addi %iota3A, %add3A_572 : vector<16xi32>
        %gather3A = tpu.vector_load_idx %arg10[%add3A_573, %add3A_538] : memref<128x64xf32, #tpu.memory_space<vmem>>[vector<16xi32>, vector<16xi32>], vector<16xf32>,
        %mul3A_574 = arith.constant 8.000000e+00 : f32
        %mul3A_575 = vector.broadcast %mul3A_574 : f32 to vector<16xf32>
        %mul3A_576 = arith.mulf %gather3A, %mul3A_575 : vector<16xf32>
        %gather3A_577 = tpu.vector_load_idx %arg10[%add3A_573, %add3A_541] : memref<128x64xf32, #tpu.memory_space<vmem>>[vector<16xi32>, vector<16xi32>], vector<16xf32>,
        %mul3A_578 = arith.constant 8.000000e+00 : f32
        %mul3A_579 = vector.broadcast %mul3A_578 : f32 to vector<16xf32>
        %mul3A_580 = arith.mulf %gather3A_577, %mul3A_579 : vector<16xf32>
        %gather3A_581 = tpu.vector_load_idx %arg10[%add3A_573, %add3A_544] : memref<128x64xf32, #tpu.memory_space<vmem>>[vector<16xi32>, vector<16xi32>], vector<16xf32>,
        %mul3A_582 = arith.constant 8.000000e+00 : f32
        %mul3A_583 = vector.broadcast %mul3A_582 : f32 to vector<16xf32>
        %mul3A_584 = arith.mulf %gather3A_581, %mul3A_583 : vector<16xf32>
        %gather3A_585 = tpu.vector_load_idx %arg10[%add3A_573, %add3A_547] : memref<128x64xf32, #tpu.memory_space<vmem>>[vector<16xi32>, vector<16xi32>], vector<16xf32>,
        %mul3A_586 = arith.constant 8.000000e+00 : f32
        %mul3A_587 = vector.broadcast %mul3A_586 : f32 to vector<16xf32>
        %mul3A_588 = arith.mulf %gather3A_585, %mul3A_587 : vector<16xf32>
        %add3A_589 = arith.addi %mul3A_550, %add3A_573 : vector<16xi32>
        tpu.vector_store_idx %arg15[%add3A_589], %mul3A_576 : memref<8192xf32, #tpu.memory_space<vmem>>[vector<16xi32>], vector<16xf32>,
        %add3A_590 = arith.addi %mul3A_553, %add3A_573 : vector<16xi32>
        tpu.vector_store_idx %arg15[%add3A_590], %mul3A_580 : memref<8192xf32, #tpu.memory_space<vmem>>[vector<16xi32>], vector<16xf32>,
        %add3A_591 = arith.addi %mul3A_556, %add3A_573 : vector<16xi32>
        tpu.vector_store_idx %arg15[%add3A_591], %mul3A_584 : memref<8192xf32, #tpu.memory_space<vmem>>[vector<16xi32>], vector<16xf32>,
        %add3A_592 = arith.addi %mul3A_559, %add3A_573 : vector<16xi32>
        tpu.vector_store_idx %arg15[%add3A_592], %mul3A_588 : memref<8192xf32, #tpu.memory_space<vmem>>[vector<16xi32>], vector<16xf32>,
        %scan3A_593 = arith.constant 0 : i32
        scf.yield %scan3A_593 : i32
      }
      %scan3A_566 = arith.constant 8 : i32
      %scan3A_567 = arith.constant 0 : i32
      scf.yield %scan3A_567 : i32
    }
    %scan3A_429 = arith.constant 16 : i32
    %add3A_430 = arith.constant 50944 : i32
    %add3A_431 = arith.addi %add3A_430, %add3A : i32
    %mul3A_432 = arith.constant 1024 : i32
    %mul3A_433 = arith.muli %add3A_431, %mul3A_432 : i32
    %dma_start3A_434 = arith.constant 0 : i32
    %dma_start3A_435 = tpu.memref_slice %arg15[%dma_start3A_434] : memref<8192xf32, #tpu.memory_space<vmem>> -> memref<1024xf32, #tpu.memory_space<vmem>>
    %dma_start3A_436 = tpu.memref_slice %arg4[%mul3A_433] : memref<52428800xf32, #tpu.memory_space<hbm>> -> memref<1024xf32, #tpu.memory_space<hbm>>
    %dma_start3A_437 = tpu.memref_slice %arg4[%mul3A_433] : memref<52428800xf32, #tpu.memory_space<hbm>> -> memref<1024xf32, #tpu.memory_space<hbm>>
    %dma_start3A_438 = arith.constant 0 : i32
    %dma_start3A_439 = tpu.memref_slice %arg15[%dma_start3A_438] : memref<8192xf32, #tpu.memory_space<vmem>> -> memref<1024xf32, #tpu.memory_space<vmem>>
    tpu.enqueue_dma source(%dma_start3A_439 : memref<1024xf32, #tpu.memory_space<vmem>>) target(%dma_start3A_437 : memref<1024xf32, #tpu.memory_space<hbm>>) target_semaphore(%arg25 : memref<!tpu.dma_semaphore, #tpu.memory_space<semaphore_mem>>)
    %add3A_440 = arith.constant 50976 : i32
    %add3A_441 = arith.addi %add3A_440, %add3A : i32
    %mul3A_442 = arith.constant 1024 : i32
    %mul3A_443 = arith.muli %add3A_441, %mul3A_442 : i32
    %dma_start3A_444 = arith.constant 1024 : i32
    %dma_start3A_445 = tpu.memref_slice %arg15[%dma_start3A_444] : memref<8192xf32, #tpu.memory_space<vmem>> -> memref<1024xf32, #tpu.memory_space<vmem>>
    %dma_start3A_446 = tpu.memref_slice %arg4[%mul3A_443] : memref<52428800xf32, #tpu.memory_space<hbm>> -> memref<1024xf32, #tpu.memory_space<hbm>>
    %dma_start3A_447 = tpu.memref_slice %arg4[%mul3A_443] : memref<52428800xf32, #tpu.memory_space<hbm>> -> memref<1024xf32, #tpu.memory_space<hbm>>
    %dma_start3A_448 = arith.constant 1024 : i32
    %dma_start3A_449 = tpu.memref_slice %arg15[%dma_start3A_448] : memref<8192xf32, #tpu.memory_space<vmem>> -> memref<1024xf32, #tpu.memory_space<vmem>>
    tpu.enqueue_dma source(%dma_start3A_449 : memref<1024xf32, #tpu.memory_space<vmem>>) target(%dma_start3A_447 : memref<1024xf32, #tpu.memory_space<hbm>>) target_semaphore(%arg25 : memref<!tpu.dma_semaphore, #tpu.memory_space<semaphore_mem>>)
    %add3A_450 = arith.constant 51008 : i32
    %add3A_451 = arith.addi %add3A_450, %add3A : i32
    %mul3A_452 = arith.constant 1024 : i32
    %mul3A_453 = arith.muli %add3A_451, %mul3A_452 : i32
    %dma_start3A_454 = arith.constant 2048 : i32
    %dma_start3A_455 = tpu.memref_slice %arg15[%dma_start3A_454] : memref<8192xf32, #tpu.memory_space<vmem>> -> memref<1024xf32, #tpu.memory_space<vmem>>
    %dma_start3A_456 = tpu.memref_slice %arg4[%mul3A_453] : memref<52428800xf32, #tpu.memory_space<hbm>> -> memref<1024xf32, #tpu.memory_space<hbm>>
    %dma_start3A_457 = tpu.memref_slice %arg4[%mul3A_453] : memref<52428800xf32, #tpu.memory_space<hbm>> -> memref<1024xf32, #tpu.memory_space<hbm>>
    %dma_start3A_458 = arith.constant 2048 : i32
    %dma_start3A_459 = tpu.memref_slice %arg15[%dma_start3A_458] : memref<8192xf32, #tpu.memory_space<vmem>> -> memref<1024xf32, #tpu.memory_space<vmem>>
    tpu.enqueue_dma source(%dma_start3A_459 : memref<1024xf32, #tpu.memory_space<vmem>>) target(%dma_start3A_457 : memref<1024xf32, #tpu.memory_space<hbm>>) target_semaphore(%arg25 : memref<!tpu.dma_semaphore, #tpu.memory_space<semaphore_mem>>)
    %add3A_460 = arith.constant 51040 : i32
    %add3A_461 = arith.addi %add3A_460, %add3A : i32
    %mul3A_462 = arith.constant 1024 : i32
    %mul3A_463 = arith.muli %add3A_461, %mul3A_462 : i32
    %dma_start3A_464 = arith.constant 3072 : i32
    %dma_start3A_465 = tpu.memref_slice %arg15[%dma_start3A_464] : memref<8192xf32, #tpu.memory_space<vmem>> -> memref<1024xf32, #tpu.memory_space<vmem>>
    %dma_start3A_466 = tpu.memref_slice %arg4[%mul3A_463] : memref<52428800xf32, #tpu.memory_space<hbm>> -> memref<1024xf32, #tpu.memory_space<hbm>>
    %dma_start3A_467 = tpu.memref_slice %arg4[%mul3A_463] : memref<52428800xf32, #tpu.memory_space<hbm>> -> memref<1024xf32, #tpu.memory_space<hbm>>
    %dma_start3A_468 = arith.constant 3072 : i32
    %dma_start3A_469 = tpu.memref_slice %arg15[%dma_start3A_468] : memref<8192xf32, #tpu.memory_space<vmem>> -> memref<1024xf32, #tpu.memory_space<vmem>>
    tpu.enqueue_dma source(%dma_start3A_469 : memref<1024xf32, #tpu.memory_space<vmem>>) target(%dma_start3A_467 : memref<1024xf32, #tpu.memory_space<hbm>>) target_semaphore(%arg25 : memref<!tpu.dma_semaphore, #tpu.memory_space<semaphore_mem>>)
    %add3A_470 = arith.constant 51072 : i32
    %add3A_471 = arith.addi %add3A_470, %add3A : i32
    %mul3A_472 = arith.constant 1024 : i32
    %mul3A_473 = arith.muli %add3A_471, %mul3A_472 : i32
    %dma_start3A_474 = arith.constant 4096 : i32
    %dma_start3A_475 = tpu.memref_slice %arg15[%dma_start3A_474] : memref<8192xf32, #tpu.memory_space<vmem>> -> memref<1024xf32, #tpu.memory_space<vmem>>
    %dma_start3A_476 = tpu.memref_slice %arg4[%mul3A_473] : memref<52428800xf32, #tpu.memory_space<hbm>> -> memref<1024xf32, #tpu.memory_space<hbm>>
    %dma_start3A_477 = tpu.memref_slice %arg4[%mul3A_473] : memref<52428800xf32, #tpu.memory_space<hbm>> -> memref<1024xf32, #tpu.memory_space<hbm>>
    %dma_start3A_478 = arith.constant 4096 : i32
    %dma_start3A_479 = tpu.memref_slice %arg15[%dma_start3A_478] : memref<8192xf32, #tpu.memory_space<vmem>> -> memref<1024xf32, #tpu.memory_space<vmem>>
    tpu.enqueue_dma source(%dma_start3A_479 : memref<1024xf32, #tpu.memory_space<vmem>>) target(%dma_start3A_477 : memref<1024xf32, #tpu.memory_space<hbm>>) target_semaphore(%arg25 : memref<!tpu.dma_semaphore, #tpu.memory_space<semaphore_mem>>)
    %add3A_480 = arith.constant 51104 : i32
    %add3A_481 = arith.addi %add3A_480, %add3A : i32
    %mul3A_482 = arith.constant 1024 : i32
    %mul3A_483 = arith.muli %add3A_481, %mul3A_482 : i32
    %dma_start3A_484 = arith.constant 5120 : i32
    %dma_start3A_485 = tpu.memref_slice %arg15[%dma_start3A_484] : memref<8192xf32, #tpu.memory_space<vmem>> -> memref<1024xf32, #tpu.memory_space<vmem>>
    %dma_start3A_486 = tpu.memref_slice %arg4[%mul3A_483] : memref<52428800xf32, #tpu.memory_space<hbm>> -> memref<1024xf32, #tpu.memory_space<hbm>>
    %dma_start3A_487 = tpu.memref_slice %arg4[%mul3A_483] : memref<52428800xf32, #tpu.memory_space<hbm>> -> memref<1024xf32, #tpu.memory_space<hbm>>
    %dma_start3A_488 = arith.constant 5120 : i32
    %dma_start3A_489 = tpu.memref_slice %arg15[%dma_start3A_488] : memref<8192xf32, #tpu.memory_space<vmem>> -> memref<1024xf32, #tpu.memory_space<vmem>>
    tpu.enqueue_dma source(%dma_start3A_489 : memref<1024xf32, #tpu.memory_space<vmem>>) target(%dma_start3A_487 : memref<1024xf32, #tpu.memory_space<hbm>>) target_semaphore(%arg25 : memref<!tpu.dma_semaphore, #tpu.memory_space<semaphore_mem>>)
    %add3A_490 = arith.constant 51136 : i32
    %add3A_491 = arith.addi %add3A_490, %add3A : i32
    %mul3A_492 = arith.constant 1024 : i32
    %mul3A_493 = arith.muli %add3A_491, %mul3A_492 : i32
    %dma_start3A_494 = arith.constant 6144 : i32
    %dma_start3A_495 = tpu.memref_slice %arg15[%dma_start3A_494] : memref<8192xf32, #tpu.memory_space<vmem>> -> memref<1024xf32, #tpu.memory_space<vmem>>
    %dma_start3A_496 = tpu.memref_slice %arg4[%mul3A_493] : memref<52428800xf32, #tpu.memory_space<hbm>> -> memref<1024xf32, #tpu.memory_space<hbm>>
    %dma_start3A_497 = tpu.memref_slice %arg4[%mul3A_493] : memref<52428800xf32, #tpu.memory_space<hbm>> -> memref<1024xf32, #tpu.memory_space<hbm>>
    %dma_start3A_498 = arith.constant 6144 : i32
    %dma_start3A_499 = tpu.memref_slice %arg15[%dma_start3A_498] : memref<8192xf32, #tpu.memory_space<vmem>> -> memref<1024xf32, #tpu.memory_space<vmem>>
    tpu.enqueue_dma source(%dma_start3A_499 : memref<1024xf32, #tpu.memory_space<vmem>>) target(%dma_start3A_497 : memref<1024xf32, #tpu.memory_space<hbm>>) target_semaphore(%arg25 : memref<!tpu.dma_semaphore, #tpu.memory_space<semaphore_mem>>)
    %add3A_500 = arith.constant 51168 : i32
    %add3A_501 = arith.addi %add3A_500, %add3A : i32
    %mul3A_502 = arith.constant 1024 : i32
    %mul3A_503 = arith.muli %add3A_501, %mul3A_502 : i32
    %dma_start3A_504 = arith.constant 7168 : i32
    %dma_start3A_505 = tpu.memref_slice %arg15[%dma_start3A_504] : memref<8192xf32, #tpu.memory_space<vmem>> -> memref<1024xf32, #tpu.memory_space<vmem>>
    %dma_start3A_506 = tpu.memref_slice %arg4[%mul3A_503] : memref<52428800xf32, #tpu.memory_space<hbm>> -> memref<1024xf32, #tpu.memory_space<hbm>>
    %dma_start3A_507 = tpu.memref_slice %arg4[%mul3A_503] : memref<52428800xf32, #tpu.memory_space<hbm>> -> memref<1024xf32, #tpu.memory_space<hbm>>
    %dma_start3A_508 = arith.constant 7168 : i32
    %dma_start3A_509 = tpu.memref_slice %arg15[%dma_start3A_508] : memref<8192xf32, #tpu.memory_space<vmem>> -> memref<1024xf32, #tpu.memory_space<vmem>>
    tpu.enqueue_dma source(%dma_start3A_509 : memref<1024xf32, #tpu.memory_space<vmem>>) target(%dma_start3A_507 : memref<1024xf32, #tpu.memory_space<hbm>>) target_semaphore(%arg25 : memref<!tpu.dma_semaphore, #tpu.memory_space<semaphore_mem>>)
    %mul3A_510 = arith.constant 8192 : i32
    %mul3A_511 = arith.muli %add3A, %mul3A_510 : i32
    %dma_wait3A_512 = tpu.memref_slice %arg4[%mul3A_511] : memref<52428800xf32, #tpu.memory_space<hbm>> -> memref<8192xf32, #tpu.memory_space<hbm>>
    %dma_wait3A_513 = tpu.memref_slice %arg4[%mul3A_511] : memref<52428800xf32, #tpu.memory_space<hbm>> -> memref<8192xf32, #tpu.memory_space<hbm>>
    tpu.wait_dma2 semaphore(%arg21 : memref<!tpu.dma_semaphore, #tpu.memory_space<semaphore_mem>>) src(%arg11 : memref<8192xf32, #tpu.memory_space<vmem>>) dst(%dma_wait3A_513 : memref<8192xf32, #tpu.memory_space<hbm>>)
    %mul3A_514 = arith.constant 8192 : i32
    %mul3A_515 = arith.muli %add3A, %mul3A_514 : i32
    %dma_wait3A_516 = tpu.memref_slice %arg4[%mul3A_515] : memref<52428800xf32, #tpu.memory_space<hbm>> -> memref<8192xf32, #tpu.memory_space<hbm>>
    %dma_wait3A_517 = tpu.memref_slice %arg4[%mul3A_515] : memref<52428800xf32, #tpu.memory_space<hbm>> -> memref<8192xf32, #tpu.memory_space<hbm>>
    tpu.wait_dma2 semaphore(%arg22 : memref<!tpu.dma_semaphore, #tpu.memory_space<semaphore_mem>>) src(%arg12 : memref<8192xf32, #tpu.memory_space<vmem>>) dst(%dma_wait3A_517 : memref<8192xf32, #tpu.memory_space<hbm>>)
    %mul3A_518 = arith.constant 8192 : i32
    %mul3A_519 = arith.muli %add3A, %mul3A_518 : i32
    %dma_wait3A_520 = tpu.memref_slice %arg4[%mul3A_519] : memref<52428800xf32, #tpu.memory_space<hbm>> -> memref<8192xf32, #tpu.memory_space<hbm>>
    %dma_wait3A_521 = tpu.memref_slice %arg4[%mul3A_519] : memref<52428800xf32, #tpu.memory_space<hbm>> -> memref<8192xf32, #tpu.memory_space<hbm>>
    tpu.wait_dma2 semaphore(%arg23 : memref<!tpu.dma_semaphore, #tpu.memory_space<semaphore_mem>>) src(%arg13 : memref<8192xf32, #tpu.memory_space<vmem>>) dst(%dma_wait3A_521 : memref<8192xf32, #tpu.memory_space<hbm>>)
    %mul3A_522 = arith.constant 8192 : i32
    %mul3A_523 = arith.muli %add3A, %mul3A_522 : i32
    %dma_wait3A_524 = tpu.memref_slice %arg4[%mul3A_523] : memref<52428800xf32, #tpu.memory_space<hbm>> -> memref<8192xf32, #tpu.memory_space<hbm>>
    %dma_wait3A_525 = tpu.memref_slice %arg4[%mul3A_523] : memref<52428800xf32, #tpu.memory_space<hbm>> -> memref<8192xf32, #tpu.memory_space<hbm>>
    tpu.wait_dma2 semaphore(%arg24 : memref<!tpu.dma_semaphore, #tpu.memory_space<semaphore_mem>>) src(%arg14 : memref<8192xf32, #tpu.memory_space<vmem>>) dst(%dma_wait3A_525 : memref<8192xf32, #tpu.memory_space<hbm>>)
    %mul3A_526 = arith.constant 8192 : i32
    %mul3A_527 = arith.muli %add3A, %mul3A_526 : i32
    %dma_wait3A_528 = tpu.memref_slice %arg4[%mul3A_527] : memref<52428800xf32, #tpu.memory_space<hbm>> -> memref<8192xf32, #tpu.memory_space<hbm>>
    %dma_wait3A_529 = tpu.memref_slice %arg4[%mul3A_527] : memref<52428800xf32, #tpu.memory_space<hbm>> -> memref<8192xf32, #tpu.memory_space<hbm>>
    tpu.wait_dma2 semaphore(%arg25 : memref<!tpu.dma_semaphore, #tpu.memory_space<semaphore_mem>>) src(%arg15 : memref<8192xf32, #tpu.memory_space<vmem>>) dst(%dma_wait3A_529 : memref<8192xf32, #tpu.memory_space<hbm>>)
    return
  }
}

</mosaic_0001>

<sc_bundles>
// kernel: kernel.3.cloned.1.call-start
scs
__scs_entry_jumppad:
0x0: {  	(pc) =	sbr.rel $0x88, $3  }
0x1: {  	(tag) =	ssettag $0x0;
	lr =	simm.s32 $0x1  }
0x2: {  	[smem:$0x3F9F] =	sst lr;
	_ =	strace $0xD0000000  }
0x3: {  	_ = 	snop  }
0x4: {  	_ = 	snop  }
0x5: {  	_ = 	snop  }
0x6: {  	_ = 	snop  }
0x7: {  	_ = 	snop  }
__scs_overlays_trampoline_lowered:
0x8: {  	[smem:$0x3FAE] =	sst s0  }
0x9: {  	[smem:$0x3FAF] =	sst s1  }
0xa: {  	[smem:$0x3FB0] =	sst s2  }
0xb: {  	[smem:$0x3FB1] =	sst s3  }
0xc: {  	[smem:$0x3FB2] =	sst s4  }
0xd: {  	[smem:$0x3FB3] =	sst s5  }
0xe: {  	[smem:$0x3FB4] =	sst s6  }
0xf: {  	[smem:$0x3FB5] =	sst s7  }
0x10: {  	[smem:$0x3FB6] =	sst s8  }
0x11: {  	[smem:$0x3FB7] =	sst s9;
	s0 =	simm.s32 @!p0 $0x0  }
0x12: {  	s1 =	sld [smem:$0x3F9D];
	s0 =	simm.s32 @p0 $0x1  }
0x13: {  	[smem:$0x3FB8] =	sst s0;
	s0 =	simm.s32 @!p1 $0x0  }
0x14: {  	s2 =	sld [smem:$0x3F9C];
	s0 =	simm.s32 @p1 $0x1  }
0x15: {  	[smem:$0x3FB9] =	sst s0;
	s0 =	simm.s32 @!p2 $0x0  }
0x16: {  	s3 =	sld [smem:$0x3FDB];
	s0 =	simm.s32 @p2 $0x1  }
0x17: {  	s4 =	simm.s32 $0x1BF5;
	[smem:$0x3FBB] =	sst s0  }
0x18: {  	s0 =	sld [smem:$0x3F9E];
	_ =	swait.ge [sflag:s4], $0x0  }
0x19: {  	s7 =	sld [smem:$0x3F9F]  }
0x1a: {  	s8 =	sadd.s32 $0xFFFFE003, lr  }
0x1b: {  	s9 =	sadd.s32 $0xFFFFFEF7, lr;
	s5 =	simm.s32 $0xFFFFFFFF;
	p2 =	slt.u32 s8, $0xFFFFF086  }
0x1c: {  	p1 =	slt.u32 s9, $0xF7A;
	s5 =	simm.s32 @!p2 $0x0  }
0x1d: {  	s5 =	simm.s32 @p1 $0x1;
	p0 =	seq.s32 s7, s2  }
0x1e: {  	s7 =	smul.u32 @!p0 $0xF7A, s2;
	p2 =	seq.s32 @!p0 s5, $0x0  }
0x1f: {  	s9 =	smul.u32 $0xF7A, s1;
	s8 =	simm.s32 @!p0 $0x1BF5;
	p2 =	por !p2, p0  }
0x20: {  	[sflag:s8] =	ssyncset.s32 @!p0 $0xFFFFF086;
	s6 =	sadd.s32 @!p0 s3, s7;
	s7 =	simm.s32 @!p0 $0x108  }
0x21: {  	s3 =	sadd.s32 s3, s9;
	s6 =	sadd.s32 @!p0 $0x88, s6;
	s7 =	simm.s32 @p2 $0x1082  }
0x22: {  	[simem:s7], [sflag:s8] =	dma.local @!p0 [hbm:s6], $0xF7A  }
0x23: {  	s9 =	sor.u32 $0xD0000000, s2;
	s6 =	simm.s32 $0x108;
	_ =	swait.ge @!p0 [sflag:s8], $0x0  }
0x24: {  	s3 =	sadd.s32 $0x88, s3;
	s6 =	simm.s32 @!p1 $0x1082;
	[sflag:s4] =	ssyncset.s32 $0xFFFFF086  }
0x25: {  	[simem:s6], [sflag:s4] =	dma.local [hbm:s3], $0xF7A  }
0x26: {  	[smem:$0x3F9F] =	sst s1;
	(tag) =	ssettag s2;
	_ =	strace s9  }
0x27: {  	s1 =	sld [smem:$0x3FAF]  }
0x28: {  	s2 =	sld [smem:$0x3FB0]  }
0x29: {  	s4 =	sld [smem:$0x3FB2]  }
0x2a: {  	p0 =	seq.s32 s5, $0x0;
	s5 =	sld [smem:$0x3FB3]  }
0x2b: {  	s6 =	sld [smem:$0x3FB4]  }
0x2c: {  	s7 =	sld [smem:$0x3FB5]  }
0x2d: {  	s3 =	simm.s32 $0x108;
	s8 =	sld [smem:$0x3FB6]  }
0x2e: {  	s3 =	simm.s32 @!p0 $0x1082;
	s9 =	sld [smem:$0x3FB7]  }
0x2f: {  	lr =	sadd.s32 s0, s3;
	s0 =	sld [smem:$0x3FAE]  }
0x30: {  	s3 =	sld [smem:$0x3FB1]  }
0x31: {  	[smem:$0x3FBA] =	sst s10  }
0x32: {  	s10 =	sld [smem:$0x3FB8];
	_ =	sdelay $0x3  }
0x33: {  	p0 =	seq.s32 s10, $0x1;
	s10 =	sld [smem:$0x3FBA];
	_ =	sdelay $0x3  }
0x34: {  	[smem:$0x3FBA] =	sst s10  }
0x35: {  	s10 =	sld [smem:$0x3FB9];
	_ =	sdelay $0x3  }
0x36: {  	p1 =	seq.s32 s10, $0x1;
	s10 =	sld [smem:$0x3FBA];
	_ =	sdelay $0x3  }
0x37: {  	[smem:$0x3FBA] =	sst s10  }
0x38: {  	s10 =	sld [smem:$0x3FBB]  }
0x39: {  	_ = 	snop;
	(pc) =	sbr.ind lr, $3  }
0x3a: {  	_ = 	snop  }
0x3b: {  	_ = 	snop  }
0x3c: {  	p2 =	seq.s32 s10, $0x1;
	s10 =	sld [smem:$0x3FBA]  }
0x3d: {  	_ =	shalt  }
0x3e: {  	_ =	shalt  }
0x3f: {  	_ =	shalt  }
0x40: {  	_ =	shalt  }
0x41: {  	_ =	shalt  }
0x42: {  	_ =	shalt  }
0x43: {  	_ =	shalt  }
0x44: {  	_ =	shalt  }
0x45: {  	_ =	shalt  }
0x46: {  	_ =	shalt  }
0x47: {  	_ =	shalt  }
0x48: {  	_ =	shalt  }
0x49: {  	_ =	shalt  }
0x4a: {  	_ =	shalt  }
0x4b: {  	_ =	shalt  }
0x4c: {  	_ =	shalt  }
0x4d: {  	_ =	shalt  }
0x4e: {  	_ =	shalt  }
0x4f: {  	_ =	shalt  }
0x50: {  	_ =	shalt  }
0x51: {  	_ =	shalt  }
0x52: {  	_ =	shalt  }
0x53: {  	_ =	shalt  }
0x54: {  	_ =	shalt  }
0x55: {  	_ =	shalt  }
0x56: {  	_ =	shalt  }
0x57: {  	_ =	shalt  }
0x58: {  	_ =	shalt  }
0x59: {  	_ =	shalt  }
0x5a: {  	_ =	shalt  }
0x5b: {  	_ =	shalt  }
0x5c: {  	_ =	shalt  }
0x5d: {  	_ =	shalt  }
0x5e: {  	_ =	shalt  }
0x5f: {  	_ =	shalt  }
0x60: {  	_ =	shalt  }
0x61: {  	_ =	shalt  }
0x62: {  	_ =	shalt  }
0x63: {  	_ =	shalt  }
0x64: {  	_ =	shalt  }
0x65: {  	_ =	shalt  }
0x66: {  	_ =	shalt  }
0x67: {  	_ =	shalt  }
0x68: {  	_ =	shalt  }
0x69: {  	_ =	shalt  }
0x6a: {  	_ =	shalt  }
0x6b: {  	_ =	shalt  }
0x6c: {  	_ =	shalt  }
0x6d: {  	_ =	shalt  }
0x6e: {  	_ =	shalt  }
0x6f: {  	_ =	shalt  }
0x70: {  	_ =	shalt  }
0x71: {  	_ =	shalt  }
0x72: {  	_ =	shalt  }
0x73: {  	_ =	shalt  }
0x74: {  	_ =	shalt  }
0x75: {  	_ =	shalt  }
0x76: {  	_ =	shalt  }
0x77: {  	_ =	shalt  }
0x78: {  	_ =	shalt  }
0x79: {  	_ =	shalt  }
0x7a: {  	_ =	shalt  }
0x7b: {  	_ =	shalt  }
0x7c: {  	_ =	shalt  }
0x7d: {  	_ =	shalt  }
0x7e: {  	_ =	shalt  }
0x7f: {  	_ =	shalt  }
0x80: {  	_ =	shalt  }
0x81: {  	_ =	shalt  }
0x82: {  	_ =	shalt  }
0x83: {  	_ =	shalt  }
0x84: {  	_ =	shalt  }
0x85: {  	_ =	shalt  }
0x86: {  	_ =	shalt  }
0x87: {  	_ =	shalt  }
.Lfunc_end0:
.L_simem_size_0:
called_computation_lowered:
.L_overlay_start_0:
0x88: {  	s2 =	sld [smem:$0x3FD9]  }
0x89: {  	s3 =	sld [smem:$0x3FFE];
	_ =	sdelay $0x1  }
0x8a: {  	s1 =	srdreg.scid  }
0x8b: {  	s0 =	sand.u32 $0x1, s1  }
0x8c: {  	s17 =	sshll.u32 s0, $0xA;
	s2 =	sadd.s32 s3, s2  }
0x8d: {  	s2 =	sadd.s32 s2, s17  }
0x8e: {  	[smem:$0x3FC6] =	sst s2  }
0x8f: {  	_ = 	snop  }
0x90: {  	s2 =	sld [smem:$0x3FD0];
	(tm) =	ssettm $0x1  }
0x91: {  	s18 =	sld [smem:$0x3FFB];
	_ =	sdelay $0x3  }
0x92: {  	_ =	strace s18  }
0x93: {  	s3 =	sld [smem:$0x3FFC];
	_ =	sdelay $0x3  }
0x94: {  	_ =	strace s3  }
0x95: {  	s3 =	sld [smem:$0x3FFD];
	_ =	sdelay $0x3  }
0x96: {  	_ =	strace s3  }
0x97: {  	_ =	strace $0x8FFFFFFF  }
0x98: {  	s19 =	sld [smem:$0x3FDB];
	_ =	sdelay $0x1  }
0x99: {  	s4 =	simm.s32 $_scs_section_size  }
0x9a: {  	s5 =	simm.s32 $_size__tile_overlayer_lowered;
	s6 =	simm.s32 $_tile_overlayer_lowered  }
0x9b: {  	s22 =	simm.s32 $0x1BFF;
	s21 =	sshll.u32 s6, $0x1;
	s3 =	sadd.s32 s4, s19  }
0x9c: {  	s7 =	simm.s32 $0x0;
	s20 =	sshll.u32 s5, $0x1;
	s5 =	sadd.s32 s21, s3  }
0x9d: {  	[timem:s7], [sflag:s22] =	dma.local [hbm:s5], s20  }
0x9e: {  	_ =	swait.ge [sflag:s22], s20  }
0x9f: {  	s4 =	ssub.s32 $0x0, s20;
	[sflag:s22] =	ssyncset.done $0x0  }
0xa0: {  	[sflag:s22] =	ssyncadd.s32 s4;
	_ =	sdelay $0x1  }
0xa1: {  	s23 =	simm.s32 $0x1B8B  }
0xa2: {  	_ =	swait.ge [sflag:s23], $0x1  }
0xa3: {  	[sflag:s23] =	ssyncset.done $0x0  }
0xa4: {  	s25 =	simm.s32 $0x1B8E;
	s24 =	sld [smem:$0x3FFE];
	[sflag:s23] =	ssyncadd.s32 $0xFFFFFFFF  }
0xa5: {  	s26 =	simm.s32 $execute0_lowered;
	[smem:$0x3FD2] =	sst s25  }
0xa6: {  	s5 =	sshll.u32 s26, $0x1;
	_ =	strace $0x80000046;
	[dreg:$0x1] =	wrdreg $0xFFFFFFFF  }
0xa7: {  	s28 =	simm.s32 $_size_execute0_lowered;
	s3 =	sadd.s32 s3, s5;
	[dreg:$0x0] =	wrdreg $0x0  }
0xa8: {  	s5 =	sshll.u32 s28, $0x1;
	[dreg:$0x2] =	wrdreg s3  }
0xa9: {  	[dreg:$0x3] =	wrdreg s5  }
0xaa: {  	[dreg:$0x4] =	wrdreg $0xC0  }
0xab: {  	_ =	task [dreg:s7], $0x5FFFF  }
0xac: {  	[dreg:$0x1] =	wrdreg $0xFFFFFFFF  }
0xad: {  	[dreg:$0x0] =	wrdreg $0x60  }
0xae: {  	[dreg:$0x2] =	wrdreg s24  }
0xaf: {  	[dreg:$0x3] =	wrdreg s2  }
0xb0: {  	[dreg:$0x4] =	wrdreg $0x9  }
0xb1: {  	_ =	task.clear_ibuf [dreg:s7], $0x5FFFF;
	_ =	strace $0x90000046  }
0xb2: {  	s29 =	simm.s32 $0x9;
	_ =	strace $0x80000048  }
0xb3: {  	_ =	swait.ge [sflag:s29], $0x1  }
0xb4: {  	[sflag:s29] =	ssyncadd.s32 $0xFFFFFFFF  }
0xb5: {  	_ =	strace $0x90000048  }
0xb6: {  	_ =	sfence  }
0xb7: {  	s30 =	sld [smem:$0x0];
	_ =	sdelay $0x2  }
0xb8: {  	s31 =	sshll.u32 s1, $0xD;
	s1 =	sshrl.u32 s1, $0x2  }
0xb9: {  	s3 =	sand.u32 $0x4000, s31;
	s1 =	sadd.s32 s1, s30  }
0xba: {  	s0 =	sor.u32 s3, s0;
	s1 =	sshll.u32 s1, $0x11  }
0xbb: {  	s0 =	sor.u32 s1, s0  }
0xbc: {  	s0 =	sadd.s32 $0x8F2B, s0  }
0xbd: {  	[sflag:s0] =	ssyncadd.remote.s32 $0x1  }
0xbe: {  	_ =	sfence.sel $0xFFFF  }
0xbf: {  	[dreg:$0x0] =	wrdreg $0xFFFFFFFF;
	(pc) =	sbr.abs _section_cstart, $3  }
0xc0: {  	[dreg:$0x1] =	wrdreg $0xFFFFFFFF  }
0xc1: {  	_ =	task.clear_ibuf [dreg:s7], $0x2FFFF;
	_ =	strace $0x9FFFFFFF  }
0xc2: {  	(tm) =	ssettm $0x7FFFFFFF  }
0xc3: {  	_ =	shalt  }
tec
execute0_lowered:
.L_overlay_start_1:
0x0: {  	(tag) =	ssettag $0x1  }
0x1: {  	s1 =	srdreg.scid;
	s3 =	stileid.u32  }
0x2: {  	s0 =	rddreg [dreg:$0x0];
	s1 =	sand.u32 $0x1, s1;
	s4 =	sshll.u32 s3, $0x1  }
0x3: {  	s2 =	rddreg [dreg:$0x1];
	s3 =	simm.s32 $0x0;
	s6 =	sor.u32 s1, s4  }
0x4: {  	[smem:$0x7FF] =	sst s3;
	s4 =	smul.u32 $0xC80, s6;
	s29 =	sshll.u32 s6, $0x7  }
0x5: {  	_ =	strace $0x80000047;
	[dreg:$0x3] =	wrdreg s6;
	s7 =	sor.u32 $0x8000, s29  }
0x6: {  	s5 =	sadd.s32 $0xF42A00, s0;
	s8 =	sor.u32 $0x10000, s29;
	[dreg:$0x5] =	wrdreg s7  }
0x7: {  	s6 =	sor.u32 $0x18000, s29;
	s0 =	sadd.s32 s4, s0;
	[dreg:$0x6] =	wrdreg s8  }
0x8: {  	s4 =	sadd.s32 s29, s2;
	[dreg:$0x7] =	wrdreg s6;
	s0 =	sadd.s32 $0x600, s0  }
0x9: {  	s9 =	sadd.s32 $0x618000, s4;
	[dreg:$0x4] =	wrdreg s0  }
0xa: {  	s10 =	sadd.s32 $0x619000, s4;
	[dreg:$0x9] =	wrdreg s9  }
0xb: {  	s11 =	sadd.s32 $0x61A000, s4;
	[dreg:$0xa] =	wrdreg s10  }
0xc: {  	s12 =	sadd.s32 $0x61B000, s4;
	[dreg:$0xb] =	wrdreg s11  }
0xd: {  	s13 =	sadd.s32 $0x61C000, s4;
	[dreg:$0xc] =	wrdreg s12  }
0xe: {  	s14 =	sadd.s32 $0x61D000, s4;
	[dreg:$0xd] =	wrdreg s13  }
0xf: {  	s15 =	sadd.s32 $0x61E000, s4;
	[dreg:$0xe] =	wrdreg s14  }
0x10: {  	s16 =	sadd.s32 $0x61F000, s4;
	[dreg:$0xf] =	wrdreg s15  }
0x11: {  	s17 =	sadd.s32 $0x620000, s4;
	[dreg:$0x10] =	wrdreg s16  }
0x12: {  	s18 =	sadd.s32 $0x621000, s4;
	[dreg:$0x11] =	wrdreg s17  }
0x13: {  	s19 =	sadd.s32 $0x622000, s4;
	[dreg:$0x12] =	wrdreg s18  }
0x14: {  	s20 =	sadd.s32 $0x623000, s4;
	[dreg:$0x13] =	wrdreg s19  }
0x15: {  	s21 =	sadd.s32 $0x624000, s4;
	[dreg:$0x14] =	wrdreg s20  }
0x16: {  	s22 =	sadd.s32 $0x625000, s4;
	[dreg:$0x15] =	wrdreg s21  }
0x17: {  	s23 =	sadd.s32 $0x626000, s4;
	[dreg:$0x16] =	wrdreg s22  }
0x18: {  	s1 =	ssub.s32 $0x2, s1;
	s24 =	sadd.s32 $0x627000, s4;
	[dreg:$0x17] =	wrdreg s23  }
0x19: {  	s26 =	sshrl.u32 s1, $0x1;
	s25 =	sadd.s32 $0x628000, s4;
	[dreg:$0x18] =	wrdreg s24  }
0x1a: {  	s1 =	ssub.s32 s1, s26;
	s26 =	sadd.s32 $0x629000, s4;
	[dreg:$0x19] =	wrdreg s25  }
0x1b: {  	s6 =	sadd.s32 $0x62B000, s4;
	[dreg:$0x1a] =	wrdreg s26  }
0x1c: {  	s7 =	sadd.s32 $0x62C000, s4;
	[dreg:$0x1c] =	wrdreg s6  }
0x1d: {  	s8 =	sadd.s32 $0x62D000, s4;
	[dreg:$0x1d] =	wrdreg s7  }
0x1e: {  	s0 =	sor.u32 $0x20000, s29;
	[dreg:$0x1e] =	wrdreg s8  }
0x1f: {  	s29 =	sadd.s32 $0x62A000, s4;
	[dreg:$0x8] =	wrdreg s0  }
0x20: {  	s9 =	sadd.s32 $0x62E000, s4;
	[dreg:$0x1b] =	wrdreg s29  }
0x21: {  	s10 =	sadd.s32 $0x62F000, s4;
	[dreg:$0x1f] =	wrdreg s9  }
0x22: {  	s11 =	sadd.s32 $0x630000, s4;
	[smem:$0x7EC] =	sst s10  }
0x23: {  	s12 =	sadd.s32 $0x631000, s4;
	[smem:$0x7ED] =	sst s11  }
0x24: {  	s13 =	sadd.s32 $0x632000, s4;
	[smem:$0x7EE] =	sst s12  }
0x25: {  	s14 =	sadd.s32 $0x633000, s4;
	[smem:$0x7EF] =	sst s13  }
0x26: {  	s15 =	sadd.s32 $0x634000, s4;
	[smem:$0x7F0] =	sst s14  }
0x27: {  	s16 =	sadd.s32 $0x635000, s4;
	[smem:$0x7F1] =	sst s15  }
0x28: {  	s17 =	sadd.s32 $0x636000, s4;
	[smem:$0x7F2] =	sst s16  }
0x29: {  	s18 =	sadd.s32 $0x637000, s4;
	[smem:$0x7F3] =	sst s17  }
0x2a: {  	s19 =	sadd.s32 $0x638000, s4;
	[smem:$0x7F4] =	sst s18  }
0x2b: {  	s20 =	sadd.s32 $0x639000, s4;
	[smem:$0x7F5] =	sst s19  }
0x2c: {  	s21 =	sadd.s32 $0x63A000, s4;
	[smem:$0x7F6] =	sst s20  }
0x2d: {  	s28 =	simm.s32 $0x18400;
	s22 =	sadd.s32 $0x63B000, s4;
	[smem:$0x7F7] =	sst s21  }
0x2e: {  	s30 =	sadd.s32 $0x1000, s2;
	s23 =	sadd.s32 $0x63C000, s4;
	[smem:$0x7F8] =	sst s22  }
0x2f: {  	s31 =	sadd.s32 $0x2000, s2;
	s24 =	sadd.s32 $0x63D000, s4;
	[smem:$0x7F9] =	sst s23  }
0x30: {  	s25 =	sadd.s32 $0x63E000, s4;
	s26 =	sadd.s32 $0x63F000, s4;
	[smem:$0x7FA] =	sst s24  }
0x31: {  	s6 =	sadd.s32 $0x5000, s2;
	s7 =	simm.s32 $0x7;
	[smem:$0x7FB] =	sst s25  }
0x32: {  	s8 =	simm.s32 $0x8;
	[smem:$0x7FC] =	sst s26;
	s29 =	smax.u32 s1, $0x1  }
0x33: {  	s1 =	sadd.s32 $0x3000, s2;
	s0 =	sadd.s32 $0x4000, s2;
	s11 =	sadd.s32 $0x6000, s2  }
0x34: {  	s12 =	sadd.s32 $0x7000, s2;
	s14 =	simm.s32 $0x80;
	s15 =	simm.s32 $0x6400  }
0x35: {  	s16 =	simm.s32 $0x8400;
	s17 =	simm.s32 $0xA400;
	s18 =	simm.s32 $0xC400  }
0x36: {  	s19 =	simm.s32 $0xE400;
	s21 =	simm.s32 $0x10400;
	s22 =	simm.s32 $0x12400  }
0x37: {  	v0 =	vlaneseq.u32;
	s25 =	simm.s32 $0x14400;
	s26 =	simm.s32 $0x16400;
	s9 =	simm.s32 $0x9  }
0x38: {  	v1 =	vand.u32 $0x7, v0;
	s10 =	simm.s32 $0xA;
	s13 =	simm.s32 $0x0;
	[smem:$0x7FD] =	sst s29  }
.LBB2_1:
0x39: {  	[smem:$0x7EB] =	sst s13  }
0x3a: {  	s4 =	rddreg [dreg:$0x4];
	s20 =	simm.s32 $0xB  }
0x3b: {  	[tilespmem:s3], [sflag:$0xB] =	stream.linear.gather [hbm4b:s4+s3], $0x6400, $0x38;
	[tilespmem:$0x1A400] =	vst v63  }
0x3c: {  	_ =	swait.ge [sflag:s20], $0x6400  }
0x3d: {  	[sflag:s20] =	ssyncset.done $0x0  }
0x3e: {  	[sflag:s20] =	ssyncadd.s32 $0xFFFF9C00  }
0x3f: {  	[tilespmem:s15], [sflag:$0x1] =	stream.indirect.gather [hbm4b:s5+s14], $0x40, s3, s14, $0xb8;
	[tilespmem:$0x1A400] =	vst v63  }
0x40: {  	_ = 	snop  }
0x41: {  	[tilespmem:s16], [sflag:$0x2] =	stream.indirect.gather [hbm4b:s5+s14], $0x40, s14, s14, $0xb8;
	[tilespmem:$0x1A400] =	vst v63  }
0x42: {  	s23 =	simm.s32 $0x100  }
0x43: {  	[tilespmem:s17], [sflag:$0x3] =	stream.indirect.gather [hbm4b:s5+s14], $0x40, s23, s14, $0xb8;
	[tilespmem:$0x1A400] =	vst v63  }
0x44: {  	s24 =	simm.s32 $0x180  }
0x45: {  	[tilespmem:s18], [sflag:$0x4] =	stream.indirect.gather [hbm4b:s5+s14], $0x40, s24, s14, $0xb8;
	[tilespmem:$0x1A400] =	vst v63  }
0x46: {  	s29 =	simm.s32 $0x200;
	s20 =	simm.s32 $0x0  }
0x47: {  	[tilespmem:s19], [sflag:$0x5] =	stream.indirect.gather [hbm4b:s5+s14], $0x40, s29, s14, $0xb8;
	[tilespmem:$0x1A400] =	vst v63  }
.LBB2_2:
0x48: {  	s4 =	simm.s32 $0x1  }
0x49: {  	_ =	swait.ge [sflag:s4], $0x2000  }
0x4a: {  	[sflag:s4] =	ssyncset.done $0x0  }
0x4b: {  	s13 =	simm.s32 $0x0;
	s24 =	simm.s32 $0x0;
	[sflag:s4] =	ssyncadd.s32 $0xFFFFE000  }
.LBB2_3:
0x4c: {  	v5 =	vadd.s32 s24, v0;
	v7 =	vor.u32 s13, v0  }
0x4d: {  	v2 =	vand.u32 $0xF, v5;
	v9 =	vshll.u32 v7, $0x6  }
0x4e: {  	v3 =	vor.u32 $0x10, v5;
	v8 =	vor.u32 $0x20, v2;
	v10 =	vor.u32 v2, v9  }
0x4f: {  	v6 =	vand.u32 $0x7, v5;
	v11 =	vor.u32 v3, v9;
	v4 =	vand.u32 $0x28, v8  }
0x50: {  	v4 =	vor.u32 v6, v4  }
0x51: {  	v6 =	vor.u32 $0x30, v5;
	v12 =	vor.u32 v9, v4  }
0x52: {  	v9 =	vor.u32 v6, v9  }
0x53: {  	v5 =	vshll.u32 v2, $0x7;
	v10 =	vld.idx.msk [tilespmem:v10+s15+$0x0], $0xffff  }
0x54: {  	v14 =	vand.u32 $0x78, v7;
	v13 =	vshll.u32 v3, $0x7;
	v5 =	vor.u32 v1, v5;
	v11 =	vld.idx.msk [tilespmem:v11+s15+$0x0], $0xffff  }
0x55: {  	s23 =	simm.s32 $0x10;
	v7 =	vor.u32 v1, v13;
	v13 =	vor.u32 v5, v14  }
0x56: {  	v18 =	vor.u32 s23, v0;
	v8 =	vshll.u32 v8, $0x7;
	v12 =	vld.idx.msk [tilespmem:v12+s15+$0x0], $0xffff  }
0x57: {  	v8 =	vor.u32 v1, v8;
	v15 =	vor.u32 v7, v14;
	v16 =	vld.idx.msk [tilespmem:v9+s15+$0x0], $0xffff;
	v9 =	vshll.u32 v6, $0x7  }
0x58: {  	v17 =	vor.u32 v8, v14;
	v9 =	vor.u32 v1, v9;
	v10 =	vmul.f32 $8.000000000e+00, v10  }
0x59: {  	v19 =	vmul.f32 $8.000000000e+00, v11;
	v11 =	vor.u32 v9, v14;
	v14 =	vshll.u32 v18, $0x6  }
0x5a: {  	[tilespmem:v13+s21+$0x0] =	vst.idx.msk $0xffff, v10;
	v13 =	vor.u32 v2, v14  }
0x5b: {  	v20 =	vmul.f32 $8.000000000e+00, v12;
	v12 =	vor.u32 v3, v14  }
0x5c: {  	[tilespmem:v15+s21+$0x0] =	vst.idx.msk $0xffff, v19;
	v15 =	vor.u32 v14, v4;
	v16 =	vmul.f32 $8.000000000e+00, v16  }
0x5d: {  	s23 =	simm.s32 $0x20;
	v10 =	vand.u32 $0x78, v18;
	v14 =	vor.u32 v6, v14;
	[tilespmem:v17+s21+$0x0] =	vst.idx.msk $0xffff, v20  }
.LBB2_4:
0x5e: {  	p0 =	sne.s32 s23, $0x70;
	[tilespmem:v11+s21+$0x0] =	vst.idx.msk $0xffff, v16;
	s29 =	smov.u32 s23;
	s23 =	sadd.s32 $0x10, s23  }
0x5f: {  	v13 =	vld.idx.msk [tilespmem:v13+s15+$0x0], $0xffff  }
0x60: {  	v16 =	vld.idx.msk [tilespmem:v12+s15+$0x0], $0xffff  }
0x61: {  	v17 =	vld.idx.msk [tilespmem:v15+s15+$0x0], $0xffff  }
0x62: {  	v19 =	vor.u32 v5, v10;
	v18 =	vld.idx.msk [tilespmem:v14+s15+$0x0], $0xffff  }
0x63: {  	v20 =	vor.u32 v7, v10  }
0x64: {  	v21 =	vor.u32 v8, v10;
	v11 =	vor.u32 v9, v10;
	v12 =	vor.u32 s29, v0  }
.Ltmp0:
0x65: {  	v10 =	vand.u32 $0x78, v12;
	v14 =	vshll.u32 v12, $0x6;
	v22 =	vmul.f32 $8.000000000e+00, v13;
	(pc) =	sbr.rel @p0 .LBB2_4-.Ltmp0, $4  }
0x66: {  	v12 =	vor.u32 v3, v14;
	v13 =	vor.u32 v2, v14;
	v23 =	vmul.f32 $8.000000000e+00, v16  }
0x67: {  	v15 =	vor.u32 v14, v4;
	v14 =	vor.u32 v6, v14;
	v17 =	vmul.f32 $8.000000000e+00, v17;
	[tilespmem:v19+s21+$0x0] =	vst.idx.msk $0xffff, v22  }
0x68: {  	v16 =	vmul.f32 $8.000000000e+00, v18;
	[tilespmem:v20+s21+$0x0] =	vst.idx.msk $0xffff, v23  }
0x69: {  	[tilespmem:v21+s21+$0x0] =	vst.idx.msk $0xffff, v17  }
0x6a: {  	_ =	sdelay $0x3  }
0x6b: {  	[tilespmem:v11+s21+$0x0] =	vst.idx.msk $0xffff, v16  }
0x6c: {  	v2 =	vld.idx.msk [tilespmem:v13+s15+$0x0], $0xffff  }
0x6d: {  	v3 =	vld.idx.msk [tilespmem:v12+s15+$0x0], $0xffff  }
0x6e: {  	v5 =	vor.u32 v5, v10;
	v4 =	vld.idx.msk [tilespmem:v15+s15+$0x0], $0xffff  }
0x6f: {  	v7 =	vor.u32 v7, v10;
	v6 =	vld.idx.msk [tilespmem:v14+s15+$0x0], $0xffff  }
0x70: {  	v8 =	vor.u32 v8, v10;
	s24 =	sadd.s32 $0x1, s24  }
0x71: {  	v9 =	vor.u32 v9, v10;
	p0 =	sne.s32 s24, $0x10;
	v2 =	vmul.f32 $8.000000000e+00, v2  }
.Ltmp1:
0x72: {  	v3 =	vmul.f32 $8.000000000e+00, v3;
	(pc) =	sbr.rel @p0 .LBB2_3-.Ltmp1, $4  }
0x73: {  	v4 =	vmul.f32 $8.000000000e+00, v4;
	[tilespmem:v5+s21+$0x0] =	vst.idx.msk $0xffff, v2  }
0x74: {  	v2 =	vmul.f32 $8.000000000e+00, v6;
	[tilespmem:v7+s21+$0x0] =	vst.idx.msk $0xffff, v3  }
0x75: {  	[tilespmem:v8+s21+$0x0] =	vst.idx.msk $0xffff, v4  }
0x76: {  	[tilespmem:v9+s21+$0x0] =	vst.idx.msk $0xffff, v2  }
0x77: {  	s13 =	smul.u32 $0x500, s20  }
0x78: {  	s4 =	rddreg [dreg:$0x3]  }
0x79: {  	s13 =	sor.u32 s4, s13  }
0x7a: {  	s23 =	sshll.u32 s13, $0x7  }
0x7b: {  	s13 =	simm.s32 $0x0;
	s24 =	sadd.s32 s2, s23  }
0x7c: {  	[hbm4b:s24+s13] =	stream.linear.scatter [tilespmem:s21], [sflag:$0x6], $0x400, $0x38;
	[tilespmem:$0x1A400] =	vst v63  }
0x7d: {  	s29 =	simm.s32 $0x10800;
	s4 =	sadd.s32 s23, s30  }
0x7e: {  	[hbm4b:s4+s13] =	stream.linear.scatter [tilespmem:s29], [sflag:$0x6], $0x400, $0x38;
	[tilespmem:$0x1A400] =	vst v63  }
0x7f: {  	s4 =	sadd.s32 s23, s31;
	s29 =	simm.s32 $0x10C00  }
0x80: {  	[hbm4b:s4+s13] =	stream.linear.scatter [tilespmem:s29], [sflag:$0x6], $0x400, $0x38;
	[tilespmem:$0x1A400] =	vst v63  }
0x81: {  	s4 =	sadd.s32 s23, s1;
	s29 =	simm.s32 $0x11000  }
0x82: {  	[hbm4b:s4+s13] =	stream.linear.scatter [tilespmem:s29], [sflag:$0x6], $0x400, $0x38;
	[tilespmem:$0x1A400] =	vst v63  }
0x83: {  	s4 =	sadd.s32 s23, s0;
	s29 =	simm.s32 $0x11400  }
0x84: {  	[hbm4b:s4+s13] =	stream.linear.scatter [tilespmem:s29], [sflag:$0x6], $0x400, $0x38;
	[tilespmem:$0x1A400] =	vst v63  }
0x85: {  	s4 =	sadd.s32 s23, s6;
	s29 =	simm.s32 $0x11800  }
0x86: {  	[hbm4b:s4+s13] =	stream.linear.scatter [tilespmem:s29], [sflag:$0x6], $0x400, $0x38;
	[tilespmem:$0x1A400] =	vst v63  }
0x87: {  	s4 =	sadd.s32 s23, s11;
	s29 =	simm.s32 $0x11C00  }
0x88: {  	[hbm4b:s4+s13] =	stream.linear.scatter [tilespmem:s29], [sflag:$0x6], $0x400, $0x38;
	[tilespmem:$0x1A400] =	vst v63  }
0x89: {  	s24 =	simm.s32 $0x12000;
	s23 =	sadd.s32 s23, s12;
	s29 =	simm.s32 $0x2  }
0x8a: {  	[hbm4b:s23+s13] =	stream.linear.scatter [tilespmem:s24], [sflag:$0x6], $0x400, $0x38;
	[tilespmem:$0x1A400] =	vst v63  }
0x8b: {  	_ =	swait.ge [sflag:s29], $0x2000  }
0x8c: {  	[sflag:s29] =	ssyncset.done $0x0  }
0x8d: {  	s24 =	simm.s32 $0x0;
	[sflag:s29] =	ssyncadd.s32 $0xFFFFE000  }
.LBB2_7:
0x8e: {  	v5 =	vadd.s32 s24, v0;
	v7 =	vor.u32 s13, v0  }
0x8f: {  	v2 =	vand.u32 $0xF, v5;
	v9 =	vshll.u32 v7, $0x6  }
0x90: {  	v3 =	vor.u32 $0x10, v5;
	v8 =	vor.u32 $0x20, v2;
	v10 =	vor.u32 v2, v9  }
0x91: {  	v6 =	vand.u32 $0x7, v5;
	v11 =	vor.u32 v3, v9;
	v4 =	vand.u32 $0x28, v8  }
0x92: {  	v4 =	vor.u32 v6, v4  }
0x93: {  	v6 =	vor.u32 $0x30, v5;
	v12 =	vor.u32 v9, v4  }
0x94: {  	v9 =	vor.u32 v6, v9  }
0x95: {  	v5 =	vshll.u32 v2, $0x7;
	v10 =	vld.idx.msk [tilespmem:v10+s16+$0x0], $0xffff  }
0x96: {  	v14 =	vand.u32 $0x78, v7;
	v13 =	vshll.u32 v3, $0x7;
	v5 =	vor.u32 v1, v5;
	v11 =	vld.idx.msk [tilespmem:v11+s16+$0x0], $0xffff  }
0x97: {  	s23 =	simm.s32 $0x10;
	v7 =	vor.u32 v1, v13;
	v13 =	vor.u32 v5, v14  }
0x98: {  	v18 =	vor.u32 s23, v0;
	v8 =	vshll.u32 v8, $0x7;
	v12 =	vld.idx.msk [tilespmem:v12+s16+$0x0], $0xffff  }
0x99: {  	v8 =	vor.u32 v1, v8;
	v15 =	vor.u32 v7, v14;
	v16 =	vld.idx.msk [tilespmem:v9+s16+$0x0], $0xffff;
	v9 =	vshll.u32 v6, $0x7  }
0x9a: {  	v17 =	vor.u32 v8, v14;
	v9 =	vor.u32 v1, v9;
	v10 =	vmul.f32 $8.000000000e+00, v10  }
0x9b: {  	v19 =	vmul.f32 $8.000000000e+00, v11;
	v11 =	vor.u32 v9, v14;
	v14 =	vshll.u32 v18, $0x6  }
0x9c: {  	[tilespmem:v13+s22+$0x0] =	vst.idx.msk $0xffff, v10;
	v13 =	vor.u32 v2, v14  }
0x9d: {  	v20 =	vmul.f32 $8.000000000e+00, v12;
	v12 =	vor.u32 v3, v14  }
0x9e: {  	[tilespmem:v15+s22+$0x0] =	vst.idx.msk $0xffff, v19;
	v15 =	vor.u32 v14, v4;
	v16 =	vmul.f32 $8.000000000e+00, v16  }
0x9f: {  	s23 =	simm.s32 $0x20;
	v10 =	vand.u32 $0x78, v18;
	v14 =	vor.u32 v6, v14;
	[tilespmem:v17+s22+$0x0] =	vst.idx.msk $0xffff, v20  }
.LBB2_8:
0xa0: {  	p0 =	sne.s32 s23, $0x70;
	[tilespmem:v11+s22+$0x0] =	vst.idx.msk $0xffff, v16;
	s29 =	smov.u32 s23;
	s23 =	sadd.s32 $0x10, s23  }
0xa1: {  	v13 =	vld.idx.msk [tilespmem:v13+s16+$0x0], $0xffff  }
0xa2: {  	v16 =	vld.idx.msk [tilespmem:v12+s16+$0x0], $0xffff  }
0xa3: {  	v17 =	vld.idx.msk [tilespmem:v15+s16+$0x0], $0xffff  }
0xa4: {  	v19 =	vor.u32 v5, v10;
	v18 =	vld.idx.msk [tilespmem:v14+s16+$0x0], $0xffff  }
0xa5: {  	v20 =	vor.u32 v7, v10  }
0xa6: {  	v21 =	vor.u32 v8, v10;
	v11 =	vor.u32 v9, v10;
	v12 =	vor.u32 s29, v0  }
.Ltmp2:
0xa7: {  	v10 =	vand.u32 $0x78, v12;
	v14 =	vshll.u32 v12, $0x6;
	v22 =	vmul.f32 $8.000000000e+00, v13;
	(pc) =	sbr.rel @p0 .LBB2_8-.Ltmp2, $4  }
0xa8: {  	v12 =	vor.u32 v3, v14;
	v13 =	vor.u32 v2, v14;
	v23 =	vmul.f32 $8.000000000e+00, v16  }
0xa9: {  	v15 =	vor.u32 v14, v4;
	v14 =	vor.u32 v6, v14;
	v17 =	vmul.f32 $8.000000000e+00, v17;
	[tilespmem:v19+s22+$0x0] =	vst.idx.msk $0xffff, v22  }
0xaa: {  	v16 =	vmul.f32 $8.000000000e+00, v18;
	[tilespmem:v20+s22+$0x0] =	vst.idx.msk $0xffff, v23  }
0xab: {  	[tilespmem:v21+s22+$0x0] =	vst.idx.msk $0xffff, v17  }
0xac: {  	_ =	sdelay $0x3  }
0xad: {  	[tilespmem:v11+s22+$0x0] =	vst.idx.msk $0xffff, v16  }
0xae: {  	v2 =	vld.idx.msk [tilespmem:v13+s16+$0x0], $0xffff  }
0xaf: {  	v3 =	vld.idx.msk [tilespmem:v12+s16+$0x0], $0xffff  }
0xb0: {  	v5 =	vor.u32 v5, v10;
	v4 =	vld.idx.msk [tilespmem:v15+s16+$0x0], $0xffff  }
0xb1: {  	v7 =	vor.u32 v7, v10;
	v6 =	vld.idx.msk [tilespmem:v14+s16+$0x0], $0xffff  }
0xb2: {  	v8 =	vor.u32 v8, v10;
	s24 =	sadd.s32 $0x1, s24  }
0xb3: {  	v9 =	vor.u32 v9, v10;
	p0 =	sne.s32 s24, $0x10;
	v2 =	vmul.f32 $8.000000000e+00, v2  }
.Ltmp3:
0xb4: {  	v3 =	vmul.f32 $8.000000000e+00, v3;
	(pc) =	sbr.rel @p0 .LBB2_7-.Ltmp3, $4  }
0xb5: {  	v4 =	vmul.f32 $8.000000000e+00, v4;
	[tilespmem:v5+s22+$0x0] =	vst.idx.msk $0xffff, v2  }
0xb6: {  	v2 =	vmul.f32 $8.000000000e+00, v6;
	[tilespmem:v7+s22+$0x0] =	vst.idx.msk $0xffff, v3  }
0xb7: {  	[tilespmem:v8+s22+$0x0] =	vst.idx.msk $0xffff, v4  }
0xb8: {  	[tilespmem:v9+s22+$0x0] =	vst.idx.msk $0xffff, v2  }
0xb9: {  	s13 =	smul.u32 $0x28000, s20  }
0xba: {  	s4 =	rddreg [dreg:$0x5]  }
0xbb: {  	s23 =	sadd.s32 s4, s13  }
0xbc: {  	s24 =	simm.s32 $0x0;
	s29 =	sadd.s32 s2, s23  }
0xbd: {  	[hbm4b:s29+s24] =	stream.linear.scatter [tilespmem:s22], [sflag:$0x7], $0x400, $0x38;
	[tilespmem:$0x1A400] =	vst v63  }
0xbe: {  	s4 =	simm.s32 $0x12800;
	s29 =	sadd.s32 s23, s30  }
0xbf: {  	[hbm4b:s29+s24] =	stream.linear.scatter [tilespmem:s4], [sflag:$0x7], $0x400, $0x38;
	[tilespmem:$0x1A400] =	vst v63  }
0xc0: {  	s29 =	sadd.s32 s23, s31;
	s4 =	simm.s32 $0x12C00  }
0xc1: {  	[hbm4b:s29+s24] =	stream.linear.scatter [tilespmem:s4], [sflag:$0x7], $0x400, $0x38;
	[tilespmem:$0x1A400] =	vst v63  }
0xc2: {  	s29 =	sadd.s32 s23, s1;
	s4 =	simm.s32 $0x13000  }
0xc3: {  	[hbm4b:s29+s24] =	stream.linear.scatter [tilespmem:s4], [sflag:$0x7], $0x400, $0x38;
	[tilespmem:$0x1A400] =	vst v63  }
0xc4: {  	s29 =	sadd.s32 s23, s0;
	s4 =	simm.s32 $0x13400  }
0xc5: {  	[hbm4b:s29+s24] =	stream.linear.scatter [tilespmem:s4], [sflag:$0x7], $0x400, $0x38;
	[tilespmem:$0x1A400] =	vst v63  }
0xc6: {  	s29 =	sadd.s32 s23, s6;
	s4 =	simm.s32 $0x13800  }
0xc7: {  	[hbm4b:s29+s24] =	stream.linear.scatter [tilespmem:s4], [sflag:$0x7], $0x400, $0x38;
	[tilespmem:$0x1A400] =	vst v63  }
0xc8: {  	s29 =	sadd.s32 s23, s11;
	s4 =	simm.s32 $0x13C00  }
0xc9: {  	[hbm4b:s29+s24] =	stream.linear.scatter [tilespmem:s4], [sflag:$0x7], $0x400, $0x38;
	[tilespmem:$0x1A400] =	vst v63  }
0xca: {  	s23 =	sadd.s32 s23, s12;
	s29 =	simm.s32 $0x14000  }
0xcb: {  	[hbm4b:s23+s24] =	stream.linear.scatter [tilespmem:s29], [sflag:$0x7], $0x400, $0x38;
	[tilespmem:$0x1A400] =	vst v63  }
0xcc: {  	s29 =	simm.s32 $0x3  }
0xcd: {  	_ =	swait.ge [sflag:s29], $0x2000  }
0xce: {  	[sflag:s29] =	ssyncset.done $0x0  }
0xcf: {  	s23 =	simm.s32 $0x0;
	[sflag:s29] =	ssyncadd.s32 $0xFFFFE000  }
.LBB2_11:
0xd0: {  	v5 =	vadd.s32 s23, v0;
	v7 =	vor.u32 s24, v0  }
0xd1: {  	v2 =	vand.u32 $0xF, v5;
	v9 =	vshll.u32 v7, $0x6  }
0xd2: {  	v3 =	vor.u32 $0x10, v5;
	v8 =	vor.u32 $0x20, v2;
	v10 =	vor.u32 v2, v9  }
0xd3: {  	v6 =	vand.u32 $0x7, v5;
	v11 =	vor.u32 v3, v9;
	v4 =	vand.u32 $0x28, v8  }
0xd4: {  	v4 =	vor.u32 v6, v4  }
0xd5: {  	v6 =	vor.u32 $0x30, v5;
	v12 =	vor.u32 v9, v4  }
0xd6: {  	v9 =	vor.u32 v6, v9  }
0xd7: {  	v5 =	vshll.u32 v2, $0x7;
	v10 =	vld.idx.msk [tilespmem:v10+s17+$0x0], $0xffff  }
0xd8: {  	v14 =	vand.u32 $0x78, v7;
	v13 =	vshll.u32 v3, $0x7;
	v5 =	vor.u32 v1, v5;
	v11 =	vld.idx.msk [tilespmem:v11+s17+$0x0], $0xffff  }
0xd9: {  	s29 =	simm.s32 $0x10;
	v7 =	vor.u32 v1, v13;
	v13 =	vor.u32 v5, v14  }
0xda: {  	v18 =	vor.u32 s29, v0;
	v8 =	vshll.u32 v8, $0x7;
	v12 =	vld.idx.msk [tilespmem:v12+s17+$0x0], $0xffff  }
0xdb: {  	v8 =	vor.u32 v1, v8;
	v15 =	vor.u32 v7, v14;
	v16 =	vld.idx.msk [tilespmem:v9+s17+$0x0], $0xffff;
	v9 =	vshll.u32 v6, $0x7  }
0xdc: {  	v17 =	vor.u32 v8, v14;
	v9 =	vor.u32 v1, v9;
	v10 =	vmul.f32 $8.000000000e+00, v10  }
0xdd: {  	v19 =	vmul.f32 $8.000000000e+00, v11;
	v11 =	vor.u32 v9, v14;
	v14 =	vshll.u32 v18, $0x6  }
0xde: {  	[tilespmem:v13+s25+$0x0] =	vst.idx.msk $0xffff, v10;
	v13 =	vor.u32 v2, v14  }
0xdf: {  	v20 =	vmul.f32 $8.000000000e+00, v12;
	v12 =	vor.u32 v3, v14  }
0xe0: {  	[tilespmem:v15+s25+$0x0] =	vst.idx.msk $0xffff, v19;
	v15 =	vor.u32 v14, v4;
	v16 =	vmul.f32 $8.000000000e+00, v16  }
0xe1: {  	s29 =	simm.s32 $0x20;
	v10 =	vand.u32 $0x78, v18;
	v14 =	vor.u32 v6, v14;
	[tilespmem:v17+s25+$0x0] =	vst.idx.msk $0xffff, v20  }
.LBB2_12:
0xe2: {  	p0 =	sne.s32 s29, $0x70;
	[tilespmem:v11+s25+$0x0] =	vst.idx.msk $0xffff, v16;
	s4 =	smov.u32 s29;
	s29 =	sadd.s32 $0x10, s29  }
0xe3: {  	v13 =	vld.idx.msk [tilespmem:v13+s17+$0x0], $0xffff  }
0xe4: {  	v16 =	vld.idx.msk [tilespmem:v12+s17+$0x0], $0xffff  }
0xe5: {  	v17 =	vld.idx.msk [tilespmem:v15+s17+$0x0], $0xffff  }
0xe6: {  	v19 =	vor.u32 v5, v10;
	v18 =	vld.idx.msk [tilespmem:v14+s17+$0x0], $0xffff  }
0xe7: {  	v20 =	vor.u32 v7, v10  }
0xe8: {  	v21 =	vor.u32 v8, v10;
	v11 =	vor.u32 v9, v10;
	v12 =	vor.u32 s4, v0  }
.Ltmp4:
0xe9: {  	v10 =	vand.u32 $0x78, v12;
	v14 =	vshll.u32 v12, $0x6;
	v22 =	vmul.f32 $8.000000000e+00, v13;
	(pc) =	sbr.rel @p0 .LBB2_12-.Ltmp4, $4  }
0xea: {  	v12 =	vor.u32 v3, v14;
	v13 =	vor.u32 v2, v14;
	v23 =	vmul.f32 $8.000000000e+00, v16  }
0xeb: {  	v15 =	vor.u32 v14, v4;
	v14 =	vor.u32 v6, v14;
	v17 =	vmul.f32 $8.000000000e+00, v17;
	[tilespmem:v19+s25+$0x0] =	vst.idx.msk $0xffff, v22  }
0xec: {  	v16 =	vmul.f32 $8.000000000e+00, v18;
	[tilespmem:v20+s25+$0x0] =	vst.idx.msk $0xffff, v23  }
0xed: {  	[tilespmem:v21+s25+$0x0] =	vst.idx.msk $0xffff, v17  }
0xee: {  	_ =	sdelay $0x3  }
0xef: {  	[tilespmem:v11+s25+$0x0] =	vst.idx.msk $0xffff, v16  }
0xf0: {  	v2 =	vld.idx.msk [tilespmem:v13+s17+$0x0], $0xffff  }
0xf1: {  	v3 =	vld.idx.msk [tilespmem:v12+s17+$0x0], $0xffff  }
0xf2: {  	v5 =	vor.u32 v5, v10;
	v4 =	vld.idx.msk [tilespmem:v15+s17+$0x0], $0xffff  }
0xf3: {  	v7 =	vor.u32 v7, v10;
	v6 =	vld.idx.msk [tilespmem:v14+s17+$0x0], $0xffff  }
0xf4: {  	v8 =	vor.u32 v8, v10;
	s23 =	sadd.s32 $0x1, s23  }
0xf5: {  	v9 =	vor.u32 v9, v10;
	p0 =	sne.s32 s23, $0x10;
	v2 =	vmul.f32 $8.000000000e+00, v2  }
.Ltmp5:
0xf6: {  	v3 =	vmul.f32 $8.000000000e+00, v3;
	(pc) =	sbr.rel @p0 .LBB2_11-.Ltmp5, $4  }
0xf7: {  	v4 =	vmul.f32 $8.000000000e+00, v4;
	[tilespmem:v5+s25+$0x0] =	vst.idx.msk $0xffff, v2  }
0xf8: {  	v2 =	vmul.f32 $8.000000000e+00, v6;
	[tilespmem:v7+s25+$0x0] =	vst.idx.msk $0xffff, v3  }
0xf9: {  	[tilespmem:v8+s25+$0x0] =	vst.idx.msk $0xffff, v4  }
0xfa: {  	[tilespmem:v9+s25+$0x0] =	vst.idx.msk $0xffff, v2  }
0xfb: {  	s4 =	rddreg [dreg:$0x6]  }
0xfc: {  	s4 =	sadd.s32 s4, s13  }
0xfd: {  	s24 =	simm.s32 $0x0;
	s23 =	sadd.s32 s2, s4  }
0xfe: {  	[hbm4b:s23+s24] =	stream.linear.scatter [tilespmem:s25], [sflag:$0x8], $0x400, $0x38;
	[tilespmem:$0x1A400] =	vst v63  }
0xff: {  	s29 =	simm.s32 $0x14800;
	s23 =	sadd.s32 s4, s30  }
0x100: {  	[hbm4b:s23+s24] =	stream.linear.scatter [tilespmem:s29], [sflag:$0x8], $0x400, $0x38;
	[tilespmem:$0x1A400] =	vst v63  }
0x101: {  	s23 =	sadd.s32 s4, s31;
	s29 =	simm.s32 $0x14C00  }
0x102: {  	[hbm4b:s23+s24] =	stream.linear.scatter [tilespmem:s29], [sflag:$0x8], $0x400, $0x38;
	[tilespmem:$0x1A400] =	vst v63  }
0x103: {  	s23 =	sadd.s32 s4, s1;
	s29 =	simm.s32 $0x15000  }
0x104: {  	[hbm4b:s23+s24] =	stream.linear.scatter [tilespmem:s29], [sflag:$0x8], $0x400, $0x38;
	[tilespmem:$0x1A400] =	vst v63  }
0x105: {  	s23 =	sadd.s32 s4, s0;
	s29 =	simm.s32 $0x15400  }
0x106: {  	[hbm4b:s23+s24] =	stream.linear.scatter [tilespmem:s29], [sflag:$0x8], $0x400, $0x38;
	[tilespmem:$0x1A400] =	vst v63  }
0x107: {  	s23 =	sadd.s32 s4, s6;
	s29 =	simm.s32 $0x15800  }
0x108: {  	[hbm4b:s23+s24] =	stream.linear.scatter [tilespmem:s29], [sflag:$0x8], $0x400, $0x38;
	[tilespmem:$0x1A400] =	vst v63  }
0x109: {  	s23 =	sadd.s32 s4, s11;
	s29 =	simm.s32 $0x15C00  }
0x10a: {  	[hbm4b:s23+s24] =	stream.linear.scatter [tilespmem:s29], [sflag:$0x8], $0x400, $0x38;
	[tilespmem:$0x1A400] =	vst v63  }
0x10b: {  	s4 =	sadd.s32 s4, s12;
	s29 =	simm.s32 $0x16000  }
0x10c: {  	[hbm4b:s4+s24] =	stream.linear.scatter [tilespmem:s29], [sflag:$0x8], $0x400, $0x38;
	[tilespmem:$0x1A400] =	vst v63  }
0x10d: {  	s29 =	simm.s32 $0x4  }
0x10e: {  	_ =	swait.ge [sflag:s29], $0x2000  }
0x10f: {  	[sflag:s29] =	ssyncset.done $0x0  }
0x110: {  	s23 =	simm.s32 $0x0;
	[sflag:s29] =	ssyncadd.s32 $0xFFFFE000  }
.LBB2_15:
0x111: {  	v5 =	vadd.s32 s23, v0;
	v7 =	vor.u32 s24, v0  }
0x112: {  	v2 =	vand.u32 $0xF, v5;
	v9 =	vshll.u32 v7, $0x6  }
0x113: {  	v3 =	vor.u32 $0x10, v5;
	v8 =	vor.u32 $0x20, v2;
	v10 =	vor.u32 v2, v9  }
0x114: {  	v6 =	vand.u32 $0x7, v5;
	v11 =	vor.u32 v3, v9;
	v4 =	vand.u32 $0x28, v8  }
0x115: {  	v4 =	vor.u32 v6, v4  }
0x116: {  	v6 =	vor.u32 $0x30, v5;
	v12 =	vor.u32 v9, v4  }
0x117: {  	v9 =	vor.u32 v6, v9  }
0x118: {  	v5 =	vshll.u32 v2, $0x7;
	v10 =	vld.idx.msk [tilespmem:v10+s18+$0x0], $0xffff  }
0x119: {  	v14 =	vand.u32 $0x78, v7;
	v13 =	vshll.u32 v3, $0x7;
	v5 =	vor.u32 v1, v5;
	v11 =	vld.idx.msk [tilespmem:v11+s18+$0x0], $0xffff  }
0x11a: {  	s4 =	simm.s32 $0x10;
	v7 =	vor.u32 v1, v13;
	v13 =	vor.u32 v5, v14  }
0x11b: {  	v18 =	vor.u32 s4, v0;
	v8 =	vshll.u32 v8, $0x7;
	v12 =	vld.idx.msk [tilespmem:v12+s18+$0x0], $0xffff  }
0x11c: {  	v8 =	vor.u32 v1, v8;
	v15 =	vor.u32 v7, v14;
	v16 =	vld.idx.msk [tilespmem:v9+s18+$0x0], $0xffff;
	v9 =	vshll.u32 v6, $0x7  }
0x11d: {  	v17 =	vor.u32 v8, v14;
	v9 =	vor.u32 v1, v9;
	v10 =	vmul.f32 $8.000000000e+00, v10  }
0x11e: {  	v19 =	vmul.f32 $8.000000000e+00, v11;
	v11 =	vor.u32 v9, v14;
	v14 =	vshll.u32 v18, $0x6  }
0x11f: {  	[tilespmem:v13+s26+$0x0] =	vst.idx.msk $0xffff, v10;
	v13 =	vor.u32 v2, v14  }
0x120: {  	v20 =	vmul.f32 $8.000000000e+00, v12;
	v12 =	vor.u32 v3, v14  }
0x121: {  	[tilespmem:v15+s26+$0x0] =	vst.idx.msk $0xffff, v19;
	v15 =	vor.u32 v14, v4;
	v16 =	vmul.f32 $8.000000000e+00, v16  }
0x122: {  	s29 =	simm.s32 $0x20;
	v10 =	vand.u32 $0x78, v18;
	v14 =	vor.u32 v6, v14;
	[tilespmem:v17+s26+$0x0] =	vst.idx.msk $0xffff, v20  }
.LBB2_16:
0x123: {  	p0 =	sne.s32 s29, $0x70;
	[tilespmem:v11+s26+$0x0] =	vst.idx.msk $0xffff, v16;
	s4 =	smov.u32 s29;
	s29 =	sadd.s32 $0x10, s29  }
0x124: {  	v13 =	vld.idx.msk [tilespmem:v13+s18+$0x0], $0xffff  }
0x125: {  	v16 =	vld.idx.msk [tilespmem:v12+s18+$0x0], $0xffff  }
0x126: {  	v17 =	vld.idx.msk [tilespmem:v15+s18+$0x0], $0xffff  }
0x127: {  	v19 =	vor.u32 v5, v10;
	v18 =	vld.idx.msk [tilespmem:v14+s18+$0x0], $0xffff  }
0x128: {  	v20 =	vor.u32 v7, v10  }
0x129: {  	v21 =	vor.u32 v8, v10;
	v11 =	vor.u32 v9, v10;
	v12 =	vor.u32 s4, v0  }
.Ltmp6:
0x12a: {  	v10 =	vand.u32 $0x78, v12;
	v14 =	vshll.u32 v12, $0x6;
	v22 =	vmul.f32 $8.000000000e+00, v13;
	(pc) =	sbr.rel @p0 .LBB2_16-.Ltmp6, $4  }
0x12b: {  	v12 =	vor.u32 v3, v14;
	v13 =	vor.u32 v2, v14;
	v23 =	vmul.f32 $8.000000000e+00, v16  }
0x12c: {  	v15 =	vor.u32 v14, v4;
	v14 =	vor.u32 v6, v14;
	v17 =	vmul.f32 $8.000000000e+00, v17;
	[tilespmem:v19+s26+$0x0] =	vst.idx.msk $0xffff, v22  }
0x12d: {  	v16 =	vmul.f32 $8.000000000e+00, v18;
	[tilespmem:v20+s26+$0x0] =	vst.idx.msk $0xffff, v23  }
0x12e: {  	[tilespmem:v21+s26+$0x0] =	vst.idx.msk $0xffff, v17  }
0x12f: {  	_ =	sdelay $0x3  }
0x130: {  	[tilespmem:v11+s26+$0x0] =	vst.idx.msk $0xffff, v16  }
0x131: {  	v2 =	vld.idx.msk [tilespmem:v13+s18+$0x0], $0xffff  }
0x132: {  	v3 =	vld.idx.msk [tilespmem:v12+s18+$0x0], $0xffff  }
0x133: {  	v5 =	vor.u32 v5, v10;
	v4 =	vld.idx.msk [tilespmem:v15+s18+$0x0], $0xffff  }
0x134: {  	v7 =	vor.u32 v7, v10;
	v6 =	vld.idx.msk [tilespmem:v14+s18+$0x0], $0xffff  }
0x135: {  	v8 =	vor.u32 v8, v10;
	s23 =	sadd.s32 $0x1, s23  }
0x136: {  	v9 =	vor.u32 v9, v10;
	p0 =	sne.s32 s23, $0x10;
	v2 =	vmul.f32 $8.000000000e+00, v2  }
.Ltmp7:
0x137: {  	v3 =	vmul.f32 $8.000000000e+00, v3;
	(pc) =	sbr.rel @p0 .LBB2_15-.Ltmp7, $4  }
0x138: {  	v4 =	vmul.f32 $8.000000000e+00, v4;
	[tilespmem:v5+s26+$0x0] =	vst.idx.msk $0xffff, v2  }
0x139: {  	v2 =	vmul.f32 $8.000000000e+00, v6;
	[tilespmem:v7+s26+$0x0] =	vst.idx.msk $0xffff, v3  }
0x13a: {  	[tilespmem:v8+s26+$0x0] =	vst.idx.msk $0xffff, v4  }
0x13b: {  	[tilespmem:v9+s26+$0x0] =	vst.idx.msk $0xffff, v2  }
0x13c: {  	s4 =	rddreg [dreg:$0x7]  }
0x13d: {  	s4 =	sadd.s32 s4, s13  }
0x13e: {  	s24 =	simm.s32 $0x0;
	s23 =	sadd.s32 s2, s4  }
0x13f: {  	[hbm4b:s23+s24] =	stream.linear.scatter [tilespmem:s26], [sflag:$0x9], $0x400, $0x38;
	[tilespmem:$0x1A400] =	vst v63  }
0x140: {  	s29 =	simm.s32 $0x16800;
	s23 =	sadd.s32 s4, s30  }
0x141: {  	[hbm4b:s23+s24] =	stream.linear.scatter [tilespmem:s29], [sflag:$0x9], $0x400, $0x38;
	[tilespmem:$0x1A400] =	vst v63  }
0x142: {  	s23 =	sadd.s32 s4, s31;
	s29 =	simm.s32 $0x16C00  }
0x143: {  	[hbm4b:s23+s24] =	stream.linear.scatter [tilespmem:s29], [sflag:$0x9], $0x400, $0x38;
	[tilespmem:$0x1A400] =	vst v63  }
0x144: {  	s23 =	sadd.s32 s4, s1;
	s29 =	simm.s32 $0x17000  }
0x145: {  	[hbm4b:s23+s24] =	stream.linear.scatter [tilespmem:s29], [sflag:$0x9], $0x400, $0x38;
	[tilespmem:$0x1A400] =	vst v63  }
0x146: {  	s23 =	sadd.s32 s4, s0;
	s29 =	simm.s32 $0x17400  }
0x147: {  	[hbm4b:s23+s24] =	stream.linear.scatter [tilespmem:s29], [sflag:$0x9], $0x400, $0x38;
	[tilespmem:$0x1A400] =	vst v63  }
0x148: {  	s23 =	sadd.s32 s4, s6;
	s29 =	simm.s32 $0x17800  }
0x149: {  	[hbm4b:s23+s24] =	stream.linear.scatter [tilespmem:s29], [sflag:$0x9], $0x400, $0x38;
	[tilespmem:$0x1A400] =	vst v63  }
0x14a: {  	s23 =	sadd.s32 s4, s11;
	s29 =	simm.s32 $0x17C00  }
0x14b: {  	[hbm4b:s23+s24] =	stream.linear.scatter [tilespmem:s29], [sflag:$0x9], $0x400, $0x38;
	[tilespmem:$0x1A400] =	vst v63  }
0x14c: {  	s4 =	sadd.s32 s4, s12;
	s29 =	simm.s32 $0x18000  }
0x14d: {  	[hbm4b:s4+s24] =	stream.linear.scatter [tilespmem:s29], [sflag:$0x9], $0x400, $0x38;
	[tilespmem:$0x1A400] =	vst v63  }
0x14e: {  	s29 =	simm.s32 $0x5  }
0x14f: {  	_ =	swait.ge [sflag:s29], $0x2000  }
0x150: {  	[sflag:s29] =	ssyncset.done $0x0  }
0x151: {  	s23 =	simm.s32 $0x0;
	[sflag:s29] =	ssyncadd.s32 $0xFFFFE000  }
.LBB2_19:
0x152: {  	v5 =	vadd.s32 s23, v0;
	v7 =	vor.u32 s24, v0  }
0x153: {  	v2 =	vand.u32 $0xF, v5;
	v9 =	vshll.u32 v7, $0x6  }
0x154: {  	v3 =	vor.u32 $0x10, v5;
	v8 =	vor.u32 $0x20, v2;
	v10 =	vor.u32 v2, v9  }
0x155: {  	v6 =	vand.u32 $0x7, v5;
	v11 =	vor.u32 v3, v9;
	v4 =	vand.u32 $0x28, v8  }
0x156: {  	v4 =	vor.u32 v6, v4  }
0x157: {  	v6 =	vor.u32 $0x30, v5;
	v12 =	vor.u32 v9, v4  }
0x158: {  	v9 =	vor.u32 v6, v9  }
0x159: {  	v5 =	vshll.u32 v2, $0x7;
	v10 =	vld.idx.msk [tilespmem:v10+s19+$0x0], $0xffff  }
0x15a: {  	v14 =	vand.u32 $0x78, v7;
	v13 =	vshll.u32 v3, $0x7;
	v5 =	vor.u32 v1, v5;
	v11 =	vld.idx.msk [tilespmem:v11+s19+$0x0], $0xffff  }
0x15b: {  	s4 =	simm.s32 $0x10;
	v7 =	vor.u32 v1, v13;
	v13 =	vor.u32 v5, v14  }
0x15c: {  	v18 =	vor.u32 s4, v0;
	v8 =	vshll.u32 v8, $0x7;
	v12 =	vld.idx.msk [tilespmem:v12+s19+$0x0], $0xffff  }
0x15d: {  	v8 =	vor.u32 v1, v8;
	v15 =	vor.u32 v7, v14;
	v16 =	vld.idx.msk [tilespmem:v9+s19+$0x0], $0xffff;
	v9 =	vshll.u32 v6, $0x7  }
0x15e: {  	v17 =	vor.u32 v8, v14;
	v9 =	vor.u32 v1, v9;
	v10 =	vmul.f32 $8.000000000e+00, v10  }
0x15f: {  	v19 =	vmul.f32 $8.000000000e+00, v11;
	v11 =	vor.u32 v9, v14;
	v14 =	vshll.u32 v18, $0x6  }
0x160: {  	[tilespmem:v13+s28+$0x0] =	vst.idx.msk $0xffff, v10;
	v13 =	vor.u32 v2, v14  }
0x161: {  	v20 =	vmul.f32 $8.000000000e+00, v12;
	v12 =	vor.u32 v3, v14  }
0x162: {  	[tilespmem:v15+s28+$0x0] =	vst.idx.msk $0xffff, v19;
	v15 =	vor.u32 v14, v4;
	v16 =	vmul.f32 $8.000000000e+00, v16  }
0x163: {  	s29 =	simm.s32 $0x20;
	v10 =	vand.u32 $0x78, v18;
	v14 =	vor.u32 v6, v14;
	[tilespmem:v17+s28+$0x0] =	vst.idx.msk $0xffff, v20  }
.LBB2_20:
0x164: {  	p0 =	sne.s32 s29, $0x70;
	[tilespmem:v11+s28+$0x0] =	vst.idx.msk $0xffff, v16;
	s4 =	smov.u32 s29;
	s29 =	sadd.s32 $0x10, s29  }
0x165: {  	v13 =	vld.idx.msk [tilespmem:v13+s19+$0x0], $0xffff  }
0x166: {  	v16 =	vld.idx.msk [tilespmem:v12+s19+$0x0], $0xffff  }
0x167: {  	v17 =	vld.idx.msk [tilespmem:v15+s19+$0x0], $0xffff  }
0x168: {  	v19 =	vor.u32 v5, v10;
	v18 =	vld.idx.msk [tilespmem:v14+s19+$0x0], $0xffff  }
0x169: {  	v20 =	vor.u32 v7, v10  }
0x16a: {  	v21 =	vor.u32 v8, v10;
	v11 =	vor.u32 v9, v10;
	v12 =	vor.u32 s4, v0  }
.Ltmp8:
0x16b: {  	v10 =	vand.u32 $0x78, v12;
	v14 =	vshll.u32 v12, $0x6;
	v22 =	vmul.f32 $8.000000000e+00, v13;
	(pc) =	sbr.rel @p0 .LBB2_20-.Ltmp8, $4  }
0x16c: {  	v12 =	vor.u32 v3, v14;
	v13 =	vor.u32 v2, v14;
	v23 =	vmul.f32 $8.000000000e+00, v16  }
0x16d: {  	v15 =	vor.u32 v14, v4;
	v14 =	vor.u32 v6, v14;
	v17 =	vmul.f32 $8.000000000e+00, v17;
	[tilespmem:v19+s28+$0x0] =	vst.idx.msk $0xffff, v22  }
0x16e: {  	v16 =	vmul.f32 $8.000000000e+00, v18;
	[tilespmem:v20+s28+$0x0] =	vst.idx.msk $0xffff, v23  }
0x16f: {  	[tilespmem:v21+s28+$0x0] =	vst.idx.msk $0xffff, v17  }
0x170: {  	_ =	sdelay $0x3  }
0x171: {  	[tilespmem:v11+s28+$0x0] =	vst.idx.msk $0xffff, v16  }
0x172: {  	v2 =	vld.idx.msk [tilespmem:v13+s19+$0x0], $0xffff  }
0x173: {  	v3 =	vld.idx.msk [tilespmem:v12+s19+$0x0], $0xffff  }
0x174: {  	v5 =	vor.u32 v5, v10;
	v4 =	vld.idx.msk [tilespmem:v15+s19+$0x0], $0xffff  }
0x175: {  	v7 =	vor.u32 v7, v10;
	v6 =	vld.idx.msk [tilespmem:v14+s19+$0x0], $0xffff  }
0x176: {  	v8 =	vor.u32 v8, v10;
	s23 =	sadd.s32 $0x1, s23  }
0x177: {  	v9 =	vor.u32 v9, v10;
	p0 =	sne.s32 s23, $0x10;
	v2 =	vmul.f32 $8.000000000e+00, v2  }
.Ltmp9:
0x178: {  	v3 =	vmul.f32 $8.000000000e+00, v3;
	(pc) =	sbr.rel @p0 .LBB2_19-.Ltmp9, $4  }
0x179: {  	v4 =	vmul.f32 $8.000000000e+00, v4;
	[tilespmem:v5+s28+$0x0] =	vst.idx.msk $0xffff, v2  }
0x17a: {  	v2 =	vmul.f32 $8.000000000e+00, v6;
	[tilespmem:v7+s28+$0x0] =	vst.idx.msk $0xffff, v3  }
0x17b: {  	[tilespmem:v8+s28+$0x0] =	vst.idx.msk $0xffff, v4  }
0x17c: {  	[tilespmem:v9+s28+$0x0] =	vst.idx.msk $0xffff, v2  }
0x17d: {  	s4 =	rddreg [dreg:$0x8]  }
0x17e: {  	s4 =	sadd.s32 s4, s13  }
0x17f: {  	s13 =	sadd.s32 s2, s4  }
0x180: {  	[hbm4b:s13+s3] =	stream.linear.scatter [tilespmem:s28], [sflag:$0xA], $0x400, $0x38;
	[tilespmem:$0x1A400] =	vst v63  }
0x181: {  	s23 =	simm.s32 $0x18800;
	s29 =	sadd.s32 s4, s30  }
0x182: {  	[hbm4b:s29+s3] =	stream.linear.scatter [tilespmem:s23], [sflag:$0xA], $0x400, $0x38;
	[tilespmem:$0x1A400] =	vst v63  }
0x183: {  	s24 =	sadd.s32 s4, s31;
	s29 =	simm.s32 $0x18C00  }
0x184: {  	[hbm4b:s24+s3] =	stream.linear.scatter [tilespmem:s29], [sflag:$0xA], $0x400, $0x38;
	[tilespmem:$0x1A400] =	vst v63  }
0x185: {  	s24 =	sadd.s32 s4, s1;
	s29 =	simm.s32 $0x19000  }
0x186: {  	[hbm4b:s24+s3] =	stream.linear.scatter [tilespmem:s29], [sflag:$0xA], $0x400, $0x38;
	[tilespmem:$0x1A400] =	vst v63  }
0x187: {  	s24 =	sadd.s32 s4, s0;
	s29 =	simm.s32 $0x19400  }
0x188: {  	[hbm4b:s24+s3] =	stream.linear.scatter [tilespmem:s29], [sflag:$0xA], $0x400, $0x38;
	[tilespmem:$0x1A400] =	vst v63  }
0x189: {  	s24 =	sadd.s32 s4, s6;
	s29 =	simm.s32 $0x19800  }
0x18a: {  	[hbm4b:s24+s3] =	stream.linear.scatter [tilespmem:s29], [sflag:$0xA], $0x400, $0x38;
	[tilespmem:$0x1A400] =	vst v63  }
0x18b: {  	s23 =	sadd.s32 s4, s11;
	s4 =	sadd.s32 s4, s12;
	s24 =	simm.s32 $0x19C00  }
0x18c: {  	[hbm4b:s23+s3] =	stream.linear.scatter [tilespmem:s24], [sflag:$0xA], $0x400, $0x38;
	[tilespmem:$0x1A400] =	vst v63  }
0x18d: {  	s29 =	simm.s32 $0x1A000;
	s23 =	smul.u32 $0xA00, s20;
	s24 =	simm.s32 $0x6  }
0x18e: {  	[hbm4b:s4+s3] =	stream.linear.scatter [tilespmem:s29], [sflag:$0xA], $0x400, $0x38;
	[tilespmem:$0x1A400] =	vst v63  }
0x18f: {  	_ =	swait.ge [sflag:s24], $0x2000  }
0x190: {  	s4 =	sshra.s32 s23, $0x2;
	[sflag:s24] =	ssyncset.done $0x0  }
0x191: {  	s29 =	sadd.s32 $0x280, s4;
	[sflag:s24] =	ssyncadd.s32 $0xFFFFE000  }
0x192: {  	[tilespmem:s15], [sflag:$0x1] =	stream.indirect.gather [hbm4b:s5+s14], $0x40, s29, s14, $0xb8;
	[tilespmem:$0x1A400] =	vst v63  }
0x193: {  	_ =	swait.ge [sflag:s7], $0x2000  }
0x194: {  	[sflag:s7] =	ssyncset.done $0x0  }
0x195: {  	s23 =	sadd.s32 $0x300, s4;
	[sflag:s7] =	ssyncadd.s32 $0xFFFFE000  }
0x196: {  	[tilespmem:s16], [sflag:$0x2] =	stream.indirect.gather [hbm4b:s5+s14], $0x40, s23, s14, $0xb8;
	[tilespmem:$0x1A400] =	vst v63  }
0x197: {  	_ =	swait.ge [sflag:s8], $0x2000  }
0x198: {  	[sflag:s8] =	ssyncset.done $0x0  }
0x199: {  	s24 =	sadd.s32 $0x380, s4;
	[sflag:s8] =	ssyncadd.s32 $0xFFFFE000  }
0x19a: {  	[tilespmem:s17], [sflag:$0x3] =	stream.indirect.gather [hbm4b:s5+s14], $0x40, s24, s14, $0xb8;
	[tilespmem:$0x1A400] =	vst v63  }
0x19b: {  	_ =	swait.ge [sflag:s9], $0x2000  }
0x19c: {  	s20 =	sadd.s32 $0x1, s20;
	[sflag:s9] =	ssyncset.done $0x0  }
0x19d: {  	p0 =	sne.s32 s20, $0x27;
	s29 =	sadd.s32 $0x400, s4;
	[sflag:s9] =	ssyncadd.s32 $0xFFFFE000  }
0x19e: {  	[tilespmem:s18], [sflag:$0x4] =	stream.indirect.gather [hbm4b:s5+s14], $0x40, s29, s14, $0xb8;
	[tilespmem:$0x1A400] =	vst v63  }
.Ltmp10:
0x19f: {  	_ = 	snop;
	(pc) =	sbr.rel @p0 .LBB2_2-.Ltmp10, $4  }
0x1a0: {  	_ =	swait.ge [sflag:s10], $0x2000  }
0x1a1: {  	[sflag:s10] =	ssyncset.done $0x0  }
0x1a2: {  	s4 =	sadd.s32 $0x480, s4;
	[sflag:s10] =	ssyncadd.s32 $0xFFFFE000  }
0x1a3: {  	[tilespmem:s19], [sflag:$0x5] =	stream.indirect.gather [hbm4b:s5+s14], $0x40, s4, s14, $0xb8;
	[tilespmem:$0x1A400] =	vst v63  }
0x1a4: {  	s4 =	simm.s32 $0x1  }
0x1a5: {  	_ =	swait.ge [sflag:s4], $0x2000  }
0x1a6: {  	[sflag:s4] =	ssyncset.done $0x0  }
0x1a7: {  	s13 =	simm.s32 $0x0;
	s20 =	simm.s32 $0x0;
	[sflag:s4] =	ssyncadd.s32 $0xFFFFE000  }
.LBB2_24:
0x1a8: {  	v5 =	vadd.s32 s20, v0;
	v7 =	vor.u32 s13, v0  }
0x1a9: {  	v2 =	vand.u32 $0xF, v5;
	v9 =	vshll.u32 v7, $0x6  }
0x1aa: {  	v3 =	vor.u32 $0x10, v5;
	v8 =	vor.u32 $0x20, v2;
	v10 =	vor.u32 v2, v9  }
0x1ab: {  	v6 =	vand.u32 $0x7, v5;
	v11 =	vor.u32 v3, v9;
	v4 =	vand.u32 $0x28, v8  }
0x1ac: {  	v4 =	vor.u32 v6, v4  }
0x1ad: {  	v6 =	vor.u32 $0x30, v5;
	v12 =	vor.u32 v9, v4  }
0x1ae: {  	v9 =	vor.u32 v6, v9  }
0x1af: {  	v5 =	vshll.u32 v2, $0x7;
	v10 =	vld.idx.msk [tilespmem:v10+s15+$0x0], $0xffff  }
0x1b0: {  	v14 =	vand.u32 $0x78, v7;
	v13 =	vshll.u32 v3, $0x7;
	v5 =	vor.u32 v1, v5;
	v11 =	vld.idx.msk [tilespmem:v11+s15+$0x0], $0xffff  }
0x1b1: {  	s4 =	simm.s32 $0x10;
	v7 =	vor.u32 v1, v13;
	v13 =	vor.u32 v5, v14  }
0x1b2: {  	v18 =	vor.u32 s4, v0;
	v8 =	vshll.u32 v8, $0x7;
	v12 =	vld.idx.msk [tilespmem:v12+s15+$0x0], $0xffff  }
0x1b3: {  	v8 =	vor.u32 v1, v8;
	v15 =	vor.u32 v7, v14;
	v16 =	vld.idx.msk [tilespmem:v9+s15+$0x0], $0xffff;
	v9 =	vshll.u32 v6, $0x7  }
0x1b4: {  	v17 =	vor.u32 v8, v14;
	v9 =	vor.u32 v1, v9;
	v10 =	vmul.f32 $8.000000000e+00, v10  }
0x1b5: {  	v19 =	vmul.f32 $8.000000000e+00, v11;
	v11 =	vor.u32 v9, v14;
	v14 =	vshll.u32 v18, $0x6  }
0x1b6: {  	[tilespmem:v13+s21+$0x0] =	vst.idx.msk $0xffff, v10;
	v13 =	vor.u32 v2, v14  }
0x1b7: {  	v20 =	vmul.f32 $8.000000000e+00, v12;
	v12 =	vor.u32 v3, v14  }
0x1b8: {  	[tilespmem:v15+s21+$0x0] =	vst.idx.msk $0xffff, v19;
	v15 =	vor.u32 v14, v4;
	v16 =	vmul.f32 $8.000000000e+00, v16  }
0x1b9: {  	s23 =	simm.s32 $0x20;
	v10 =	vand.u32 $0x78, v18;
	v14 =	vor.u32 v6, v14;
	[tilespmem:v17+s21+$0x0] =	vst.idx.msk $0xffff, v20  }
.LBB2_25:
0x1ba: {  	p0 =	sne.s32 s23, $0x70;
	[tilespmem:v11+s21+$0x0] =	vst.idx.msk $0xffff, v16;
	s4 =	smov.u32 s23;
	s23 =	sadd.s32 $0x10, s23  }
0x1bb: {  	v13 =	vld.idx.msk [tilespmem:v13+s15+$0x0], $0xffff  }
0x1bc: {  	v16 =	vld.idx.msk [tilespmem:v12+s15+$0x0], $0xffff  }
0x1bd: {  	v17 =	vld.idx.msk [tilespmem:v15+s15+$0x0], $0xffff  }
0x1be: {  	v19 =	vor.u32 v5, v10;
	v18 =	vld.idx.msk [tilespmem:v14+s15+$0x0], $0xffff  }
0x1bf: {  	v20 =	vor.u32 v7, v10  }
0x1c0: {  	v21 =	vor.u32 v8, v10;
	v11 =	vor.u32 v9, v10;
	v12 =	vor.u32 s4, v0  }
.Ltmp11:
0x1c1: {  	v10 =	vand.u32 $0x78, v12;
	v14 =	vshll.u32 v12, $0x6;
	v22 =	vmul.f32 $8.000000000e+00, v13;
	(pc) =	sbr.rel @p0 .LBB2_25-.Ltmp11, $4  }
0x1c2: {  	v12 =	vor.u32 v3, v14;
	v13 =	vor.u32 v2, v14;
	v23 =	vmul.f32 $8.000000000e+00, v16  }
0x1c3: {  	v15 =	vor.u32 v14, v4;
	v14 =	vor.u32 v6, v14;
	v17 =	vmul.f32 $8.000000000e+00, v17;
	[tilespmem:v19+s21+$0x0] =	vst.idx.msk $0xffff, v22  }
0x1c4: {  	v16 =	vmul.f32 $8.000000000e+00, v18;
	[tilespmem:v20+s21+$0x0] =	vst.idx.msk $0xffff, v23  }
0x1c5: {  	[tilespmem:v21+s21+$0x0] =	vst.idx.msk $0xffff, v17  }
0x1c6: {  	_ =	sdelay $0x3  }
0x1c7: {  	[tilespmem:v11+s21+$0x0] =	vst.idx.msk $0xffff, v16  }
0x1c8: {  	v2 =	vld.idx.msk [tilespmem:v13+s15+$0x0], $0xffff  }
0x1c9: {  	v3 =	vld.idx.msk [tilespmem:v12+s15+$0x0], $0xffff  }
0x1ca: {  	v5 =	vor.u32 v5, v10;
	v4 =	vld.idx.msk [tilespmem:v15+s15+$0x0], $0xffff  }
0x1cb: {  	v7 =	vor.u32 v7, v10;
	v6 =	vld.idx.msk [tilespmem:v14+s15+$0x0], $0xffff  }
0x1cc: {  	v8 =	vor.u32 v8, v10;
	s20 =	sadd.s32 $0x1, s20  }
0x1cd: {  	v9 =	vor.u32 v9, v10;
	p0 =	sne.s32 s20, $0x10;
	v2 =	vmul.f32 $8.000000000e+00, v2  }
.Ltmp12:
0x1ce: {  	v3 =	vmul.f32 $8.000000000e+00, v3;
	(pc) =	sbr.rel @p0 .LBB2_24-.Ltmp12, $4  }
0x1cf: {  	v4 =	vmul.f32 $8.000000000e+00, v4;
	[tilespmem:v5+s21+$0x0] =	vst.idx.msk $0xffff, v2  }
0x1d0: {  	v2 =	vmul.f32 $8.000000000e+00, v6;
	[tilespmem:v7+s21+$0x0] =	vst.idx.msk $0xffff, v3  }
0x1d1: {  	[tilespmem:v8+s21+$0x0] =	vst.idx.msk $0xffff, v4  }
0x1d2: {  	[tilespmem:v9+s21+$0x0] =	vst.idx.msk $0xffff, v2  }
0x1d3: {  	s13 =	simm.s32 $0x0;
	s4 =	rddreg [dreg:$0x9]  }
0x1d4: {  	[hbm4b:s4+s13] =	stream.linear.scatter [tilespmem:s21], [sflag:$0x6], $0x400, $0x38;
	[tilespmem:$0x1A400] =	vst v63  }
0x1d5: {  	s23 =	rddreg [dreg:$0xa];
	s20 =	simm.s32 $0x10800  }
0x1d6: {  	[hbm4b:s23+s13] =	stream.linear.scatter [tilespmem:s20], [sflag:$0x6], $0x400, $0x38;
	[tilespmem:$0x1A400] =	vst v63  }
0x1d7: {  	s24 =	rddreg [dreg:$0xb];
	s29 =	simm.s32 $0x10C00  }
0x1d8: {  	[hbm4b:s24+s13] =	stream.linear.scatter [tilespmem:s29], [sflag:$0x6], $0x400, $0x38;
	[tilespmem:$0x1A400] =	vst v63  }
0x1d9: {  	s20 =	rddreg [dreg:$0xc];
	s23 =	simm.s32 $0x11000  }
0x1da: {  	[hbm4b:s20+s13] =	stream.linear.scatter [tilespmem:s23], [sflag:$0x6], $0x400, $0x38;
	[tilespmem:$0x1A400] =	vst v63  }
0x1db: {  	s24 =	rddreg [dreg:$0xd];
	s29 =	simm.s32 $0x11400  }
0x1dc: {  	[hbm4b:s24+s13] =	stream.linear.scatter [tilespmem:s29], [sflag:$0x6], $0x400, $0x38;
	[tilespmem:$0x1A400] =	vst v63  }
0x1dd: {  	s20 =	rddreg [dreg:$0xe];
	s23 =	simm.s32 $0x11800  }
0x1de: {  	[hbm4b:s20+s13] =	stream.linear.scatter [tilespmem:s23], [sflag:$0x6], $0x400, $0x38;
	[tilespmem:$0x1A400] =	vst v63  }
0x1df: {  	s24 =	rddreg [dreg:$0xf];
	s29 =	simm.s32 $0x11C00  }
0x1e0: {  	[hbm4b:s24+s13] =	stream.linear.scatter [tilespmem:s29], [sflag:$0x6], $0x400, $0x38;
	[tilespmem:$0x1A400] =	vst v63  }
0x1e1: {  	s23 =	rddreg [dreg:$0x10];
	s24 =	simm.s32 $0x12000;
	s29 =	simm.s32 $0x2  }
0x1e2: {  	[hbm4b:s23+s13] =	stream.linear.scatter [tilespmem:s24], [sflag:$0x6], $0x400, $0x38;
	[tilespmem:$0x1A400] =	vst v63  }
0x1e3: {  	_ =	swait.ge [sflag:s29], $0x2000  }
0x1e4: {  	[sflag:s29] =	ssyncset.done $0x0  }
0x1e5: {  	s20 =	simm.s32 $0x0;
	[sflag:s29] =	ssyncadd.s32 $0xFFFFE000  }
.LBB2_28:
0x1e6: {  	v5 =	vadd.s32 s20, v0;
	v7 =	vor.u32 s13, v0  }
0x1e7: {  	v2 =	vand.u32 $0xF, v5;
	v9 =	vshll.u32 v7, $0x6  }
0x1e8: {  	v3 =	vor.u32 $0x10, v5;
	v8 =	vor.u32 $0x20, v2;
	v10 =	vor.u32 v2, v9  }
0x1e9: {  	v6 =	vand.u32 $0x7, v5;
	v11 =	vor.u32 v3, v9;
	v4 =	vand.u32 $0x28, v8  }
0x1ea: {  	v4 =	vor.u32 v6, v4  }
0x1eb: {  	v6 =	vor.u32 $0x30, v5;
	v12 =	vor.u32 v9, v4  }
0x1ec: {  	v9 =	vor.u32 v6, v9  }
0x1ed: {  	v5 =	vshll.u32 v2, $0x7;
	v10 =	vld.idx.msk [tilespmem:v10+s16+$0x0], $0xffff  }
0x1ee: {  	v14 =	vand.u32 $0x78, v7;
	v13 =	vshll.u32 v3, $0x7;
	v5 =	vor.u32 v1, v5;
	v11 =	vld.idx.msk [tilespmem:v11+s16+$0x0], $0xffff  }
0x1ef: {  	s4 =	simm.s32 $0x10;
	v7 =	vor.u32 v1, v13;
	v13 =	vor.u32 v5, v14  }
0x1f0: {  	v18 =	vor.u32 s4, v0;
	v8 =	vshll.u32 v8, $0x7;
	v12 =	vld.idx.msk [tilespmem:v12+s16+$0x0], $0xffff  }
0x1f1: {  	v8 =	vor.u32 v1, v8;
	v15 =	vor.u32 v7, v14;
	v16 =	vld.idx.msk [tilespmem:v9+s16+$0x0], $0xffff;
	v9 =	vshll.u32 v6, $0x7  }
0x1f2: {  	v17 =	vor.u32 v8, v14;
	v9 =	vor.u32 v1, v9;
	v10 =	vmul.f32 $8.000000000e+00, v10  }
0x1f3: {  	v19 =	vmul.f32 $8.000000000e+00, v11;
	v11 =	vor.u32 v9, v14;
	v14 =	vshll.u32 v18, $0x6  }
0x1f4: {  	[tilespmem:v13+s22+$0x0] =	vst.idx.msk $0xffff, v10;
	v13 =	vor.u32 v2, v14  }
0x1f5: {  	v20 =	vmul.f32 $8.000000000e+00, v12;
	v12 =	vor.u32 v3, v14  }
0x1f6: {  	[tilespmem:v15+s22+$0x0] =	vst.idx.msk $0xffff, v19;
	v15 =	vor.u32 v14, v4;
	v16 =	vmul.f32 $8.000000000e+00, v16  }
0x1f7: {  	s23 =	simm.s32 $0x20;
	v10 =	vand.u32 $0x78, v18;
	v14 =	vor.u32 v6, v14;
	[tilespmem:v17+s22+$0x0] =	vst.idx.msk $0xffff, v20  }
.LBB2_29:
0x1f8: {  	p0 =	sne.s32 s23, $0x70;
	[tilespmem:v11+s22+$0x0] =	vst.idx.msk $0xffff, v16;
	s4 =	smov.u32 s23;
	s23 =	sadd.s32 $0x10, s23  }
0x1f9: {  	v13 =	vld.idx.msk [tilespmem:v13+s16+$0x0], $0xffff  }
0x1fa: {  	v16 =	vld.idx.msk [tilespmem:v12+s16+$0x0], $0xffff  }
0x1fb: {  	v17 =	vld.idx.msk [tilespmem:v15+s16+$0x0], $0xffff  }
0x1fc: {  	v19 =	vor.u32 v5, v10;
	v18 =	vld.idx.msk [tilespmem:v14+s16+$0x0], $0xffff  }
0x1fd: {  	v20 =	vor.u32 v7, v10  }
0x1fe: {  	v21 =	vor.u32 v8, v10;
	v11 =	vor.u32 v9, v10;
	v12 =	vor.u32 s4, v0  }
.Ltmp13:
0x1ff: {  	v10 =	vand.u32 $0x78, v12;
	v14 =	vshll.u32 v12, $0x6;
	v22 =	vmul.f32 $8.000000000e+00, v13;
	(pc) =	sbr.rel @p0 .LBB2_29-.Ltmp13, $4  }
0x200: {  	v12 =	vor.u32 v3, v14;
	v13 =	vor.u32 v2, v14;
	v23 =	vmul.f32 $8.000000000e+00, v16  }
0x201: {  	v15 =	vor.u32 v14, v4;
	v14 =	vor.u32 v6, v14;
	v17 =	vmul.f32 $8.000000000e+00, v17;
	[tilespmem:v19+s22+$0x0] =	vst.idx.msk $0xffff, v22  }
0x202: {  	v16 =	vmul.f32 $8.000000000e+00, v18;
	[tilespmem:v20+s22+$0x0] =	vst.idx.msk $0xffff, v23  }
0x203: {  	[tilespmem:v21+s22+$0x0] =	vst.idx.msk $0xffff, v17  }
0x204: {  	_ =	sdelay $0x3  }
0x205: {  	[tilespmem:v11+s22+$0x0] =	vst.idx.msk $0xffff, v16  }
0x206: {  	v2 =	vld.idx.msk [tilespmem:v13+s16+$0x0], $0xffff  }
0x207: {  	v3 =	vld.idx.msk [tilespmem:v12+s16+$0x0], $0xffff  }
0x208: {  	v5 =	vor.u32 v5, v10;
	v4 =	vld.idx.msk [tilespmem:v15+s16+$0x0], $0xffff  }
0x209: {  	v7 =	vor.u32 v7, v10;
	v6 =	vld.idx.msk [tilespmem:v14+s16+$0x0], $0xffff  }
0x20a: {  	v8 =	vor.u32 v8, v10;
	s20 =	sadd.s32 $0x1, s20  }
0x20b: {  	v9 =	vor.u32 v9, v10;
	p0 =	sne.s32 s20, $0x10;
	v2 =	vmul.f32 $8.000000000e+00, v2  }
.Ltmp14:
0x20c: {  	v3 =	vmul.f32 $8.000000000e+00, v3;
	(pc) =	sbr.rel @p0 .LBB2_28-.Ltmp14, $4  }
0x20d: {  	v4 =	vmul.f32 $8.000000000e+00, v4;
	[tilespmem:v5+s22+$0x0] =	vst.idx.msk $0xffff, v2  }
0x20e: {  	v2 =	vmul.f32 $8.000000000e+00, v6;
	[tilespmem:v7+s22+$0x0] =	vst.idx.msk $0xffff, v3  }
0x20f: {  	[tilespmem:v8+s22+$0x0] =	vst.idx.msk $0xffff, v4  }
0x210: {  	[tilespmem:v9+s22+$0x0] =	vst.idx.msk $0xffff, v2  }
0x211: {  	s13 =	simm.s32 $0x0;
	s4 =	rddreg [dreg:$0x11]  }
0x212: {  	[hbm4b:s4+s13] =	stream.linear.scatter [tilespmem:s22], [sflag:$0x7], $0x400, $0x38;
	[tilespmem:$0x1A400] =	vst v63  }
0x213: {  	s23 =	rddreg [dreg:$0x12];
	s20 =	simm.s32 $0x12800  }
0x214: {  	[hbm4b:s23+s13] =	stream.linear.scatter [tilespmem:s20], [sflag:$0x7], $0x400, $0x38;
	[tilespmem:$0x1A400] =	vst v63  }
0x215: {  	s24 =	rddreg [dreg:$0x13];
	s29 =	simm.s32 $0x12C00  }
0x216: {  	[hbm4b:s24+s13] =	stream.linear.scatter [tilespmem:s29], [sflag:$0x7], $0x400, $0x38;
	[tilespmem:$0x1A400] =	vst v63  }
0x217: {  	s20 =	rddreg [dreg:$0x14];
	s23 =	simm.s32 $0x13000  }
0x218: {  	[hbm4b:s20+s13] =	stream.linear.scatter [tilespmem:s23], [sflag:$0x7], $0x400, $0x38;
	[tilespmem:$0x1A400] =	vst v63  }
0x219: {  	s24 =	rddreg [dreg:$0x15];
	s29 =	simm.s32 $0x13400  }
0x21a: {  	[hbm4b:s24+s13] =	stream.linear.scatter [tilespmem:s29], [sflag:$0x7], $0x400, $0x38;
	[tilespmem:$0x1A400] =	vst v63  }
0x21b: {  	s20 =	rddreg [dreg:$0x16];
	s23 =	simm.s32 $0x13800  }
0x21c: {  	[hbm4b:s20+s13] =	stream.linear.scatter [tilespmem:s23], [sflag:$0x7], $0x400, $0x38;
	[tilespmem:$0x1A400] =	vst v63  }
0x21d: {  	s24 =	rddreg [dreg:$0x17];
	s29 =	simm.s32 $0x13C00  }
0x21e: {  	[hbm4b:s24+s13] =	stream.linear.scatter [tilespmem:s29], [sflag:$0x7], $0x400, $0x38;
	[tilespmem:$0x1A400] =	vst v63  }
0x21f: {  	s23 =	rddreg [dreg:$0x18];
	s24 =	simm.s32 $0x14000;
	s29 =	simm.s32 $0x3  }
0x220: {  	[hbm4b:s23+s13] =	stream.linear.scatter [tilespmem:s24], [sflag:$0x7], $0x400, $0x38;
	[tilespmem:$0x1A400] =	vst v63  }
0x221: {  	_ =	swait.ge [sflag:s29], $0x2000  }
0x222: {  	[sflag:s29] =	ssyncset.done $0x0  }
0x223: {  	s20 =	simm.s32 $0x0;
	[sflag:s29] =	ssyncadd.s32 $0xFFFFE000  }
.LBB2_32:
0x224: {  	v5 =	vadd.s32 s20, v0;
	v7 =	vor.u32 s13, v0  }
0x225: {  	v2 =	vand.u32 $0xF, v5;
	v9 =	vshll.u32 v7, $0x6  }
0x226: {  	v3 =	vor.u32 $0x10, v5;
	v8 =	vor.u32 $0x20, v2;
	v10 =	vor.u32 v2, v9  }
0x227: {  	v6 =	vand.u32 $0x7, v5;
	v11 =	vor.u32 v3, v9;
	v4 =	vand.u32 $0x28, v8  }
0x228: {  	v4 =	vor.u32 v6, v4  }
0x229: {  	v6 =	vor.u32 $0x30, v5;
	v12 =	vor.u32 v9, v4  }
0x22a: {  	v9 =	vor.u32 v6, v9  }
0x22b: {  	v5 =	vshll.u32 v2, $0x7;
	v10 =	vld.idx.msk [tilespmem:v10+s17+$0x0], $0xffff  }
0x22c: {  	v14 =	vand.u32 $0x78, v7;
	v13 =	vshll.u32 v3, $0x7;
	v5 =	vor.u32 v1, v5;
	v11 =	vld.idx.msk [tilespmem:v11+s17+$0x0], $0xffff  }
0x22d: {  	s4 =	simm.s32 $0x10;
	v7 =	vor.u32 v1, v13;
	v13 =	vor.u32 v5, v14  }
0x22e: {  	v18 =	vor.u32 s4, v0;
	v8 =	vshll.u32 v8, $0x7;
	v12 =	vld.idx.msk [tilespmem:v12+s17+$0x0], $0xffff  }
0x22f: {  	v8 =	vor.u32 v1, v8;
	v15 =	vor.u32 v7, v14;
	v16 =	vld.idx.msk [tilespmem:v9+s17+$0x0], $0xffff;
	v9 =	vshll.u32 v6, $0x7  }
0x230: {  	v17 =	vor.u32 v8, v14;
	v9 =	vor.u32 v1, v9;
	v10 =	vmul.f32 $8.000000000e+00, v10  }
0x231: {  	v19 =	vmul.f32 $8.000000000e+00, v11;
	v11 =	vor.u32 v9, v14;
	v14 =	vshll.u32 v18, $0x6  }
0x232: {  	[tilespmem:v13+s25+$0x0] =	vst.idx.msk $0xffff, v10;
	v13 =	vor.u32 v2, v14  }
0x233: {  	v20 =	vmul.f32 $8.000000000e+00, v12;
	v12 =	vor.u32 v3, v14  }
0x234: {  	[tilespmem:v15+s25+$0x0] =	vst.idx.msk $0xffff, v19;
	v15 =	vor.u32 v14, v4;
	v16 =	vmul.f32 $8.000000000e+00, v16  }
0x235: {  	s23 =	simm.s32 $0x20;
	v10 =	vand.u32 $0x78, v18;
	v14 =	vor.u32 v6, v14;
	[tilespmem:v17+s25+$0x0] =	vst.idx.msk $0xffff, v20  }
.LBB2_33:
0x236: {  	p0 =	sne.s32 s23, $0x70;
	[tilespmem:v11+s25+$0x0] =	vst.idx.msk $0xffff, v16;
	s4 =	smov.u32 s23;
	s23 =	sadd.s32 $0x10, s23  }
0x237: {  	v13 =	vld.idx.msk [tilespmem:v13+s17+$0x0], $0xffff  }
0x238: {  	v16 =	vld.idx.msk [tilespmem:v12+s17+$0x0], $0xffff  }
0x239: {  	v17 =	vld.idx.msk [tilespmem:v15+s17+$0x0], $0xffff  }
0x23a: {  	v19 =	vor.u32 v5, v10;
	v18 =	vld.idx.msk [tilespmem:v14+s17+$0x0], $0xffff  }
0x23b: {  	v20 =	vor.u32 v7, v10  }
0x23c: {  	v21 =	vor.u32 v8, v10;
	v11 =	vor.u32 v9, v10;
	v12 =	vor.u32 s4, v0  }
.Ltmp15:
0x23d: {  	v10 =	vand.u32 $0x78, v12;
	v14 =	vshll.u32 v12, $0x6;
	v22 =	vmul.f32 $8.000000000e+00, v13;
	(pc) =	sbr.rel @p0 .LBB2_33-.Ltmp15, $4  }
0x23e: {  	v12 =	vor.u32 v3, v14;
	v13 =	vor.u32 v2, v14;
	v23 =	vmul.f32 $8.000000000e+00, v16  }
0x23f: {  	v15 =	vor.u32 v14, v4;
	v14 =	vor.u32 v6, v14;
	v17 =	vmul.f32 $8.000000000e+00, v17;
	[tilespmem:v19+s25+$0x0] =	vst.idx.msk $0xffff, v22  }
0x240: {  	v16 =	vmul.f32 $8.000000000e+00, v18;
	[tilespmem:v20+s25+$0x0] =	vst.idx.msk $0xffff, v23  }
0x241: {  	[tilespmem:v21+s25+$0x0] =	vst.idx.msk $0xffff, v17  }
0x242: {  	_ =	sdelay $0x3  }
0x243: {  	[tilespmem:v11+s25+$0x0] =	vst.idx.msk $0xffff, v16  }
0x244: {  	v2 =	vld.idx.msk [tilespmem:v13+s17+$0x0], $0xffff  }
0x245: {  	v3 =	vld.idx.msk [tilespmem:v12+s17+$0x0], $0xffff  }
0x246: {  	v5 =	vor.u32 v5, v10;
	v4 =	vld.idx.msk [tilespmem:v15+s17+$0x0], $0xffff  }
0x247: {  	v7 =	vor.u32 v7, v10;
	v6 =	vld.idx.msk [tilespmem:v14+s17+$0x0], $0xffff  }
0x248: {  	v8 =	vor.u32 v8, v10;
	s20 =	sadd.s32 $0x1, s20  }
0x249: {  	v9 =	vor.u32 v9, v10;
	p0 =	sne.s32 s20, $0x10;
	v2 =	vmul.f32 $8.000000000e+00, v2  }
.Ltmp16:
0x24a: {  	v3 =	vmul.f32 $8.000000000e+00, v3;
	(pc) =	sbr.rel @p0 .LBB2_32-.Ltmp16, $4  }
0x24b: {  	v4 =	vmul.f32 $8.000000000e+00, v4;
	[tilespmem:v5+s25+$0x0] =	vst.idx.msk $0xffff, v2  }
0x24c: {  	v2 =	vmul.f32 $8.000000000e+00, v6;
	[tilespmem:v7+s25+$0x0] =	vst.idx.msk $0xffff, v3  }
0x24d: {  	[tilespmem:v8+s25+$0x0] =	vst.idx.msk $0xffff, v4  }
0x24e: {  	[tilespmem:v9+s25+$0x0] =	vst.idx.msk $0xffff, v2  }
0x24f: {  	s4 =	rddreg [dreg:$0x19]  }
0x250: {  	s13 =	simm.s32 $0x0;
	s23 =	rddreg [dreg:$0x1a]  }
0x251: {  	[hbm4b:s4+s13] =	stream.linear.scatter [tilespmem:s25], [sflag:$0x8], $0x400, $0x38;
	[tilespmem:$0x1A400] =	vst v63  }
0x252: {  	s20 =	simm.s32 $0x14800;
	s24 =	rddreg [dreg:$0x1b]  }
0x253: {  	[hbm4b:s23+s13] =	stream.linear.scatter [tilespmem:s20], [sflag:$0x8], $0x400, $0x38;
	[tilespmem:$0x1A400] =	vst v63  }
0x254: {  	s29 =	simm.s32 $0x14C00;
	s20 =	rddreg [dreg:$0x1c]  }
0x255: {  	[hbm4b:s24+s13] =	stream.linear.scatter [tilespmem:s29], [sflag:$0x8], $0x400, $0x38;
	[tilespmem:$0x1A400] =	vst v63  }
0x256: {  	s23 =	simm.s32 $0x15000;
	s24 =	rddreg [dreg:$0x1d]  }
0x257: {  	[hbm4b:s20+s13] =	stream.linear.scatter [tilespmem:s23], [sflag:$0x8], $0x400, $0x38;
	[tilespmem:$0x1A400] =	vst v63  }
0x258: {  	s29 =	simm.s32 $0x15400;
	s20 =	rddreg [dreg:$0x1e]  }
0x259: {  	[hbm4b:s24+s13] =	stream.linear.scatter [tilespmem:s29], [sflag:$0x8], $0x400, $0x38;
	[tilespmem:$0x1A400] =	vst v63  }
0x25a: {  	s23 =	simm.s32 $0x15800;
	s24 =	rddreg [dreg:$0x1f]  }
0x25b: {  	[hbm4b:s20+s13] =	stream.linear.scatter [tilespmem:s23], [sflag:$0x8], $0x400, $0x38;
	[tilespmem:$0x1A400] =	vst v63  }
0x25c: {  	s29 =	simm.s32 $0x15C00;
	s23 =	sld [smem:$0x7EC]  }
0x25d: {  	[hbm4b:s24+s13] =	stream.linear.scatter [tilespmem:s29], [sflag:$0x8], $0x400, $0x38;
	[tilespmem:$0x1A400] =	vst v63  }
0x25e: {  	s24 =	simm.s32 $0x16000;
	s29 =	simm.s32 $0x4  }
0x25f: {  	[hbm4b:s23+s13] =	stream.linear.scatter [tilespmem:s24], [sflag:$0x8], $0x400, $0x38;
	[tilespmem:$0x1A400] =	vst v63  }
0x260: {  	_ =	swait.ge [sflag:s29], $0x2000  }
0x261: {  	[sflag:s29] =	ssyncset.done $0x0  }
0x262: {  	s20 =	simm.s32 $0x0;
	[sflag:s29] =	ssyncadd.s32 $0xFFFFE000  }
.LBB2_36:
0x263: {  	v5 =	vadd.s32 s20, v0;
	v7 =	vor.u32 s13, v0  }
0x264: {  	v2 =	vand.u32 $0xF, v5;
	v9 =	vshll.u32 v7, $0x6  }
0x265: {  	v3 =	vor.u32 $0x10, v5;
	v8 =	vor.u32 $0x20, v2;
	v10 =	vor.u32 v2, v9  }
0x266: {  	v6 =	vand.u32 $0x7, v5;
	v11 =	vor.u32 v3, v9;
	v4 =	vand.u32 $0x28, v8  }
0x267: {  	v4 =	vor.u32 v6, v4  }
0x268: {  	v6 =	vor.u32 $0x30, v5;
	v12 =	vor.u32 v9, v4  }
0x269: {  	v9 =	vor.u32 v6, v9  }
0x26a: {  	v5 =	vshll.u32 v2, $0x7;
	v10 =	vld.idx.msk [tilespmem:v10+s18+$0x0], $0xffff  }
0x26b: {  	v14 =	vand.u32 $0x78, v7;
	v13 =	vshll.u32 v3, $0x7;
	v5 =	vor.u32 v1, v5;
	v11 =	vld.idx.msk [tilespmem:v11+s18+$0x0], $0xffff  }
0x26c: {  	s4 =	simm.s32 $0x10;
	v7 =	vor.u32 v1, v13;
	v13 =	vor.u32 v5, v14  }
0x26d: {  	v18 =	vor.u32 s4, v0;
	v8 =	vshll.u32 v8, $0x7;
	v12 =	vld.idx.msk [tilespmem:v12+s18+$0x0], $0xffff  }
0x26e: {  	v8 =	vor.u32 v1, v8;
	v15 =	vor.u32 v7, v14;
	v16 =	vld.idx.msk [tilespmem:v9+s18+$0x0], $0xffff;
	v9 =	vshll.u32 v6, $0x7  }
0x26f: {  	v17 =	vor.u32 v8, v14;
	v9 =	vor.u32 v1, v9;
	v10 =	vmul.f32 $8.000000000e+00, v10  }
0x270: {  	v19 =	vmul.f32 $8.000000000e+00, v11;
	v11 =	vor.u32 v9, v14;
	v14 =	vshll.u32 v18, $0x6  }
0x271: {  	[tilespmem:v13+s26+$0x0] =	vst.idx.msk $0xffff, v10;
	v13 =	vor.u32 v2, v14  }
0x272: {  	v20 =	vmul.f32 $8.000000000e+00, v12;
	v12 =	vor.u32 v3, v14  }
0x273: {  	[tilespmem:v15+s26+$0x0] =	vst.idx.msk $0xffff, v19;
	v15 =	vor.u32 v14, v4;
	v16 =	vmul.f32 $8.000000000e+00, v16  }
0x274: {  	s23 =	simm.s32 $0x20;
	v10 =	vand.u32 $0x78, v18;
	v14 =	vor.u32 v6, v14;
	[tilespmem:v17+s26+$0x0] =	vst.idx.msk $0xffff, v20  }
.LBB2_37:
0x275: {  	p0 =	sne.s32 s23, $0x70;
	[tilespmem:v11+s26+$0x0] =	vst.idx.msk $0xffff, v16;
	s4 =	smov.u32 s23;
	s23 =	sadd.s32 $0x10, s23  }
0x276: {  	v13 =	vld.idx.msk [tilespmem:v13+s18+$0x0], $0xffff  }
0x277: {  	v16 =	vld.idx.msk [tilespmem:v12+s18+$0x0], $0xffff  }
0x278: {  	v17 =	vld.idx.msk [tilespmem:v15+s18+$0x0], $0xffff  }
0x279: {  	v19 =	vor.u32 v5, v10;
	v18 =	vld.idx.msk [tilespmem:v14+s18+$0x0], $0xffff  }
0x27a: {  	v20 =	vor.u32 v7, v10  }
0x27b: {  	v21 =	vor.u32 v8, v10;
	v11 =	vor.u32 v9, v10;
	v12 =	vor.u32 s4, v0  }
.Ltmp17:
0x27c: {  	v10 =	vand.u32 $0x78, v12;
	v14 =	vshll.u32 v12, $0x6;
	v22 =	vmul.f32 $8.000000000e+00, v13;
	(pc) =	sbr.rel @p0 .LBB2_37-.Ltmp17, $4  }
0x27d: {  	v12 =	vor.u32 v3, v14;
	v13 =	vor.u32 v2, v14;
	v23 =	vmul.f32 $8.000000000e+00, v16  }
0x27e: {  	v15 =	vor.u32 v14, v4;
	v14 =	vor.u32 v6, v14;
	v17 =	vmul.f32 $8.000000000e+00, v17;
	[tilespmem:v19+s26+$0x0] =	vst.idx.msk $0xffff, v22  }
0x27f: {  	v16 =	vmul.f32 $8.000000000e+00, v18;
	[tilespmem:v20+s26+$0x0] =	vst.idx.msk $0xffff, v23  }
0x280: {  	[tilespmem:v21+s26+$0x0] =	vst.idx.msk $0xffff, v17  }
0x281: {  	_ =	sdelay $0x3  }
0x282: {  	[tilespmem:v11+s26+$0x0] =	vst.idx.msk $0xffff, v16  }
0x283: {  	v2 =	vld.idx.msk [tilespmem:v13+s18+$0x0], $0xffff  }
0x284: {  	v3 =	vld.idx.msk [tilespmem:v12+s18+$0x0], $0xffff  }
0x285: {  	v5 =	vor.u32 v5, v10;
	v4 =	vld.idx.msk [tilespmem:v15+s18+$0x0], $0xffff  }
0x286: {  	v7 =	vor.u32 v7, v10;
	v6 =	vld.idx.msk [tilespmem:v14+s18+$0x0], $0xffff  }
0x287: {  	v8 =	vor.u32 v8, v10;
	s20 =	sadd.s32 $0x1, s20  }
0x288: {  	v9 =	vor.u32 v9, v10;
	p0 =	sne.s32 s20, $0x10;
	v2 =	vmul.f32 $8.000000000e+00, v2  }
.Ltmp18:
0x289: {  	v3 =	vmul.f32 $8.000000000e+00, v3;
	(pc) =	sbr.rel @p0 .LBB2_36-.Ltmp18, $4  }
0x28a: {  	v4 =	vmul.f32 $8.000000000e+00, v4;
	[tilespmem:v5+s26+$0x0] =	vst.idx.msk $0xffff, v2  }
0x28b: {  	v2 =	vmul.f32 $8.000000000e+00, v6;
	[tilespmem:v7+s26+$0x0] =	vst.idx.msk $0xffff, v3  }
0x28c: {  	[tilespmem:v8+s26+$0x0] =	vst.idx.msk $0xffff, v4  }
0x28d: {  	[tilespmem:v9+s26+$0x0] =	vst.idx.msk $0xffff, v2  }
0x28e: {  	s4 =	sld [smem:$0x7ED];
	_ =	sdelay $0x1  }
0x28f: {  	s13 =	simm.s32 $0x0;
	s23 =	sld [smem:$0x7EE]  }
0x290: {  	[hbm4b:s4+s13] =	stream.linear.scatter [tilespmem:s26], [sflag:$0x9], $0x400, $0x38;
	[tilespmem:$0x1A400] =	vst v63  }
0x291: {  	s20 =	simm.s32 $0x16800;
	s24 =	sld [smem:$0x7EF]  }
0x292: {  	[hbm4b:s23+s13] =	stream.linear.scatter [tilespmem:s20], [sflag:$0x9], $0x400, $0x38;
	[tilespmem:$0x1A400] =	vst v63  }
0x293: {  	s29 =	simm.s32 $0x16C00;
	s20 =	sld [smem:$0x7F0]  }
0x294: {  	[hbm4b:s24+s13] =	stream.linear.scatter [tilespmem:s29], [sflag:$0x9], $0x400, $0x38;
	[tilespmem:$0x1A400] =	vst v63  }
0x295: {  	s23 =	simm.s32 $0x17000;
	s24 =	sld [smem:$0x7F1]  }
0x296: {  	[hbm4b:s20+s13] =	stream.linear.scatter [tilespmem:s23], [sflag:$0x9], $0x400, $0x38;
	[tilespmem:$0x1A400] =	vst v63  }
0x297: {  	s29 =	simm.s32 $0x17400;
	s20 =	sld [smem:$0x7F2]  }
0x298: {  	[hbm4b:s24+s13] =	stream.linear.scatter [tilespmem:s29], [sflag:$0x9], $0x400, $0x38;
	[tilespmem:$0x1A400] =	vst v63  }
0x299: {  	s23 =	simm.s32 $0x17800;
	s24 =	sld [smem:$0x7F3]  }
0x29a: {  	[hbm4b:s20+s13] =	stream.linear.scatter [tilespmem:s23], [sflag:$0x9], $0x400, $0x38;
	[tilespmem:$0x1A400] =	vst v63  }
0x29b: {  	s29 =	simm.s32 $0x17C00;
	s23 =	sld [smem:$0x7F4]  }
0x29c: {  	[hbm4b:s24+s13] =	stream.linear.scatter [tilespmem:s29], [sflag:$0x9], $0x400, $0x38;
	[tilespmem:$0x1A400] =	vst v63  }
0x29d: {  	s24 =	simm.s32 $0x18000;
	s29 =	simm.s32 $0x5  }
0x29e: {  	[hbm4b:s23+s13] =	stream.linear.scatter [tilespmem:s24], [sflag:$0x9], $0x400, $0x38;
	[tilespmem:$0x1A400] =	vst v63  }
0x29f: {  	_ =	swait.ge [sflag:s29], $0x2000  }
0x2a0: {  	[sflag:s29] =	ssyncset.done $0x0  }
0x2a1: {  	s20 =	simm.s32 $0x0;
	[sflag:s29] =	ssyncadd.s32 $0xFFFFE000  }
.LBB2_40:
0x2a2: {  	v5 =	vadd.s32 s20, v0;
	v7 =	vor.u32 s13, v0  }
0x2a3: {  	v2 =	vand.u32 $0xF, v5;
	v9 =	vshll.u32 v7, $0x6  }
0x2a4: {  	v3 =	vor.u32 $0x10, v5;
	v8 =	vor.u32 $0x20, v2;
	v10 =	vor.u32 v2, v9  }
0x2a5: {  	v6 =	vand.u32 $0x7, v5;
	v11 =	vor.u32 v3, v9;
	v4 =	vand.u32 $0x28, v8  }
0x2a6: {  	v4 =	vor.u32 v6, v4  }
0x2a7: {  	v6 =	vor.u32 $0x30, v5;
	v12 =	vor.u32 v9, v4  }
0x2a8: {  	v9 =	vor.u32 v6, v9  }
0x2a9: {  	v5 =	vshll.u32 v2, $0x7;
	v10 =	vld.idx.msk [tilespmem:v10+s19+$0x0], $0xffff  }
0x2aa: {  	v14 =	vand.u32 $0x78, v7;
	v13 =	vshll.u32 v3, $0x7;
	v5 =	vor.u32 v1, v5;
	v11 =	vld.idx.msk [tilespmem:v11+s19+$0x0], $0xffff  }
0x2ab: {  	s4 =	simm.s32 $0x10;
	v7 =	vor.u32 v1, v13;
	v13 =	vor.u32 v5, v14  }
0x2ac: {  	v18 =	vor.u32 s4, v0;
	v8 =	vshll.u32 v8, $0x7;
	v12 =	vld.idx.msk [tilespmem:v12+s19+$0x0], $0xffff  }
0x2ad: {  	v8 =	vor.u32 v1, v8;
	v15 =	vor.u32 v7, v14;
	v16 =	vld.idx.msk [tilespmem:v9+s19+$0x0], $0xffff;
	v9 =	vshll.u32 v6, $0x7  }
0x2ae: {  	v17 =	vor.u32 v8, v14;
	v9 =	vor.u32 v1, v9;
	v10 =	vmul.f32 $8.000000000e+00, v10  }
0x2af: {  	v19 =	vmul.f32 $8.000000000e+00, v11;
	v11 =	vor.u32 v9, v14;
	v14 =	vshll.u32 v18, $0x6  }
0x2b0: {  	[tilespmem:v13+s28+$0x0] =	vst.idx.msk $0xffff, v10;
	v13 =	vor.u32 v2, v14  }
0x2b1: {  	v20 =	vmul.f32 $8.000000000e+00, v12;
	v12 =	vor.u32 v3, v14  }
0x2b2: {  	[tilespmem:v15+s28+$0x0] =	vst.idx.msk $0xffff, v19;
	v15 =	vor.u32 v14, v4;
	v16 =	vmul.f32 $8.000000000e+00, v16  }
0x2b3: {  	s23 =	simm.s32 $0x20;
	v10 =	vand.u32 $0x78, v18;
	v14 =	vor.u32 v6, v14;
	[tilespmem:v17+s28+$0x0] =	vst.idx.msk $0xffff, v20  }
.LBB2_41:
0x2b4: {  	p0 =	sne.s32 s23, $0x70;
	[tilespmem:v11+s28+$0x0] =	vst.idx.msk $0xffff, v16;
	s4 =	smov.u32 s23;
	s23 =	sadd.s32 $0x10, s23  }
0x2b5: {  	v13 =	vld.idx.msk [tilespmem:v13+s19+$0x0], $0xffff  }
0x2b6: {  	v16 =	vld.idx.msk [tilespmem:v12+s19+$0x0], $0xffff  }
0x2b7: {  	v17 =	vld.idx.msk [tilespmem:v15+s19+$0x0], $0xffff  }
0x2b8: {  	v19 =	vor.u32 v5, v10;
	v18 =	vld.idx.msk [tilespmem:v14+s19+$0x0], $0xffff  }
0x2b9: {  	v20 =	vor.u32 v7, v10  }
0x2ba: {  	v21 =	vor.u32 v8, v10;
	v11 =	vor.u32 v9, v10;
	v12 =	vor.u32 s4, v0  }
.Ltmp19:
0x2bb: {  	v10 =	vand.u32 $0x78, v12;
	v14 =	vshll.u32 v12, $0x6;
	v22 =	vmul.f32 $8.000000000e+00, v13;
	(pc) =	sbr.rel @p0 .LBB2_41-.Ltmp19, $4  }
0x2bc: {  	v12 =	vor.u32 v3, v14;
	v13 =	vor.u32 v2, v14;
	v23 =	vmul.f32 $8.000000000e+00, v16  }
0x2bd: {  	v15 =	vor.u32 v14, v4;
	v14 =	vor.u32 v6, v14;
	v17 =	vmul.f32 $8.000000000e+00, v17;
	[tilespmem:v19+s28+$0x0] =	vst.idx.msk $0xffff, v22  }
0x2be: {  	v16 =	vmul.f32 $8.000000000e+00, v18;
	[tilespmem:v20+s28+$0x0] =	vst.idx.msk $0xffff, v23  }
0x2bf: {  	[tilespmem:v21+s28+$0x0] =	vst.idx.msk $0xffff, v17  }
0x2c0: {  	_ =	sdelay $0x3  }
0x2c1: {  	[tilespmem:v11+s28+$0x0] =	vst.idx.msk $0xffff, v16  }
0x2c2: {  	v2 =	vld.idx.msk [tilespmem:v13+s19+$0x0], $0xffff  }
0x2c3: {  	v3 =	vld.idx.msk [tilespmem:v12+s19+$0x0], $0xffff  }
0x2c4: {  	v5 =	vor.u32 v5, v10;
	v4 =	vld.idx.msk [tilespmem:v15+s19+$0x0], $0xffff  }
0x2c5: {  	v7 =	vor.u32 v7, v10;
	v6 =	vld.idx.msk [tilespmem:v14+s19+$0x0], $0xffff  }
0x2c6: {  	v8 =	vor.u32 v8, v10;
	s20 =	sadd.s32 $0x1, s20  }
0x2c7: {  	v9 =	vor.u32 v9, v10;
	p0 =	sne.s32 s20, $0x10;
	v2 =	vmul.f32 $8.000000000e+00, v2  }
.Ltmp20:
0x2c8: {  	v3 =	vmul.f32 $8.000000000e+00, v3;
	(pc) =	sbr.rel @p0 .LBB2_40-.Ltmp20, $4  }
0x2c9: {  	v4 =	vmul.f32 $8.000000000e+00, v4;
	[tilespmem:v5+s28+$0x0] =	vst.idx.msk $0xffff, v2  }
0x2ca: {  	v2 =	vmul.f32 $8.000000000e+00, v6;
	[tilespmem:v7+s28+$0x0] =	vst.idx.msk $0xffff, v3  }
0x2cb: {  	[tilespmem:v8+s28+$0x0] =	vst.idx.msk $0xffff, v4  }
0x2cc: {  	[tilespmem:v9+s28+$0x0] =	vst.idx.msk $0xffff, v2  }
0x2cd: {  	s4 =	sld [smem:$0x7F5];
	_ =	sdelay $0x1  }
0x2ce: {  	s23 =	sld [smem:$0x7F6]  }
0x2cf: {  	[hbm4b:s4+s3] =	stream.linear.scatter [tilespmem:s28], [sflag:$0xA], $0x400, $0x38;
	[tilespmem:$0x1A400] =	vst v63  }
0x2d0: {  	s13 =	simm.s32 $0x18800;
	s24 =	sld [smem:$0x7F7]  }
0x2d1: {  	[hbm4b:s23+s3] =	stream.linear.scatter [tilespmem:s13], [sflag:$0xA], $0x400, $0x38;
	[tilespmem:$0x1A400] =	vst v63  }
0x2d2: {  	s29 =	simm.s32 $0x18C00;
	s20 =	sld [smem:$0x7F8]  }
0x2d3: {  	[hbm4b:s24+s3] =	stream.linear.scatter [tilespmem:s29], [sflag:$0xA], $0x400, $0x38;
	[tilespmem:$0x1A400] =	vst v63  }
0x2d4: {  	s23 =	simm.s32 $0x19000;
	s24 =	sld [smem:$0x7F9]  }
0x2d5: {  	[hbm4b:s20+s3] =	stream.linear.scatter [tilespmem:s23], [sflag:$0xA], $0x400, $0x38;
	[tilespmem:$0x1A400] =	vst v63  }
0x2d6: {  	s29 =	simm.s32 $0x19400;
	s20 =	sld [smem:$0x7FA]  }
0x2d7: {  	[hbm4b:s24+s3] =	stream.linear.scatter [tilespmem:s29], [sflag:$0xA], $0x400, $0x38;
	[tilespmem:$0x1A400] =	vst v63  }
0x2d8: {  	s23 =	simm.s32 $0x19800;
	s24 =	sld [smem:$0x7FB]  }
0x2d9: {  	[hbm4b:s20+s3] =	stream.linear.scatter [tilespmem:s23], [sflag:$0xA], $0x400, $0x38;
	[tilespmem:$0x1A400] =	vst v63  }
0x2da: {  	s13 =	sld [smem:$0x7FC];
	s29 =	simm.s32 $0x19C00  }
0x2db: {  	[hbm4b:s24+s3] =	stream.linear.scatter [tilespmem:s29], [sflag:$0xA], $0x400, $0x38;
	[tilespmem:$0x1A400] =	vst v63  }
0x2dc: {  	s20 =	simm.s32 $0x1A000;
	s23 =	simm.s32 $0x6  }
0x2dd: {  	[hbm4b:s13+s3] =	stream.linear.scatter [tilespmem:s20], [sflag:$0xA], $0x400, $0x38;
	[tilespmem:$0x1A400] =	vst v63  }
0x2de: {  	_ =	swait.ge [sflag:s23], $0x2000  }
0x2df: {  	[sflag:s23] =	ssyncset.done $0x0  }
0x2e0: {  	[sflag:s23] =	ssyncadd.s32 $0xFFFFE000  }
0x2e1: {  	_ =	swait.ge [sflag:s7], $0x2000  }
0x2e2: {  	[sflag:s7] =	ssyncset.done $0x0  }
0x2e3: {  	[sflag:s7] =	ssyncadd.s32 $0xFFFFE000  }
0x2e4: {  	_ =	swait.ge [sflag:s8], $0x2000  }
0x2e5: {  	[sflag:s8] =	ssyncset.done $0x0  }
0x2e6: {  	[sflag:s8] =	ssyncadd.s32 $0xFFFFE000  }
0x2e7: {  	_ =	swait.ge [sflag:s9], $0x2000  }
0x2e8: {  	[sflag:s9] =	ssyncset.done $0x0  }
0x2e9: {  	[sflag:s9] =	ssyncadd.s32 $0xFFFFE000  }
0x2ea: {  	_ =	swait.ge [sflag:s10], $0x2000  }
0x2eb: {  	s24 =	sld [smem:$0x7EB]  }
0x2ec: {  	s29 =	sld [smem:$0x7FD];
	_ =	sdelay $0x1  }
0x2ed: {  	s13 =	sadd.s32 $0x1, s24  }
0x2ee: {  	p0 =	sne.s32 s13, s29  }
.Ltmp21:
0x2ef: {  	_ = 	snop;
	(pc) =	sbr.rel @p0 .LBB2_1-.Ltmp21, $3  }
0x2f0: {  	_ =	sdelay $0x1  }
0x2f1: {  	[sflag:s10] =	ssyncset.done $0x0  }
0x2f2: {  	[sflag:s10] =	ssyncadd.s32 $0xFFFFE000  }
0x2f3: {  	_ =	sfence.sel $0x180000  }
0x2f4: {  	[bflag:$0x0] =	sbarrier.arrive $0xFFFF  }
0x2f5: {  	_ =	strace $0x90000047  }
0x2f6: {  	s0 =	stileid.u32;
	[bflag:$0x2] =	sbarrier.arrive $0xFFFF  }
0x2f7: {  	p0 =	sne.s32 s0, $0x0;
	s0 =	rddreg [dreg:$0x2]  }
0x2f8: {  	s0 =	sadd.s32 @!p0 $0x100000, s0  }
0x2f9: {  	[sflag:s0] =	ssyncadd.tile.s32 @!p0 $0x1;
	_ =	shalt  }
.Lfunc_end2:
_tile_overlayer_lowered:
.L_overlay_start_2:
0x2fa: {  	(tag) =	ssettag $0x2  }
0x2fb: {  	s0 =	rddreg [dreg:$0x0];
	s2 =	stileid.u32  }
0x2fc: {  	s1 =	rddreg [dreg:$0x1];
	p0 =	sne.s32 s2, $0x0  }
0x2fd: {  	s3 =	rddreg [dreg:$0x2];
	[bflag:$0x3] =	sbarrier.arrive $0xFFFF;
	s2 =	simm.s32 @!p0 $0x1C0B  }
0x2fe: {  	[timem:s3], [sflag:s2] =	dma.local @!p0 [hbm:s0], s1  }
0x2ff: {  	s0 =	simm.s32 @!p0 $0xB  }
0x300: {  	_ =	swait.ge @!p0 [sflag:s0], s1  }
0x301: {  	s1 =	ssub.s32 @!p0 $0x0, s1;
	[sflag:s0] =	ssyncset.done @!p0 $0x0  }
0x302: {  	[sflag:s0] =	ssyncadd.s32 @!p0 s1  }
0x303: {  	[bflag:$0x3] =	sbarrier.arrive $0xFFFF  }
0x304: {  	_ =	shalt  }

</sc_bundles>
